<compile_context>
chip_gen: v7x
topology: tpu7x:2x2x1
jax: 0.10.2.dev20260603
libtpu: 0.0.44.dev20260713+nightly
codegen_flags: <defaults>
</compile_context>

<pallas_src>
import functools

import jax
import jax.numpy as jnp
from jax import lax
from jax.experimental import pallas as pl
from jax.experimental.pallas import tpu as pltpu
from jax.experimental.pallas import tpu_sc as plsc

PAD = 0
B, N, S = 128, 32, 2048
NC, NS, L = 2, 16, 16
NW = NC * NS
BPW = B // NW

_mesh = plsc.VectorSubcoreMesh(core_axis_name="c", subcore_axis_name="s")


@functools.partial(
    pl.kernel,
    out_type=[
        jax.ShapeDtypeStruct((B, S), jnp.int32),
        jax.ShapeDtypeStruct((NW, L), jnp.int32),
        jax.ShapeDtypeStruct((NW, BPW, 2, L), jnp.float32),
    ],
    mesh=_mesh,
    compiler_params=pltpu.CompilerParams(needs_layout_passes=False),
    scratch_types=[
        pltpu.VMEM((BPW, 2, L), jnp.float32),
        pltpu.VMEM((BPW, 2, L), jnp.float32),
        pltpu.VMEM((BPW, S), jnp.int32),
        pltpu.VMEM((L,), jnp.int32),
        pltpu.SemaphoreType.DMA,
        pltpu.SemaphoreType.DMA,
    ],
)
def _sc_body(cand_hbm, scores_hbm, out_hbm, len_hbm, sorted_hbm,
             srows, sortrows, rows, lenv, sem, ssem):
    wid = lax.axis_index("s") * NC + lax.axis_index("c")
    i0 = lax.iota(jnp.int32, L)
    i1 = i0 + L
    z = jnp.zeros((L,), jnp.int32)

    pltpu.sync_copy(scores_hbm.at[wid], srows)

    row_copies = []
    for k in range(BPW):
        b = wid * BPW + k
        s0 = srows[k, 0]
        s1 = srows[k, 1]

        def rank_step(j, carry, k=k, s0=s0, s1=s1):
            r0, r1 = carry
            bj = plsc.load_gather(
                srows,
                [jnp.full((L,), k, jnp.int32), jnp.full((L,), j // L, jnp.int32),
                 jnp.full((L,), j % L, jnp.int32)],
            )
            hit0 = (bj > s0) | ((bj == s0) & (j < i0))
            hit1 = (bj > s1) | ((bj == s1) & (j < i1))
            return (r0 + jnp.where(hit0, 1, 0), r1 + jnp.where(hit1, 1, 0))

        r0, r1 = lax.fori_loop(0, N, rank_step, (z, z), unroll=4)

        best = jnp.sum(jnp.where(r0 == 0, i0, 0)) + jnp.sum(jnp.where(r1 == 0, i1, 0))
        row_copies.append(pltpu.async_copy(cand_hbm.at[b * N + best], rows.at[k], sem))

        kv = jnp.full((L,), k, jnp.int32)
        plsc.store_scatter(sortrows, [kv, r0 // L, r0 % L], s0)
        plsc.store_scatter(sortrows, [kv, r1 // L, r1 % L], s1)

    sorted_copy = pltpu.async_copy(sortrows, sorted_hbm.at[wid], ssem)

    for k in range(BPW):
        row_copies[k].wait()
    out_copy = pltpu.async_copy(rows, out_hbm.at[pl.ds(wid * BPW, BPW)], sem)

    cnts = z
    for k in range(BPW):
        def cnt_step(t, accs, k=k):
            new = []
            for u in range(4):
                chunk = rows[k, pl.ds((t * 4 + u) * L, L)]
                new.append(accs[u] + jnp.where(chunk != PAD, 1, 0))
            return tuple(new)

        accs = lax.fori_loop(0, S // L // 4, cnt_step, (z, z, z, z), unroll=2)
        c = jnp.sum(accs[0] + accs[1] + accs[2] + accs[3])
        cnts = jnp.where(i0 == k, c, cnts)

    lenv[...] = cnts
    pltpu.sync_copy(lenv, len_hbm.at[wid])
    out_copy.wait()
    sorted_copy.wait()


def kernel(candidates, lengths, batch, tgt_field, scores):
    del lengths, batch, tgt_field
    cand_flat = candidates.reshape(B * N, S)
    scores2 = scores.reshape(NW, BPW, 2, L)
    output, len_pad, sorted4 = _sc_body(cand_flat, scores2)
    out_lengths = len_pad[:, :BPW].reshape(B)
    sorted_scores = sorted4.reshape(B, N)
    return (output, out_lengths, sorted_scores)

# --- scband reference (transcript-rebuilt; emitter-appended) ---
"""Pipeline reference for scband-backtranslate-reranker-19430432047665 (READ-ONLY COPY).

The authoritative reference and input builder live on the scoring server;
editing this copy changes nothing except your own understanding.
"""

import jax, jax.numpy as jnp
import numpy as np

PAD_ID = 0

def setup_inputs(seed: int = 0) -> dict:
    key = jax.random.key(seed)
    k1, k2, k3 = jax.random.split(key, 3)
    B, N, S = 128, 32, 2048
    candidates = jax.random.randint(k1, (B, N, S), 0, 32000)
    lengths = jax.random.randint(k2, (B, N), 1, 2048)
    batch = jnp.zeros((1,), jnp.float32)
    tgt_field = 0
    scores = jax.random.normal(k3, (B, N), dtype=jnp.float32)
    return {"candidates": candidates, "lengths": lengths, "batch": batch, "tgt_field": tgt_field, "scores": scores}

def reference(candidates, lengths, batch, tgt_field, scores):
    # torch.sort(scores, descending=True) -> sorted_scores, sorted_indices
    sorted_indices = jnp.argsort(-scores, axis=1)
    sorted_scores = jnp.take_along_axis(scores, sorted_indices, axis=1)
    # torch.gather(candidates, 1, sorted_indices.unsqueeze(-1).expand(-1, -1, S))
    idx = jnp.broadcast_to(sorted_indices[:, :, None], candidates.shape)
    sorted_seqs = jnp.take_along_axis(candidates, idx, axis=1)
    # top1=True path
    output = sorted_seqs[:, 0, :]
    out_lengths = jnp.sum(output != PAD_ID, axis=-1)
    return (output, out_lengths, sorted_scores)

if __name__ == "__main__":
    import jax
    _d = setup_inputs()
    print(jax.jit(kernel)(*tuple(_d.values())))

</pallas_src>

<mosaic_0001>
#map = affine_map<(d0, d1) -> (0, 0)>
#map1 = affine_map<(d0, d1) -> (0, 0, 0, 0)>
module attributes {stable_mosaic.version = 14 : i64} {
  func.func @_sc_body(%arg0: i32, %arg1: i32, %arg2: memref<4096x2048xi32, #tpu.memory_space<hbm>>, %arg3: memref<32x4x2x16xf32, #tpu.memory_space<hbm>>, %arg4: memref<128x2048xi32, #tpu.memory_space<hbm>>, %arg5: memref<32x16xi32, #tpu.memory_space<hbm>>, %arg6: memref<32x4x2x16xf32, #tpu.memory_space<hbm>>, %arg7: memref<4x2x16xf32, #tpu.memory_space<vmem>>, %arg8: memref<4x2x16xf32, #tpu.memory_space<vmem>>, %arg9: memref<4x2048xi32, #tpu.memory_space<vmem>>, %arg10: memref<16xi32, #tpu.memory_space<vmem>>, %arg11: memref<!tpu.dma_semaphore, #tpu.memory_space<semaphore_mem>>, %arg12: memref<!tpu.dma_semaphore, #tpu.memory_space<semaphore_mem>>) attributes {dimension_semantics = [#tpu.dimension_semantics<core_parallel>, #tpu.dimension_semantics<subcore_parallel>], iteration_bounds = array<i64: 2, 16>, scalar_prefetch = 0 : i64, scratch_operands = 6 : i64, tpu.core_type = #tpu.core_type<sc_vector_subcore>, window_params = [{transform_indices = #map}, {transform_indices = #map1}, {transform_indices = #map}, {transform_indices = #map}, {transform_indices = #map1}]} {
    %mul3A = arith.constant 2 : i32
    %mul3A_0 = arith.muli %arg1, %mul3A : i32
    %add3A = arith.addi %mul3A_0, %arg0 : i32
    %iota3A = tpu.iota {dimensions = array<i32: 0>} : vector<16xi32>
    %add3A_1 = arith.constant 16 : i32
    %add3A_2 = vector.broadcast %add3A_1 : i32 to vector<16xi32>
    %add3A_3 = arith.addi %iota3A, %add3A_2 : vector<16xi32>
    %broadcast_in_dim3A = arith.constant 0 : i32
    %broadcast_in_dim3A_4 = vector.broadcast %broadcast_in_dim3A : i32 to vector<16xi32>
    "tpu.region"() ({
      %run_scoped3A = tpu.sem_alloc : memref<!tpu.dma_semaphore, #tpu.memory_space<semaphore_mem>>
      %dma_start3A_813 = arith.constant 0 : i32
      %dma_start3A_814 = arith.constant 0 : i32
      %dma_start3A_815 = arith.constant 0 : i32
      %dma_start3A_816 = tpu.memref_slice %arg3[%add3A, %dma_start3A_813, %dma_start3A_814, %dma_start3A_815] : memref<32x4x2x16xf32, #tpu.memory_space<hbm>> -> memref<1x4x2x16xf32, #tpu.memory_space<hbm>>
      %dma_start3A_817 = tpu.memref_squeeze %dma_start3A_816 : memref<1x4x2x16xf32, #tpu.memory_space<hbm>> -> memref<4x2x16xf32, #tpu.memory_space<hbm>>
      %dma_start3A_818 = arith.constant 0 : i32
      %dma_start3A_819 = arith.constant 0 : i32
      %dma_start3A_820 = arith.constant 0 : i32
      %dma_start3A_821 = tpu.memref_slice %arg3[%add3A, %dma_start3A_818, %dma_start3A_819, %dma_start3A_820] : memref<32x4x2x16xf32, #tpu.memory_space<hbm>> -> memref<1x4x2x16xf32, #tpu.memory_space<hbm>>
      %dma_start3A_822 = tpu.memref_squeeze %dma_start3A_821 : memref<1x4x2x16xf32, #tpu.memory_space<hbm>> -> memref<4x2x16xf32, #tpu.memory_space<hbm>>
      tpu.enqueue_dma source(%dma_start3A_822 : memref<4x2x16xf32, #tpu.memory_space<hbm>>) target(%arg7 : memref<4x2x16xf32, #tpu.memory_space<vmem>>) target_semaphore(%run_scoped3A : memref<!tpu.dma_semaphore, #tpu.memory_space<semaphore_mem>>)
      %dma_wait3A_823 = arith.constant 0 : i32
      %dma_wait3A_824 = arith.constant 0 : i32
      %dma_wait3A_825 = arith.constant 0 : i32
      %dma_wait3A_826 = tpu.memref_slice %arg3[%add3A, %dma_wait3A_823, %dma_wait3A_824, %dma_wait3A_825] : memref<32x4x2x16xf32, #tpu.memory_space<hbm>> -> memref<1x4x2x16xf32, #tpu.memory_space<hbm>>
      %dma_wait3A_827 = tpu.memref_squeeze %dma_wait3A_826 : memref<1x4x2x16xf32, #tpu.memory_space<hbm>> -> memref<4x2x16xf32, #tpu.memory_space<hbm>>
      %dma_wait3A_828 = arith.constant 0 : i32
      %dma_wait3A_829 = arith.constant 0 : i32
      %dma_wait3A_830 = arith.constant 0 : i32
      %dma_wait3A_831 = tpu.memref_slice %arg3[%add3A, %dma_wait3A_828, %dma_wait3A_829, %dma_wait3A_830] : memref<32x4x2x16xf32, #tpu.memory_space<hbm>> -> memref<1x4x2x16xf32, #tpu.memory_space<hbm>>
      %dma_wait3A_832 = tpu.memref_squeeze %dma_wait3A_831 : memref<1x4x2x16xf32, #tpu.memory_space<hbm>> -> memref<4x2x16xf32, #tpu.memory_space<hbm>>
      tpu.wait_dma2 semaphore(%run_scoped3A : memref<!tpu.dma_semaphore, #tpu.memory_space<semaphore_mem>>) src(%dma_wait3A_832 : memref<4x2x16xf32, #tpu.memory_space<hbm>>) dst(%arg7 : memref<4x2x16xf32, #tpu.memory_space<vmem>>)
      tpu.yield
    }) : () -> ()
    %mul3A_5 = arith.constant 4 : i32
    %mul3A_6 = arith.muli %add3A, %mul3A_5 : i32
    %add3A_7 = arith.constant 0 : i32
    %add3A_8 = arith.addi %mul3A_6, %add3A_7 : i32
    %get3A = arith.constant 0 : i32
    %get3A_9 = arith.constant 0 : i32
    %get3A_10 = arith.index_cast %get3A : i32 to index
    %get3A_11 = arith.index_cast %get3A_9 : i32 to index
    %get3A_12 = arith.constant 0 : index
    %get3A_13 = tpu.vector_load %arg7[%get3A_10, %get3A_11, %get3A_12] {strides = array<i32>} : memref<4x2x16xf32, #tpu.memory_space<vmem>>, vector<16xf32>,
    %get3A_14 = arith.constant 0 : i32
    %get3A_15 = arith.constant 1 : i32
    %get3A_16 = arith.index_cast %get3A_14 : i32 to index
    %get3A_17 = arith.index_cast %get3A_15 : i32 to index
    %get3A_18 = arith.constant 0 : index
    %get3A_19 = tpu.vector_load %arg7[%get3A_16, %get3A_17, %get3A_18] {strides = array<i32>} : memref<4x2x16xf32, #tpu.memory_space<vmem>>, vector<16xf32>,
    %scan3A = arith.constant 0 : i32
    %scan3A_20 = arith.constant 32 : i32
    %scan3A_21 = arith.addi %scan3A, %scan3A_20 : i32
    %scan3A_22 = arith.constant 4 : i32
    %scan3A_23:2 = scf.for %scan3A_813 = %scan3A to %scan3A_21 step %scan3A_22 iter_args(%scan3A_814 = %broadcast_in_dim3A_4, %scan3A_815 = %broadcast_in_dim3A_4) -> (vector<16xi32>, vector<16xi32>)  : i32 {
      %broadcast_in_dim3A_816 = arith.constant 0 : i32
      %broadcast_in_dim3A_817 = vector.broadcast %broadcast_in_dim3A_816 : i32 to vector<16xi32>
      %jit3A_818 = arith.constant 16 : i32
      %div3A_819 = arith.divsi %scan3A_813, %jit3A_818 : i32
      %sign3A_820 = arith.constant 0 : i32
      %sign3A_821 = arith.cmpi sgt, %scan3A_813, %sign3A_820 : i32
      %sign3A_822 = arith.extui %sign3A_821 : i1 to i32
      %sign3A_823 = arith.constant 0 : i32
      %sign3A_824 = arith.cmpi slt, %scan3A_813, %sign3A_823 : i32
      %sign3A_825 = arith.extui %sign3A_824 : i1 to i32
      %sign3A_826 = arith.subi %sign3A_822, %sign3A_825 : i32
      %sign3A_827 = arith.constant 0 : i32
      %sign3A_828 = arith.cmpi sgt, %jit3A_818, %sign3A_827 : i32
      %sign3A_829 = arith.extui %sign3A_828 : i1 to i32
      %sign3A_830 = arith.constant 0 : i32
      %sign3A_831 = arith.cmpi slt, %jit3A_818, %sign3A_830 : i32
      %sign3A_832 = arith.extui %sign3A_831 : i1 to i32
      %sign3A_833 = arith.subi %sign3A_829, %sign3A_832 : i32
      %ne3A_834 = arith.cmpi ne, %sign3A_826, %sign3A_833 : i32
      %rem3A_835 = arith.remsi %scan3A_813, %jit3A_818 : i32
      %ne3A_836 = arith.constant 0 : i32
      %ne3A_837 = arith.cmpi ne, %rem3A_835, %ne3A_836 : i32
      %and3A_838 = arith.andi %ne3A_834, %ne3A_837 : i1
      %sub3A_839 = arith.constant 1 : i32
      %sub3A_840 = arith.subi %div3A_819, %sub3A_839 : i32
      %select_n3A_841 = arith.select %and3A_838, %sub3A_840, %div3A_819 : i32
      %broadcast_in_dim3A_842 = vector.broadcast %select_n3A_841 : i32 to vector<16xi32>
      %jit3A_843 = arith.constant 16 : i32
      %eq3A_844 = arith.constant 0 : i32
      %eq3A_845 = arith.cmpi eq, %jit3A_843, %eq3A_844 : i32
      %jit3A_846 = arith.constant 1 : i32
      %select_n3A_847 = arith.select %eq3A_845, %jit3A_846, %jit3A_843 : i32
      %rem3A_848 = arith.remsi %scan3A_813, %select_n3A_847 : i32
      %ne3A_849 = arith.constant 0 : i32
      %ne3A_850 = arith.cmpi ne, %rem3A_848, %ne3A_849 : i32
      %lt3A_851 = arith.constant 0 : i32
      %lt3A_852 = arith.cmpi slt, %rem3A_848, %lt3A_851 : i32
      %lt3A_853 = arith.constant 0 : i32
      %lt3A_854 = arith.cmpi slt, %select_n3A_847, %lt3A_853 : i32
      %ne3A_855 = arith.xori %lt3A_852, %lt3A_854 : i1
      %and3A_856 = arith.andi %ne3A_855, %ne3A_850 : i1
      %add3A_857 = arith.addi %rem3A_848, %select_n3A_847 : i32
      %select_n3A_858 = arith.select %and3A_856, %add3A_857, %rem3A_848 : i32
      %broadcast_in_dim3A_859 = vector.broadcast %select_n3A_858 : i32 to vector<16xi32>
      %gather3A = tpu.vector_load_idx %arg7[%broadcast_in_dim3A_817, %broadcast_in_dim3A_842, %broadcast_in_dim3A_859] : memref<4x2x16xf32, #tpu.memory_space<vmem>>[vector<16xi32>, vector<16xi32>, vector<16xi32>], vector<16xf32>,
      %gt3A = arith.cmpf ogt, %gather3A, %get3A_13 : vector<16xf32>
      %eq3A_860 = arith.cmpf oeq, %gather3A, %get3A_13 : vector<16xf32>
      %lt3A_861 = vector.broadcast %scan3A_813 : i32 to vector<16xi32>
      %lt3A_862 = arith.cmpi slt, %lt3A_861, %iota3A : vector<16xi32>
      %and3A_863 = arith.andi %eq3A_860, %lt3A_862 : vector<16xi1>
      %or3A = arith.ori %gt3A, %and3A_863 : vector<16xi1>
      %gt3A_864 = arith.cmpf ogt, %gather3A, %get3A_19 : vector<16xf32>
      %eq3A_865 = arith.cmpf oeq, %gather3A, %get3A_19 : vector<16xf32>
      %lt3A_866 = vector.broadcast %scan3A_813 : i32 to vector<16xi32>
      %lt3A_867 = arith.cmpi slt, %lt3A_866, %add3A_3 : vector<16xi32>
      %and3A_868 = arith.andi %eq3A_865, %lt3A_867 : vector<16xi1>
      %or3A_869 = arith.ori %gt3A_864, %and3A_868 : vector<16xi1>
      %jit3A_870 = arith.constant 1 : i32
      %jit3A_871 = arith.constant 0 : i32
      %broadcast_in_dim3A_872 = vector.broadcast %jit3A_870 : i32 to vector<16xi32>
      %broadcast_in_dim3A_873 = vector.broadcast %jit3A_871 : i32 to vector<16xi32>
      %select_n3A_874 = arith.select %or3A, %broadcast_in_dim3A_872, %broadcast_in_dim3A_873 : vector<16xi1>, vector<16xi32>
      %add3A_875 = arith.addi %scan3A_814, %select_n3A_874 : vector<16xi32>
      %jit3A_876 = arith.constant 1 : i32
      %jit3A_877 = arith.constant 0 : i32
      %broadcast_in_dim3A_878 = vector.broadcast %jit3A_876 : i32 to vector<16xi32>
      %broadcast_in_dim3A_879 = vector.broadcast %jit3A_877 : i32 to vector<16xi32>
      %select_n3A_880 = arith.select %or3A_869, %broadcast_in_dim3A_878, %broadcast_in_dim3A_879 : vector<16xi1>, vector<16xi32>
      %add3A_881 = arith.addi %scan3A_815, %select_n3A_880 : vector<16xi32>
      %scan3A_882 = arith.constant 1 : i32
      %scan3A_883 = arith.addi %scan3A_813, %scan3A_882 : i32
      %broadcast_in_dim3A_884 = arith.constant 0 : i32
      %broadcast_in_dim3A_885 = vector.broadcast %broadcast_in_dim3A_884 : i32 to vector<16xi32>
      %jit3A_886 = arith.constant 16 : i32
      %div3A_887 = arith.divsi %scan3A_883, %jit3A_886 : i32
      %sign3A_888 = arith.constant 0 : i32
      %sign3A_889 = arith.cmpi sgt, %scan3A_883, %sign3A_888 : i32
      %sign3A_890 = arith.extui %sign3A_889 : i1 to i32
      %sign3A_891 = arith.constant 0 : i32
      %sign3A_892 = arith.cmpi slt, %scan3A_883, %sign3A_891 : i32
      %sign3A_893 = arith.extui %sign3A_892 : i1 to i32
      %sign3A_894 = arith.subi %sign3A_890, %sign3A_893 : i32
      %sign3A_895 = arith.constant 0 : i32
      %sign3A_896 = arith.cmpi sgt, %jit3A_886, %sign3A_895 : i32
      %sign3A_897 = arith.extui %sign3A_896 : i1 to i32
      %sign3A_898 = arith.constant 0 : i32
      %sign3A_899 = arith.cmpi slt, %jit3A_886, %sign3A_898 : i32
      %sign3A_900 = arith.extui %sign3A_899 : i1 to i32
      %sign3A_901 = arith.subi %sign3A_897, %sign3A_900 : i32
      %ne3A_902 = arith.cmpi ne, %sign3A_894, %sign3A_901 : i32
      %rem3A_903 = arith.remsi %scan3A_883, %jit3A_886 : i32
      %ne3A_904 = arith.constant 0 : i32
      %ne3A_905 = arith.cmpi ne, %rem3A_903, %ne3A_904 : i32
      %and3A_906 = arith.andi %ne3A_902, %ne3A_905 : i1
      %sub3A_907 = arith.constant 1 : i32
      %sub3A_908 = arith.subi %div3A_887, %sub3A_907 : i32
      %select_n3A_909 = arith.select %and3A_906, %sub3A_908, %div3A_887 : i32
      %broadcast_in_dim3A_910 = vector.broadcast %select_n3A_909 : i32 to vector<16xi32>
      %jit3A_911 = arith.constant 16 : i32
      %eq3A_912 = arith.constant 0 : i32
      %eq3A_913 = arith.cmpi eq, %jit3A_911, %eq3A_912 : i32
      %jit3A_914 = arith.constant 1 : i32
      %select_n3A_915 = arith.select %eq3A_913, %jit3A_914, %jit3A_911 : i32
      %rem3A_916 = arith.remsi %scan3A_883, %select_n3A_915 : i32
      %ne3A_917 = arith.constant 0 : i32
      %ne3A_918 = arith.cmpi ne, %rem3A_916, %ne3A_917 : i32
      %lt3A_919 = arith.constant 0 : i32
      %lt3A_920 = arith.cmpi slt, %rem3A_916, %lt3A_919 : i32
      %lt3A_921 = arith.constant 0 : i32
      %lt3A_922 = arith.cmpi slt, %select_n3A_915, %lt3A_921 : i32
      %ne3A_923 = arith.xori %lt3A_920, %lt3A_922 : i1
      %and3A_924 = arith.andi %ne3A_923, %ne3A_918 : i1
      %add3A_925 = arith.addi %rem3A_916, %select_n3A_915 : i32
      %select_n3A_926 = arith.select %and3A_924, %add3A_925, %rem3A_916 : i32
      %broadcast_in_dim3A_927 = vector.broadcast %select_n3A_926 : i32 to vector<16xi32>
      %gather3A_928 = tpu.vector_load_idx %arg7[%broadcast_in_dim3A_885, %broadcast_in_dim3A_910, %broadcast_in_dim3A_927] : memref<4x2x16xf32, #tpu.memory_space<vmem>>[vector<16xi32>, vector<16xi32>, vector<16xi32>], vector<16xf32>,
      %gt3A_929 = arith.cmpf ogt, %gather3A_928, %get3A_13 : vector<16xf32>
      %eq3A_930 = arith.cmpf oeq, %gather3A_928, %get3A_13 : vector<16xf32>
      %lt3A_931 = vector.broadcast %scan3A_883 : i32 to vector<16xi32>
      %lt3A_932 = arith.cmpi slt, %lt3A_931, %iota3A : vector<16xi32>
      %and3A_933 = arith.andi %eq3A_930, %lt3A_932 : vector<16xi1>
      %or3A_934 = arith.ori %gt3A_929, %and3A_933 : vector<16xi1>
      %gt3A_935 = arith.cmpf ogt, %gather3A_928, %get3A_19 : vector<16xf32>
      %eq3A_936 = arith.cmpf oeq, %gather3A_928, %get3A_19 : vector<16xf32>
      %lt3A_937 = vector.broadcast %scan3A_883 : i32 to vector<16xi32>
      %lt3A_938 = arith.cmpi slt, %lt3A_937, %add3A_3 : vector<16xi32>
      %and3A_939 = arith.andi %eq3A_936, %lt3A_938 : vector<16xi1>
      %or3A_940 = arith.ori %gt3A_935, %and3A_939 : vector<16xi1>
      %jit3A_941 = arith.constant 1 : i32
      %jit3A_942 = arith.constant 0 : i32
      %broadcast_in_dim3A_943 = vector.broadcast %jit3A_941 : i32 to vector<16xi32>
      %broadcast_in_dim3A_944 = vector.broadcast %jit3A_942 : i32 to vector<16xi32>
      %select_n3A_945 = arith.select %or3A_934, %broadcast_in_dim3A_943, %broadcast_in_dim3A_944 : vector<16xi1>, vector<16xi32>
      %add3A_946 = arith.addi %add3A_875, %select_n3A_945 : vector<16xi32>
      %jit3A_947 = arith.constant 1 : i32
      %jit3A_948 = arith.constant 0 : i32
      %broadcast_in_dim3A_949 = vector.broadcast %jit3A_947 : i32 to vector<16xi32>
      %broadcast_in_dim3A_950 = vector.broadcast %jit3A_948 : i32 to vector<16xi32>
      %select_n3A_951 = arith.select %or3A_940, %broadcast_in_dim3A_949, %broadcast_in_dim3A_950 : vector<16xi1>, vector<16xi32>
      %add3A_952 = arith.addi %add3A_881, %select_n3A_951 : vector<16xi32>
      %scan3A_953 = arith.constant 2 : i32
      %scan3A_954 = arith.addi %scan3A_813, %scan3A_953 : i32
      %broadcast_in_dim3A_955 = arith.constant 0 : i32
      %broadcast_in_dim3A_956 = vector.broadcast %broadcast_in_dim3A_955 : i32 to vector<16xi32>
      %jit3A_957 = arith.constant 16 : i32
      %div3A_958 = arith.divsi %scan3A_954, %jit3A_957 : i32
      %sign3A_959 = arith.constant 0 : i32
      %sign3A_960 = arith.cmpi sgt, %scan3A_954, %sign3A_959 : i32
      %sign3A_961 = arith.extui %sign3A_960 : i1 to i32
      %sign3A_962 = arith.constant 0 : i32
      %sign3A_963 = arith.cmpi slt, %scan3A_954, %sign3A_962 : i32
      %sign3A_964 = arith.extui %sign3A_963 : i1 to i32
      %sign3A_965 = arith.subi %sign3A_961, %sign3A_964 : i32
      %sign3A_966 = arith.constant 0 : i32
      %sign3A_967 = arith.cmpi sgt, %jit3A_957, %sign3A_966 : i32
      %sign3A_968 = arith.extui %sign3A_967 : i1 to i32
      %sign3A_969 = arith.constant 0 : i32
      %sign3A_970 = arith.cmpi slt, %jit3A_957, %sign3A_969 : i32
      %sign3A_971 = arith.extui %sign3A_970 : i1 to i32
      %sign3A_972 = arith.subi %sign3A_968, %sign3A_971 : i32
      %ne3A_973 = arith.cmpi ne, %sign3A_965, %sign3A_972 : i32
      %rem3A_974 = arith.remsi %scan3A_954, %jit3A_957 : i32
      %ne3A_975 = arith.constant 0 : i32
      %ne3A_976 = arith.cmpi ne, %rem3A_974, %ne3A_975 : i32
      %and3A_977 = arith.andi %ne3A_973, %ne3A_976 : i1
      %sub3A_978 = arith.constant 1 : i32
      %sub3A_979 = arith.subi %div3A_958, %sub3A_978 : i32
      %select_n3A_980 = arith.select %and3A_977, %sub3A_979, %div3A_958 : i32
      %broadcast_in_dim3A_981 = vector.broadcast %select_n3A_980 : i32 to vector<16xi32>
      %jit3A_982 = arith.constant 16 : i32
      %eq3A_983 = arith.constant 0 : i32
      %eq3A_984 = arith.cmpi eq, %jit3A_982, %eq3A_983 : i32
      %jit3A_985 = arith.constant 1 : i32
      %select_n3A_986 = arith.select %eq3A_984, %jit3A_985, %jit3A_982 : i32
      %rem3A_987 = arith.remsi %scan3A_954, %select_n3A_986 : i32
      %ne3A_988 = arith.constant 0 : i32
      %ne3A_989 = arith.cmpi ne, %rem3A_987, %ne3A_988 : i32
      %lt3A_990 = arith.constant 0 : i32
      %lt3A_991 = arith.cmpi slt, %rem3A_987, %lt3A_990 : i32
      %lt3A_992 = arith.constant 0 : i32
      %lt3A_993 = arith.cmpi slt, %select_n3A_986, %lt3A_992 : i32
      %ne3A_994 = arith.xori %lt3A_991, %lt3A_993 : i1
      %and3A_995 = arith.andi %ne3A_994, %ne3A_989 : i1
      %add3A_996 = arith.addi %rem3A_987, %select_n3A_986 : i32
      %select_n3A_997 = arith.select %and3A_995, %add3A_996, %rem3A_987 : i32
      %broadcast_in_dim3A_998 = vector.broadcast %select_n3A_997 : i32 to vector<16xi32>
      %gather3A_999 = tpu.vector_load_idx %arg7[%broadcast_in_dim3A_956, %broadcast_in_dim3A_981, %broadcast_in_dim3A_998] : memref<4x2x16xf32, #tpu.memory_space<vmem>>[vector<16xi32>, vector<16xi32>, vector<16xi32>], vector<16xf32>,
      %gt3A_1000 = arith.cmpf ogt, %gather3A_999, %get3A_13 : vector<16xf32>
      %eq3A_1001 = arith.cmpf oeq, %gather3A_999, %get3A_13 : vector<16xf32>
      %lt3A_1002 = vector.broadcast %scan3A_954 : i32 to vector<16xi32>
      %lt3A_1003 = arith.cmpi slt, %lt3A_1002, %iota3A : vector<16xi32>
      %and3A_1004 = arith.andi %eq3A_1001, %lt3A_1003 : vector<16xi1>
      %or3A_1005 = arith.ori %gt3A_1000, %and3A_1004 : vector<16xi1>
      %gt3A_1006 = arith.cmpf ogt, %gather3A_999, %get3A_19 : vector<16xf32>
      %eq3A_1007 = arith.cmpf oeq, %gather3A_999, %get3A_19 : vector<16xf32>
      %lt3A_1008 = vector.broadcast %scan3A_954 : i32 to vector<16xi32>
      %lt3A_1009 = arith.cmpi slt, %lt3A_1008, %add3A_3 : vector<16xi32>
      %and3A_1010 = arith.andi %eq3A_1007, %lt3A_1009 : vector<16xi1>
      %or3A_1011 = arith.ori %gt3A_1006, %and3A_1010 : vector<16xi1>
      %jit3A_1012 = arith.constant 1 : i32
      %jit3A_1013 = arith.constant 0 : i32
      %broadcast_in_dim3A_1014 = vector.broadcast %jit3A_1012 : i32 to vector<16xi32>
      %broadcast_in_dim3A_1015 = vector.broadcast %jit3A_1013 : i32 to vector<16xi32>
      %select_n3A_1016 = arith.select %or3A_1005, %broadcast_in_dim3A_1014, %broadcast_in_dim3A_1015 : vector<16xi1>, vector<16xi32>
      %add3A_1017 = arith.addi %add3A_946, %select_n3A_1016 : vector<16xi32>
      %jit3A_1018 = arith.constant 1 : i32
      %jit3A_1019 = arith.constant 0 : i32
      %broadcast_in_dim3A_1020 = vector.broadcast %jit3A_1018 : i32 to vector<16xi32>
      %broadcast_in_dim3A_1021 = vector.broadcast %jit3A_1019 : i32 to vector<16xi32>
      %select_n3A_1022 = arith.select %or3A_1011, %broadcast_in_dim3A_1020, %broadcast_in_dim3A_1021 : vector<16xi1>, vector<16xi32>
      %add3A_1023 = arith.addi %add3A_952, %select_n3A_1022 : vector<16xi32>
      %scan3A_1024 = arith.constant 3 : i32
      %scan3A_1025 = arith.addi %scan3A_813, %scan3A_1024 : i32
      %broadcast_in_dim3A_1026 = arith.constant 0 : i32
      %broadcast_in_dim3A_1027 = vector.broadcast %broadcast_in_dim3A_1026 : i32 to vector<16xi32>
      %jit3A_1028 = arith.constant 16 : i32
      %div3A_1029 = arith.divsi %scan3A_1025, %jit3A_1028 : i32
      %sign3A_1030 = arith.constant 0 : i32
      %sign3A_1031 = arith.cmpi sgt, %scan3A_1025, %sign3A_1030 : i32
      %sign3A_1032 = arith.extui %sign3A_1031 : i1 to i32
      %sign3A_1033 = arith.constant 0 : i32
      %sign3A_1034 = arith.cmpi slt, %scan3A_1025, %sign3A_1033 : i32
      %sign3A_1035 = arith.extui %sign3A_1034 : i1 to i32
      %sign3A_1036 = arith.subi %sign3A_1032, %sign3A_1035 : i32
      %sign3A_1037 = arith.constant 0 : i32
      %sign3A_1038 = arith.cmpi sgt, %jit3A_1028, %sign3A_1037 : i32
      %sign3A_1039 = arith.extui %sign3A_1038 : i1 to i32
      %sign3A_1040 = arith.constant 0 : i32
      %sign3A_1041 = arith.cmpi slt, %jit3A_1028, %sign3A_1040 : i32
      %sign3A_1042 = arith.extui %sign3A_1041 : i1 to i32
      %sign3A_1043 = arith.subi %sign3A_1039, %sign3A_1042 : i32
      %ne3A_1044 = arith.cmpi ne, %sign3A_1036, %sign3A_1043 : i32
      %rem3A_1045 = arith.remsi %scan3A_1025, %jit3A_1028 : i32
      %ne3A_1046 = arith.constant 0 : i32
      %ne3A_1047 = arith.cmpi ne, %rem3A_1045, %ne3A_1046 : i32
      %and3A_1048 = arith.andi %ne3A_1044, %ne3A_1047 : i1
      %sub3A_1049 = arith.constant 1 : i32
      %sub3A_1050 = arith.subi %div3A_1029, %sub3A_1049 : i32
      %select_n3A_1051 = arith.select %and3A_1048, %sub3A_1050, %div3A_1029 : i32
      %broadcast_in_dim3A_1052 = vector.broadcast %select_n3A_1051 : i32 to vector<16xi32>
      %jit3A_1053 = arith.constant 16 : i32
      %eq3A_1054 = arith.constant 0 : i32
      %eq3A_1055 = arith.cmpi eq, %jit3A_1053, %eq3A_1054 : i32
      %jit3A_1056 = arith.constant 1 : i32
      %select_n3A_1057 = arith.select %eq3A_1055, %jit3A_1056, %jit3A_1053 : i32
      %rem3A_1058 = arith.remsi %scan3A_1025, %select_n3A_1057 : i32
      %ne3A_1059 = arith.constant 0 : i32
      %ne3A_1060 = arith.cmpi ne, %rem3A_1058, %ne3A_1059 : i32
      %lt3A_1061 = arith.constant 0 : i32
      %lt3A_1062 = arith.cmpi slt, %rem3A_1058, %lt3A_1061 : i32
      %lt3A_1063 = arith.constant 0 : i32
      %lt3A_1064 = arith.cmpi slt, %select_n3A_1057, %lt3A_1063 : i32
      %ne3A_1065 = arith.xori %lt3A_1062, %lt3A_1064 : i1
      %and3A_1066 = arith.andi %ne3A_1065, %ne3A_1060 : i1
      %add3A_1067 = arith.addi %rem3A_1058, %select_n3A_1057 : i32
      %select_n3A_1068 = arith.select %and3A_1066, %add3A_1067, %rem3A_1058 : i32
      %broadcast_in_dim3A_1069 = vector.broadcast %select_n3A_1068 : i32 to vector<16xi32>
      %gather3A_1070 = tpu.vector_load_idx %arg7[%broadcast_in_dim3A_1027, %broadcast_in_dim3A_1052, %broadcast_in_dim3A_1069] : memref<4x2x16xf32, #tpu.memory_space<vmem>>[vector<16xi32>, vector<16xi32>, vector<16xi32>], vector<16xf32>,
      %gt3A_1071 = arith.cmpf ogt, %gather3A_1070, %get3A_13 : vector<16xf32>
      %eq3A_1072 = arith.cmpf oeq, %gather3A_1070, %get3A_13 : vector<16xf32>
      %lt3A_1073 = vector.broadcast %scan3A_1025 : i32 to vector<16xi32>
      %lt3A_1074 = arith.cmpi slt, %lt3A_1073, %iota3A : vector<16xi32>
      %and3A_1075 = arith.andi %eq3A_1072, %lt3A_1074 : vector<16xi1>
      %or3A_1076 = arith.ori %gt3A_1071, %and3A_1075 : vector<16xi1>
      %gt3A_1077 = arith.cmpf ogt, %gather3A_1070, %get3A_19 : vector<16xf32>
      %eq3A_1078 = arith.cmpf oeq, %gather3A_1070, %get3A_19 : vector<16xf32>
      %lt3A_1079 = vector.broadcast %scan3A_1025 : i32 to vector<16xi32>
      %lt3A_1080 = arith.cmpi slt, %lt3A_1079, %add3A_3 : vector<16xi32>
      %and3A_1081 = arith.andi %eq3A_1078, %lt3A_1080 : vector<16xi1>
      %or3A_1082 = arith.ori %gt3A_1077, %and3A_1081 : vector<16xi1>
      %jit3A_1083 = arith.constant 1 : i32
      %jit3A_1084 = arith.constant 0 : i32
      %broadcast_in_dim3A_1085 = vector.broadcast %jit3A_1083 : i32 to vector<16xi32>
      %broadcast_in_dim3A_1086 = vector.broadcast %jit3A_1084 : i32 to vector<16xi32>
      %select_n3A_1087 = arith.select %or3A_1076, %broadcast_in_dim3A_1085, %broadcast_in_dim3A_1086 : vector<16xi1>, vector<16xi32>
      %add3A_1088 = arith.addi %add3A_1017, %select_n3A_1087 : vector<16xi32>
      %jit3A_1089 = arith.constant 1 : i32
      %jit3A_1090 = arith.constant 0 : i32
      %broadcast_in_dim3A_1091 = vector.broadcast %jit3A_1089 : i32 to vector<16xi32>
      %broadcast_in_dim3A_1092 = vector.broadcast %jit3A_1090 : i32 to vector<16xi32>
      %select_n3A_1093 = arith.select %or3A_1082, %broadcast_in_dim3A_1091, %broadcast_in_dim3A_1092 : vector<16xi1>, vector<16xi32>
      %add3A_1094 = arith.addi %add3A_1023, %select_n3A_1093 : vector<16xi32>
      scf.yield %add3A_1088, %add3A_1094 : vector<16xi32>, vector<16xi32>
    }
    %scan3A_24 = arith.constant 32 : i32
    %eq3A = arith.constant 0 : i32
    %eq3A_25 = vector.broadcast %eq3A : i32 to vector<16xi32>
    %eq3A_26 = arith.cmpi eq, %scan3A_23#0, %eq3A_25 : vector<16xi32>
    %jit3A = arith.constant 0 : i32
    %broadcast_in_dim3A_27 = vector.broadcast %jit3A : i32 to vector<16xi32>
    %select_n3A = arith.select %eq3A_26, %iota3A, %broadcast_in_dim3A_27 : vector<16xi1>, vector<16xi32>
    %reduce_sum3A = arith.constant true
    %reduce_sum3A_28 = vector.broadcast %reduce_sum3A : i1 to vector<16xi1>
    %reduce_sum3A_29 = tpu.scan <sum>, %select_n3A masked %reduce_sum3A_28 : vector<16xi32>, vector<16xi1> -> vector<16xi32>
    %reduce_sum3A_30 = vector.extract %reduce_sum3A_29[15] : i32 from vector<16xi32>
    %eq3A_31 = arith.constant 0 : i32
    %eq3A_32 = vector.broadcast %eq3A_31 : i32 to vector<16xi32>
    %eq3A_33 = arith.cmpi eq, %scan3A_23#1, %eq3A_32 : vector<16xi32>
    %jit3A_34 = arith.constant 0 : i32
    %broadcast_in_dim3A_35 = vector.broadcast %jit3A_34 : i32 to vector<16xi32>
    %select_n3A_36 = arith.select %eq3A_33, %add3A_3, %broadcast_in_dim3A_35 : vector<16xi1>, vector<16xi32>
    %reduce_sum3A_37 = arith.constant true
    %reduce_sum3A_38 = vector.broadcast %reduce_sum3A_37 : i1 to vector<16xi1>
    %reduce_sum3A_39 = tpu.scan <sum>, %select_n3A_36 masked %reduce_sum3A_38 : vector<16xi32>, vector<16xi1> -> vector<16xi32>
    %reduce_sum3A_40 = vector.extract %reduce_sum3A_39[15] : i32 from vector<16xi32>
    %add3A_41 = arith.addi %reduce_sum3A_30, %reduce_sum3A_40 : i32
    %mul3A_42 = arith.constant 32 : i32
    %mul3A_43 = arith.muli %add3A_8, %mul3A_42 : i32
    %add3A_44 = arith.addi %mul3A_43, %add3A_41 : i32
    %dma_start3A = arith.constant 0 : i32
    %dma_start3A_45 = arith.constant 0 : i32
    %dma_start3A_46 = tpu.memref_slice %arg9[%dma_start3A, %dma_start3A_45] : memref<4x2048xi32, #tpu.memory_space<vmem>> -> memref<1x2048xi32, #tpu.memory_space<vmem>>
    %dma_start3A_47 = tpu.memref_squeeze %dma_start3A_46 : memref<1x2048xi32, #tpu.memory_space<vmem>> -> memref<2048xi32, #tpu.memory_space<vmem>>
    %dma_start3A_48 = arith.constant 0 : i32
    %dma_start3A_49 = tpu.memref_slice %arg2[%add3A_44, %dma_start3A_48] : memref<4096x2048xi32, #tpu.memory_space<hbm>> -> memref<1x2048xi32, #tpu.memory_space<hbm>>
    %dma_start3A_50 = tpu.memref_squeeze %dma_start3A_49 : memref<1x2048xi32, #tpu.memory_space<hbm>> -> memref<2048xi32, #tpu.memory_space<hbm>>
    %dma_start3A_51 = arith.constant 0 : i32
    %dma_start3A_52 = tpu.memref_slice %arg9[%dma_start3A, %dma_start3A_51] : memref<4x2048xi32, #tpu.memory_space<vmem>> -> memref<1x2048xi32, #tpu.memory_space<vmem>>
    %dma_start3A_53 = tpu.memref_squeeze %dma_start3A_52 : memref<1x2048xi32, #tpu.memory_space<vmem>> -> memref<2048xi32, #tpu.memory_space<vmem>>
    %dma_start3A_54 = arith.constant 0 : i32
    %dma_start3A_55 = tpu.memref_slice %arg2[%add3A_44, %dma_start3A_54] : memref<4096x2048xi32, #tpu.memory_space<hbm>> -> memref<1x2048xi32, #tpu.memory_space<hbm>>
    %dma_start3A_56 = tpu.memref_squeeze %dma_start3A_55 : memref<1x2048xi32, #tpu.memory_space<hbm>> -> memref<2048xi32, #tpu.memory_space<hbm>>
    tpu.enqueue_dma source(%dma_start3A_56 : memref<2048xi32, #tpu.memory_space<hbm>>) target(%dma_start3A_53 : memref<2048xi32, #tpu.memory_space<vmem>>) target_semaphore(%arg11 : memref<!tpu.dma_semaphore, #tpu.memory_space<semaphore_mem>>)
    %broadcast_in_dim3A_57 = arith.constant 0 : i32
    %broadcast_in_dim3A_58 = vector.broadcast %broadcast_in_dim3A_57 : i32 to vector<16xi32>
    %jit3A_59 = arith.constant 16 : i32
    %div3A = vector.broadcast %jit3A_59 : i32 to vector<16xi32>
    %div3A_60 = arith.divsi %scan3A_23#0, %div3A : vector<16xi32>
    %sign3A = arith.constant 0 : i32
    %sign3A_61 = vector.broadcast %sign3A : i32 to vector<16xi32>
    %sign3A_62 = arith.cmpi sgt, %scan3A_23#0, %sign3A_61 : vector<16xi32>
    %sign3A_63 = arith.extui %sign3A_62 : vector<16xi1> to vector<16xi32>
    %sign3A_64 = arith.constant 0 : i32
    %sign3A_65 = vector.broadcast %sign3A_64 : i32 to vector<16xi32>
    %sign3A_66 = arith.cmpi slt, %scan3A_23#0, %sign3A_65 : vector<16xi32>
    %sign3A_67 = arith.extui %sign3A_66 : vector<16xi1> to vector<16xi32>
    %sign3A_68 = arith.subi %sign3A_63, %sign3A_67 : vector<16xi32>
    %sign3A_69 = arith.constant 0 : i32
    %sign3A_70 = arith.cmpi sgt, %jit3A_59, %sign3A_69 : i32
    %sign3A_71 = arith.extui %sign3A_70 : i1 to i32
    %sign3A_72 = arith.constant 0 : i32
    %sign3A_73 = arith.cmpi slt, %jit3A_59, %sign3A_72 : i32
    %sign3A_74 = arith.extui %sign3A_73 : i1 to i32
    %sign3A_75 = arith.subi %sign3A_71, %sign3A_74 : i32
    %ne3A = vector.broadcast %sign3A_75 : i32 to vector<16xi32>
    %ne3A_76 = arith.cmpi ne, %sign3A_68, %ne3A : vector<16xi32>
    %rem3A = vector.broadcast %jit3A_59 : i32 to vector<16xi32>
    %rem3A_77 = arith.remsi %scan3A_23#0, %rem3A : vector<16xi32>
    %ne3A_78 = arith.constant 0 : i32
    %ne3A_79 = vector.broadcast %ne3A_78 : i32 to vector<16xi32>
    %ne3A_80 = arith.cmpi ne, %rem3A_77, %ne3A_79 : vector<16xi32>
    %and3A = arith.andi %ne3A_76, %ne3A_80 : vector<16xi1>
    %sub3A = arith.constant 1 : i32
    %sub3A_81 = vector.broadcast %sub3A : i32 to vector<16xi32>
    %sub3A_82 = arith.subi %div3A_60, %sub3A_81 : vector<16xi32>
    %select_n3A_83 = arith.select %and3A, %sub3A_82, %div3A_60 : vector<16xi1>, vector<16xi32>
    %jit3A_84 = arith.constant 16 : i32
    %eq3A_85 = arith.constant 0 : i32
    %eq3A_86 = arith.cmpi eq, %jit3A_84, %eq3A_85 : i32
    %jit3A_87 = arith.constant 1 : i32
    %select_n3A_88 = arith.select %eq3A_86, %jit3A_87, %jit3A_84 : i32
    %rem3A_89 = vector.broadcast %select_n3A_88 : i32 to vector<16xi32>
    %rem3A_90 = arith.remsi %scan3A_23#0, %rem3A_89 : vector<16xi32>
    %ne3A_91 = arith.constant 0 : i32
    %ne3A_92 = vector.broadcast %ne3A_91 : i32 to vector<16xi32>
    %ne3A_93 = arith.cmpi ne, %rem3A_90, %ne3A_92 : vector<16xi32>
    %lt3A = arith.constant 0 : i32
    %lt3A_94 = vector.broadcast %lt3A : i32 to vector<16xi32>
    %lt3A_95 = arith.cmpi slt, %rem3A_90, %lt3A_94 : vector<16xi32>
    %lt3A_96 = arith.constant 0 : i32
    %lt3A_97 = arith.cmpi slt, %select_n3A_88, %lt3A_96 : i32
    %ne3A_98 = vector.broadcast %lt3A_97 : i1 to vector<16xi1>
    %ne3A_99 = vector.broadcast %ne3A_98 : vector<16xi1> to vector<16xi1>
    %ne3A_100 = arith.xori %lt3A_95, %ne3A_99 : vector<16xi1>
    %and3A_101 = arith.andi %ne3A_100, %ne3A_93 : vector<16xi1>
    %add3A_102 = vector.broadcast %select_n3A_88 : i32 to vector<16xi32>
    %add3A_103 = arith.addi %rem3A_90, %add3A_102 : vector<16xi32>
    %select_n3A_104 = arith.select %and3A_101, %add3A_103, %rem3A_90 : vector<16xi1>, vector<16xi32>
    tpu.vector_store_idx %arg8[%broadcast_in_dim3A_58, %select_n3A_83, %select_n3A_104], %get3A_13 : memref<4x2x16xf32, #tpu.memory_space<vmem>>[vector<16xi32>, vector<16xi32>, vector<16xi32>], vector<16xf32>,
    %jit3A_105 = arith.constant 16 : i32
    %div3A_106 = vector.broadcast %jit3A_105 : i32 to vector<16xi32>
    %div3A_107 = arith.divsi %scan3A_23#1, %div3A_106 : vector<16xi32>
    %sign3A_108 = arith.constant 0 : i32
    %sign3A_109 = vector.broadcast %sign3A_108 : i32 to vector<16xi32>
    %sign3A_110 = arith.cmpi sgt, %scan3A_23#1, %sign3A_109 : vector<16xi32>
    %sign3A_111 = arith.extui %sign3A_110 : vector<16xi1> to vector<16xi32>
    %sign3A_112 = arith.constant 0 : i32
    %sign3A_113 = vector.broadcast %sign3A_112 : i32 to vector<16xi32>
    %sign3A_114 = arith.cmpi slt, %scan3A_23#1, %sign3A_113 : vector<16xi32>
    %sign3A_115 = arith.extui %sign3A_114 : vector<16xi1> to vector<16xi32>
    %sign3A_116 = arith.subi %sign3A_111, %sign3A_115 : vector<16xi32>
    %sign3A_117 = arith.constant 0 : i32
    %sign3A_118 = arith.cmpi sgt, %jit3A_105, %sign3A_117 : i32
    %sign3A_119 = arith.extui %sign3A_118 : i1 to i32
    %sign3A_120 = arith.constant 0 : i32
    %sign3A_121 = arith.cmpi slt, %jit3A_105, %sign3A_120 : i32
    %sign3A_122 = arith.extui %sign3A_121 : i1 to i32
    %sign3A_123 = arith.subi %sign3A_119, %sign3A_122 : i32
    %ne3A_124 = vector.broadcast %sign3A_123 : i32 to vector<16xi32>
    %ne3A_125 = arith.cmpi ne, %sign3A_116, %ne3A_124 : vector<16xi32>
    %rem3A_126 = vector.broadcast %jit3A_105 : i32 to vector<16xi32>
    %rem3A_127 = arith.remsi %scan3A_23#1, %rem3A_126 : vector<16xi32>
    %ne3A_128 = arith.constant 0 : i32
    %ne3A_129 = vector.broadcast %ne3A_128 : i32 to vector<16xi32>
    %ne3A_130 = arith.cmpi ne, %rem3A_127, %ne3A_129 : vector<16xi32>
    %and3A_131 = arith.andi %ne3A_125, %ne3A_130 : vector<16xi1>
    %sub3A_132 = arith.constant 1 : i32
    %sub3A_133 = vector.broadcast %sub3A_132 : i32 to vector<16xi32>
    %sub3A_134 = arith.subi %div3A_107, %sub3A_133 : vector<16xi32>
    %select_n3A_135 = arith.select %and3A_131, %sub3A_134, %div3A_107 : vector<16xi1>, vector<16xi32>
    %jit3A_136 = arith.constant 16 : i32
    %eq3A_137 = arith.constant 0 : i32
    %eq3A_138 = arith.cmpi eq, %jit3A_136, %eq3A_137 : i32
    %jit3A_139 = arith.constant 1 : i32
    %select_n3A_140 = arith.select %eq3A_138, %jit3A_139, %jit3A_136 : i32
    %rem3A_141 = vector.broadcast %select_n3A_140 : i32 to vector<16xi32>
    %rem3A_142 = arith.remsi %scan3A_23#1, %rem3A_141 : vector<16xi32>
    %ne3A_143 = arith.constant 0 : i32
    %ne3A_144 = vector.broadcast %ne3A_143 : i32 to vector<16xi32>
    %ne3A_145 = arith.cmpi ne, %rem3A_142, %ne3A_144 : vector<16xi32>
    %lt3A_146 = arith.constant 0 : i32
    %lt3A_147 = vector.broadcast %lt3A_146 : i32 to vector<16xi32>
    %lt3A_148 = arith.cmpi slt, %rem3A_142, %lt3A_147 : vector<16xi32>
    %lt3A_149 = arith.constant 0 : i32
    %lt3A_150 = arith.cmpi slt, %select_n3A_140, %lt3A_149 : i32
    %ne3A_151 = vector.broadcast %lt3A_150 : i1 to vector<16xi1>
    %ne3A_152 = vector.broadcast %ne3A_151 : vector<16xi1> to vector<16xi1>
    %ne3A_153 = arith.xori %lt3A_148, %ne3A_152 : vector<16xi1>
    %and3A_154 = arith.andi %ne3A_153, %ne3A_145 : vector<16xi1>
    %add3A_155 = vector.broadcast %select_n3A_140 : i32 to vector<16xi32>
    %add3A_156 = arith.addi %rem3A_142, %add3A_155 : vector<16xi32>
    %select_n3A_157 = arith.select %and3A_154, %add3A_156, %rem3A_142 : vector<16xi1>, vector<16xi32>
    tpu.vector_store_idx %arg8[%broadcast_in_dim3A_58, %select_n3A_135, %select_n3A_157], %get3A_19 : memref<4x2x16xf32, #tpu.memory_space<vmem>>[vector<16xi32>, vector<16xi32>, vector<16xi32>], vector<16xf32>,
    %mul3A_158 = arith.constant 4 : i32
    %mul3A_159 = arith.muli %add3A, %mul3A_158 : i32
    %add3A_160 = arith.constant 1 : i32
    %add3A_161 = arith.addi %mul3A_159, %add3A_160 : i32
    %get3A_162 = arith.constant 1 : i32
    %get3A_163 = arith.constant 0 : i32
    %get3A_164 = arith.index_cast %get3A_162 : i32 to index
    %get3A_165 = arith.index_cast %get3A_163 : i32 to index
    %get3A_166 = arith.constant 0 : index
    %get3A_167 = tpu.vector_load %arg7[%get3A_164, %get3A_165, %get3A_166] {strides = array<i32>} : memref<4x2x16xf32, #tpu.memory_space<vmem>>, vector<16xf32>,
    %get3A_168 = arith.constant 1 : i32
    %get3A_169 = arith.constant 1 : i32
    %get3A_170 = arith.index_cast %get3A_168 : i32 to index
    %get3A_171 = arith.index_cast %get3A_169 : i32 to index
    %get3A_172 = arith.constant 0 : index
    %get3A_173 = tpu.vector_load %arg7[%get3A_170, %get3A_171, %get3A_172] {strides = array<i32>} : memref<4x2x16xf32, #tpu.memory_space<vmem>>, vector<16xf32>,
    %scan3A_174 = arith.constant 0 : i32
    %scan3A_175 = arith.constant 32 : i32
    %scan3A_176 = arith.addi %scan3A_174, %scan3A_175 : i32
    %scan3A_177 = arith.constant 4 : i32
    %scan3A_178:2 = scf.for %scan3A_813 = %scan3A_174 to %scan3A_176 step %scan3A_177 iter_args(%scan3A_814 = %broadcast_in_dim3A_4, %scan3A_815 = %broadcast_in_dim3A_4) -> (vector<16xi32>, vector<16xi32>)  : i32 {
      %broadcast_in_dim3A_816 = arith.constant 1 : i32
      %broadcast_in_dim3A_817 = vector.broadcast %broadcast_in_dim3A_816 : i32 to vector<16xi32>
      %jit3A_818 = arith.constant 16 : i32
      %div3A_819 = arith.divsi %scan3A_813, %jit3A_818 : i32
      %sign3A_820 = arith.constant 0 : i32
      %sign3A_821 = arith.cmpi sgt, %scan3A_813, %sign3A_820 : i32
      %sign3A_822 = arith.extui %sign3A_821 : i1 to i32
      %sign3A_823 = arith.constant 0 : i32
      %sign3A_824 = arith.cmpi slt, %scan3A_813, %sign3A_823 : i32
      %sign3A_825 = arith.extui %sign3A_824 : i1 to i32
      %sign3A_826 = arith.subi %sign3A_822, %sign3A_825 : i32
      %sign3A_827 = arith.constant 0 : i32
      %sign3A_828 = arith.cmpi sgt, %jit3A_818, %sign3A_827 : i32
      %sign3A_829 = arith.extui %sign3A_828 : i1 to i32
      %sign3A_830 = arith.constant 0 : i32
      %sign3A_831 = arith.cmpi slt, %jit3A_818, %sign3A_830 : i32
      %sign3A_832 = arith.extui %sign3A_831 : i1 to i32
      %sign3A_833 = arith.subi %sign3A_829, %sign3A_832 : i32
      %ne3A_834 = arith.cmpi ne, %sign3A_826, %sign3A_833 : i32
      %rem3A_835 = arith.remsi %scan3A_813, %jit3A_818 : i32
      %ne3A_836 = arith.constant 0 : i32
      %ne3A_837 = arith.cmpi ne, %rem3A_835, %ne3A_836 : i32
      %and3A_838 = arith.andi %ne3A_834, %ne3A_837 : i1
      %sub3A_839 = arith.constant 1 : i32
      %sub3A_840 = arith.subi %div3A_819, %sub3A_839 : i32
      %select_n3A_841 = arith.select %and3A_838, %sub3A_840, %div3A_819 : i32
      %broadcast_in_dim3A_842 = vector.broadcast %select_n3A_841 : i32 to vector<16xi32>
      %jit3A_843 = arith.constant 16 : i32
      %eq3A_844 = arith.constant 0 : i32
      %eq3A_845 = arith.cmpi eq, %jit3A_843, %eq3A_844 : i32
      %jit3A_846 = arith.constant 1 : i32
      %select_n3A_847 = arith.select %eq3A_845, %jit3A_846, %jit3A_843 : i32
      %rem3A_848 = arith.remsi %scan3A_813, %select_n3A_847 : i32
      %ne3A_849 = arith.constant 0 : i32
      %ne3A_850 = arith.cmpi ne, %rem3A_848, %ne3A_849 : i32
      %lt3A_851 = arith.constant 0 : i32
      %lt3A_852 = arith.cmpi slt, %rem3A_848, %lt3A_851 : i32
      %lt3A_853 = arith.constant 0 : i32
      %lt3A_854 = arith.cmpi slt, %select_n3A_847, %lt3A_853 : i32
      %ne3A_855 = arith.xori %lt3A_852, %lt3A_854 : i1
      %and3A_856 = arith.andi %ne3A_855, %ne3A_850 : i1
      %add3A_857 = arith.addi %rem3A_848, %select_n3A_847 : i32
      %select_n3A_858 = arith.select %and3A_856, %add3A_857, %rem3A_848 : i32
      %broadcast_in_dim3A_859 = vector.broadcast %select_n3A_858 : i32 to vector<16xi32>
      %gather3A = tpu.vector_load_idx %arg7[%broadcast_in_dim3A_817, %broadcast_in_dim3A_842, %broadcast_in_dim3A_859] : memref<4x2x16xf32, #tpu.memory_space<vmem>>[vector<16xi32>, vector<16xi32>, vector<16xi32>], vector<16xf32>,
      %gt3A = arith.cmpf ogt, %gather3A, %get3A_167 : vector<16xf32>
      %eq3A_860 = arith.cmpf oeq, %gather3A, %get3A_167 : vector<16xf32>
      %lt3A_861 = vector.broadcast %scan3A_813 : i32 to vector<16xi32>
      %lt3A_862 = arith.cmpi slt, %lt3A_861, %iota3A : vector<16xi32>
      %and3A_863 = arith.andi %eq3A_860, %lt3A_862 : vector<16xi1>
      %or3A = arith.ori %gt3A, %and3A_863 : vector<16xi1>
      %gt3A_864 = arith.cmpf ogt, %gather3A, %get3A_173 : vector<16xf32>
      %eq3A_865 = arith.cmpf oeq, %gather3A, %get3A_173 : vector<16xf32>
      %lt3A_866 = vector.broadcast %scan3A_813 : i32 to vector<16xi32>
      %lt3A_867 = arith.cmpi slt, %lt3A_866, %add3A_3 : vector<16xi32>
      %and3A_868 = arith.andi %eq3A_865, %lt3A_867 : vector<16xi1>
      %or3A_869 = arith.ori %gt3A_864, %and3A_868 : vector<16xi1>
      %jit3A_870 = arith.constant 1 : i32
      %jit3A_871 = arith.constant 0 : i32
      %broadcast_in_dim3A_872 = vector.broadcast %jit3A_870 : i32 to vector<16xi32>
      %broadcast_in_dim3A_873 = vector.broadcast %jit3A_871 : i32 to vector<16xi32>
      %select_n3A_874 = arith.select %or3A, %broadcast_in_dim3A_872, %broadcast_in_dim3A_873 : vector<16xi1>, vector<16xi32>
      %add3A_875 = arith.addi %scan3A_814, %select_n3A_874 : vector<16xi32>
      %jit3A_876 = arith.constant 1 : i32
      %jit3A_877 = arith.constant 0 : i32
      %broadcast_in_dim3A_878 = vector.broadcast %jit3A_876 : i32 to vector<16xi32>
      %broadcast_in_dim3A_879 = vector.broadcast %jit3A_877 : i32 to vector<16xi32>
      %select_n3A_880 = arith.select %or3A_869, %broadcast_in_dim3A_878, %broadcast_in_dim3A_879 : vector<16xi1>, vector<16xi32>
      %add3A_881 = arith.addi %scan3A_815, %select_n3A_880 : vector<16xi32>
      %scan3A_882 = arith.constant 1 : i32
      %scan3A_883 = arith.addi %scan3A_813, %scan3A_882 : i32
      %broadcast_in_dim3A_884 = arith.constant 1 : i32
      %broadcast_in_dim3A_885 = vector.broadcast %broadcast_in_dim3A_884 : i32 to vector<16xi32>
      %jit3A_886 = arith.constant 16 : i32
      %div3A_887 = arith.divsi %scan3A_883, %jit3A_886 : i32
      %sign3A_888 = arith.constant 0 : i32
      %sign3A_889 = arith.cmpi sgt, %scan3A_883, %sign3A_888 : i32
      %sign3A_890 = arith.extui %sign3A_889 : i1 to i32
      %sign3A_891 = arith.constant 0 : i32
      %sign3A_892 = arith.cmpi slt, %scan3A_883, %sign3A_891 : i32
      %sign3A_893 = arith.extui %sign3A_892 : i1 to i32
      %sign3A_894 = arith.subi %sign3A_890, %sign3A_893 : i32
      %sign3A_895 = arith.constant 0 : i32
      %sign3A_896 = arith.cmpi sgt, %jit3A_886, %sign3A_895 : i32
      %sign3A_897 = arith.extui %sign3A_896 : i1 to i32
      %sign3A_898 = arith.constant 0 : i32
      %sign3A_899 = arith.cmpi slt, %jit3A_886, %sign3A_898 : i32
      %sign3A_900 = arith.extui %sign3A_899 : i1 to i32
      %sign3A_901 = arith.subi %sign3A_897, %sign3A_900 : i32
      %ne3A_902 = arith.cmpi ne, %sign3A_894, %sign3A_901 : i32
      %rem3A_903 = arith.remsi %scan3A_883, %jit3A_886 : i32
      %ne3A_904 = arith.constant 0 : i32
      %ne3A_905 = arith.cmpi ne, %rem3A_903, %ne3A_904 : i32
      %and3A_906 = arith.andi %ne3A_902, %ne3A_905 : i1
      %sub3A_907 = arith.constant 1 : i32
      %sub3A_908 = arith.subi %div3A_887, %sub3A_907 : i32
      %select_n3A_909 = arith.select %and3A_906, %sub3A_908, %div3A_887 : i32
      %broadcast_in_dim3A_910 = vector.broadcast %select_n3A_909 : i32 to vector<16xi32>
      %jit3A_911 = arith.constant 16 : i32
      %eq3A_912 = arith.constant 0 : i32
      %eq3A_913 = arith.cmpi eq, %jit3A_911, %eq3A_912 : i32
      %jit3A_914 = arith.constant 1 : i32
      %select_n3A_915 = arith.select %eq3A_913, %jit3A_914, %jit3A_911 : i32
      %rem3A_916 = arith.remsi %scan3A_883, %select_n3A_915 : i32
      %ne3A_917 = arith.constant 0 : i32
      %ne3A_918 = arith.cmpi ne, %rem3A_916, %ne3A_917 : i32
      %lt3A_919 = arith.constant 0 : i32
      %lt3A_920 = arith.cmpi slt, %rem3A_916, %lt3A_919 : i32
      %lt3A_921 = arith.constant 0 : i32
      %lt3A_922 = arith.cmpi slt, %select_n3A_915, %lt3A_921 : i32
      %ne3A_923 = arith.xori %lt3A_920, %lt3A_922 : i1
      %and3A_924 = arith.andi %ne3A_923, %ne3A_918 : i1
      %add3A_925 = arith.addi %rem3A_916, %select_n3A_915 : i32
      %select_n3A_926 = arith.select %and3A_924, %add3A_925, %rem3A_916 : i32
      %broadcast_in_dim3A_927 = vector.broadcast %select_n3A_926 : i32 to vector<16xi32>
      %gather3A_928 = tpu.vector_load_idx %arg7[%broadcast_in_dim3A_885, %broadcast_in_dim3A_910, %broadcast_in_dim3A_927] : memref<4x2x16xf32, #tpu.memory_space<vmem>>[vector<16xi32>, vector<16xi32>, vector<16xi32>], vector<16xf32>,
      %gt3A_929 = arith.cmpf ogt, %gather3A_928, %get3A_167 : vector<16xf32>
      %eq3A_930 = arith.cmpf oeq, %gather3A_928, %get3A_167 : vector<16xf32>
      %lt3A_931 = vector.broadcast %scan3A_883 : i32 to vector<16xi32>
      %lt3A_932 = arith.cmpi slt, %lt3A_931, %iota3A : vector<16xi32>
      %and3A_933 = arith.andi %eq3A_930, %lt3A_932 : vector<16xi1>
      %or3A_934 = arith.ori %gt3A_929, %and3A_933 : vector<16xi1>
      %gt3A_935 = arith.cmpf ogt, %gather3A_928, %get3A_173 : vector<16xf32>
      %eq3A_936 = arith.cmpf oeq, %gather3A_928, %get3A_173 : vector<16xf32>
      %lt3A_937 = vector.broadcast %scan3A_883 : i32 to vector<16xi32>
      %lt3A_938 = arith.cmpi slt, %lt3A_937, %add3A_3 : vector<16xi32>
      %and3A_939 = arith.andi %eq3A_936, %lt3A_938 : vector<16xi1>
      %or3A_940 = arith.ori %gt3A_935, %and3A_939 : vector<16xi1>
      %jit3A_941 = arith.constant 1 : i32
      %jit3A_942 = arith.constant 0 : i32
      %broadcast_in_dim3A_943 = vector.broadcast %jit3A_941 : i32 to vector<16xi32>
      %broadcast_in_dim3A_944 = vector.broadcast %jit3A_942 : i32 to vector<16xi32>
      %select_n3A_945 = arith.select %or3A_934, %broadcast_in_dim3A_943, %broadcast_in_dim3A_944 : vector<16xi1>, vector<16xi32>
      %add3A_946 = arith.addi %add3A_875, %select_n3A_945 : vector<16xi32>
      %jit3A_947 = arith.constant 1 : i32
      %jit3A_948 = arith.constant 0 : i32
      %broadcast_in_dim3A_949 = vector.broadcast %jit3A_947 : i32 to vector<16xi32>
      %broadcast_in_dim3A_950 = vector.broadcast %jit3A_948 : i32 to vector<16xi32>
      %select_n3A_951 = arith.select %or3A_940, %broadcast_in_dim3A_949, %broadcast_in_dim3A_950 : vector<16xi1>, vector<16xi32>
      %add3A_952 = arith.addi %add3A_881, %select_n3A_951 : vector<16xi32>
      %scan3A_953 = arith.constant 2 : i32
      %scan3A_954 = arith.addi %scan3A_813, %scan3A_953 : i32
      %broadcast_in_dim3A_955 = arith.constant 1 : i32
      %broadcast_in_dim3A_956 = vector.broadcast %broadcast_in_dim3A_955 : i32 to vector<16xi32>
      %jit3A_957 = arith.constant 16 : i32
      %div3A_958 = arith.divsi %scan3A_954, %jit3A_957 : i32
      %sign3A_959 = arith.constant 0 : i32
      %sign3A_960 = arith.cmpi sgt, %scan3A_954, %sign3A_959 : i32
      %sign3A_961 = arith.extui %sign3A_960 : i1 to i32
      %sign3A_962 = arith.constant 0 : i32
      %sign3A_963 = arith.cmpi slt, %scan3A_954, %sign3A_962 : i32
      %sign3A_964 = arith.extui %sign3A_963 : i1 to i32
      %sign3A_965 = arith.subi %sign3A_961, %sign3A_964 : i32
      %sign3A_966 = arith.constant 0 : i32
      %sign3A_967 = arith.cmpi sgt, %jit3A_957, %sign3A_966 : i32
      %sign3A_968 = arith.extui %sign3A_967 : i1 to i32
      %sign3A_969 = arith.constant 0 : i32
      %sign3A_970 = arith.cmpi slt, %jit3A_957, %sign3A_969 : i32
      %sign3A_971 = arith.extui %sign3A_970 : i1 to i32
      %sign3A_972 = arith.subi %sign3A_968, %sign3A_971 : i32
      %ne3A_973 = arith.cmpi ne, %sign3A_965, %sign3A_972 : i32
      %rem3A_974 = arith.remsi %scan3A_954, %jit3A_957 : i32
      %ne3A_975 = arith.constant 0 : i32
      %ne3A_976 = arith.cmpi ne, %rem3A_974, %ne3A_975 : i32
      %and3A_977 = arith.andi %ne3A_973, %ne3A_976 : i1
      %sub3A_978 = arith.constant 1 : i32
      %sub3A_979 = arith.subi %div3A_958, %sub3A_978 : i32
      %select_n3A_980 = arith.select %and3A_977, %sub3A_979, %div3A_958 : i32
      %broadcast_in_dim3A_981 = vector.broadcast %select_n3A_980 : i32 to vector<16xi32>
      %jit3A_982 = arith.constant 16 : i32
      %eq3A_983 = arith.constant 0 : i32
      %eq3A_984 = arith.cmpi eq, %jit3A_982, %eq3A_983 : i32
      %jit3A_985 = arith.constant 1 : i32
      %select_n3A_986 = arith.select %eq3A_984, %jit3A_985, %jit3A_982 : i32
      %rem3A_987 = arith.remsi %scan3A_954, %select_n3A_986 : i32
      %ne3A_988 = arith.constant 0 : i32
      %ne3A_989 = arith.cmpi ne, %rem3A_987, %ne3A_988 : i32
      %lt3A_990 = arith.constant 0 : i32
      %lt3A_991 = arith.cmpi slt, %rem3A_987, %lt3A_990 : i32
      %lt3A_992 = arith.constant 0 : i32
      %lt3A_993 = arith.cmpi slt, %select_n3A_986, %lt3A_992 : i32
      %ne3A_994 = arith.xori %lt3A_991, %lt3A_993 : i1
      %and3A_995 = arith.andi %ne3A_994, %ne3A_989 : i1
      %add3A_996 = arith.addi %rem3A_987, %select_n3A_986 : i32
      %select_n3A_997 = arith.select %and3A_995, %add3A_996, %rem3A_987 : i32
      %broadcast_in_dim3A_998 = vector.broadcast %select_n3A_997 : i32 to vector<16xi32>
      %gather3A_999 = tpu.vector_load_idx %arg7[%broadcast_in_dim3A_956, %broadcast_in_dim3A_981, %broadcast_in_dim3A_998] : memref<4x2x16xf32, #tpu.memory_space<vmem>>[vector<16xi32>, vector<16xi32>, vector<16xi32>], vector<16xf32>,
      %gt3A_1000 = arith.cmpf ogt, %gather3A_999, %get3A_167 : vector<16xf32>
      %eq3A_1001 = arith.cmpf oeq, %gather3A_999, %get3A_167 : vector<16xf32>
      %lt3A_1002 = vector.broadcast %scan3A_954 : i32 to vector<16xi32>
      %lt3A_1003 = arith.cmpi slt, %lt3A_1002, %iota3A : vector<16xi32>
      %and3A_1004 = arith.andi %eq3A_1001, %lt3A_1003 : vector<16xi1>
      %or3A_1005 = arith.ori %gt3A_1000, %and3A_1004 : vector<16xi1>
      %gt3A_1006 = arith.cmpf ogt, %gather3A_999, %get3A_173 : vector<16xf32>
      %eq3A_1007 = arith.cmpf oeq, %gather3A_999, %get3A_173 : vector<16xf32>
      %lt3A_1008 = vector.broadcast %scan3A_954 : i32 to vector<16xi32>
      %lt3A_1009 = arith.cmpi slt, %lt3A_1008, %add3A_3 : vector<16xi32>
      %and3A_1010 = arith.andi %eq3A_1007, %lt3A_1009 : vector<16xi1>
      %or3A_1011 = arith.ori %gt3A_1006, %and3A_1010 : vector<16xi1>
      %jit3A_1012 = arith.constant 1 : i32
      %jit3A_1013 = arith.constant 0 : i32
      %broadcast_in_dim3A_1014 = vector.broadcast %jit3A_1012 : i32 to vector<16xi32>
      %broadcast_in_dim3A_1015 = vector.broadcast %jit3A_1013 : i32 to vector<16xi32>
      %select_n3A_1016 = arith.select %or3A_1005, %broadcast_in_dim3A_1014, %broadcast_in_dim3A_1015 : vector<16xi1>, vector<16xi32>
      %add3A_1017 = arith.addi %add3A_946, %select_n3A_1016 : vector<16xi32>
      %jit3A_1018 = arith.constant 1 : i32
      %jit3A_1019 = arith.constant 0 : i32
      %broadcast_in_dim3A_1020 = vector.broadcast %jit3A_1018 : i32 to vector<16xi32>
      %broadcast_in_dim3A_1021 = vector.broadcast %jit3A_1019 : i32 to vector<16xi32>
      %select_n3A_1022 = arith.select %or3A_1011, %broadcast_in_dim3A_1020, %broadcast_in_dim3A_1021 : vector<16xi1>, vector<16xi32>
      %add3A_1023 = arith.addi %add3A_952, %select_n3A_1022 : vector<16xi32>
      %scan3A_1024 = arith.constant 3 : i32
      %scan3A_1025 = arith.addi %scan3A_813, %scan3A_1024 : i32
      %broadcast_in_dim3A_1026 = arith.constant 1 : i32
      %broadcast_in_dim3A_1027 = vector.broadcast %broadcast_in_dim3A_1026 : i32 to vector<16xi32>
      %jit3A_1028 = arith.constant 16 : i32
      %div3A_1029 = arith.divsi %scan3A_1025, %jit3A_1028 : i32
      %sign3A_1030 = arith.constant 0 : i32
      %sign3A_1031 = arith.cmpi sgt, %scan3A_1025, %sign3A_1030 : i32
      %sign3A_1032 = arith.extui %sign3A_1031 : i1 to i32
      %sign3A_1033 = arith.constant 0 : i32
      %sign3A_1034 = arith.cmpi slt, %scan3A_1025, %sign3A_1033 : i32
      %sign3A_1035 = arith.extui %sign3A_1034 : i1 to i32
      %sign3A_1036 = arith.subi %sign3A_1032, %sign3A_1035 : i32
      %sign3A_1037 = arith.constant 0 : i32
      %sign3A_1038 = arith.cmpi sgt, %jit3A_1028, %sign3A_1037 : i32
      %sign3A_1039 = arith.extui %sign3A_1038 : i1 to i32
      %sign3A_1040 = arith.constant 0 : i32
      %sign3A_1041 = arith.cmpi slt, %jit3A_1028, %sign3A_1040 : i32
      %sign3A_1042 = arith.extui %sign3A_1041 : i1 to i32
      %sign3A_1043 = arith.subi %sign3A_1039, %sign3A_1042 : i32
      %ne3A_1044 = arith.cmpi ne, %sign3A_1036, %sign3A_1043 : i32
      %rem3A_1045 = arith.remsi %scan3A_1025, %jit3A_1028 : i32
      %ne3A_1046 = arith.constant 0 : i32
      %ne3A_1047 = arith.cmpi ne, %rem3A_1045, %ne3A_1046 : i32
      %and3A_1048 = arith.andi %ne3A_1044, %ne3A_1047 : i1
      %sub3A_1049 = arith.constant 1 : i32
      %sub3A_1050 = arith.subi %div3A_1029, %sub3A_1049 : i32
      %select_n3A_1051 = arith.select %and3A_1048, %sub3A_1050, %div3A_1029 : i32
      %broadcast_in_dim3A_1052 = vector.broadcast %select_n3A_1051 : i32 to vector<16xi32>
      %jit3A_1053 = arith.constant 16 : i32
      %eq3A_1054 = arith.constant 0 : i32
      %eq3A_1055 = arith.cmpi eq, %jit3A_1053, %eq3A_1054 : i32
      %jit3A_1056 = arith.constant 1 : i32
      %select_n3A_1057 = arith.select %eq3A_1055, %jit3A_1056, %jit3A_1053 : i32
      %rem3A_1058 = arith.remsi %scan3A_1025, %select_n3A_1057 : i32
      %ne3A_1059 = arith.constant 0 : i32
      %ne3A_1060 = arith.cmpi ne, %rem3A_1058, %ne3A_1059 : i32
      %lt3A_1061 = arith.constant 0 : i32
      %lt3A_1062 = arith.cmpi slt, %rem3A_1058, %lt3A_1061 : i32
      %lt3A_1063 = arith.constant 0 : i32
      %lt3A_1064 = arith.cmpi slt, %select_n3A_1057, %lt3A_1063 : i32
      %ne3A_1065 = arith.xori %lt3A_1062, %lt3A_1064 : i1
      %and3A_1066 = arith.andi %ne3A_1065, %ne3A_1060 : i1
      %add3A_1067 = arith.addi %rem3A_1058, %select_n3A_1057 : i32
      %select_n3A_1068 = arith.select %and3A_1066, %add3A_1067, %rem3A_1058 : i32
      %broadcast_in_dim3A_1069 = vector.broadcast %select_n3A_1068 : i32 to vector<16xi32>
      %gather3A_1070 = tpu.vector_load_idx %arg7[%broadcast_in_dim3A_1027, %broadcast_in_dim3A_1052, %broadcast_in_dim3A_1069] : memref<4x2x16xf32, #tpu.memory_space<vmem>>[vector<16xi32>, vector<16xi32>, vector<16xi32>], vector<16xf32>,
      %gt3A_1071 = arith.cmpf ogt, %gather3A_1070, %get3A_167 : vector<16xf32>
      %eq3A_1072 = arith.cmpf oeq, %gather3A_1070, %get3A_167 : vector<16xf32>
      %lt3A_1073 = vector.broadcast %scan3A_1025 : i32 to vector<16xi32>
      %lt3A_1074 = arith.cmpi slt, %lt3A_1073, %iota3A : vector<16xi32>
      %and3A_1075 = arith.andi %eq3A_1072, %lt3A_1074 : vector<16xi1>
      %or3A_1076 = arith.ori %gt3A_1071, %and3A_1075 : vector<16xi1>
      %gt3A_1077 = arith.cmpf ogt, %gather3A_1070, %get3A_173 : vector<16xf32>
      %eq3A_1078 = arith.cmpf oeq, %gather3A_1070, %get3A_173 : vector<16xf32>
      %lt3A_1079 = vector.broadcast %scan3A_1025 : i32 to vector<16xi32>
      %lt3A_1080 = arith.cmpi slt, %lt3A_1079, %add3A_3 : vector<16xi32>
      %and3A_1081 = arith.andi %eq3A_1078, %lt3A_1080 : vector<16xi1>
      %or3A_1082 = arith.ori %gt3A_1077, %and3A_1081 : vector<16xi1>
      %jit3A_1083 = arith.constant 1 : i32
      %jit3A_1084 = arith.constant 0 : i32
      %broadcast_in_dim3A_1085 = vector.broadcast %jit3A_1083 : i32 to vector<16xi32>
      %broadcast_in_dim3A_1086 = vector.broadcast %jit3A_1084 : i32 to vector<16xi32>
      %select_n3A_1087 = arith.select %or3A_1076, %broadcast_in_dim3A_1085, %broadcast_in_dim3A_1086 : vector<16xi1>, vector<16xi32>
      %add3A_1088 = arith.addi %add3A_1017, %select_n3A_1087 : vector<16xi32>
      %jit3A_1089 = arith.constant 1 : i32
      %jit3A_1090 = arith.constant 0 : i32
      %broadcast_in_dim3A_1091 = vector.broadcast %jit3A_1089 : i32 to vector<16xi32>
      %broadcast_in_dim3A_1092 = vector.broadcast %jit3A_1090 : i32 to vector<16xi32>
      %select_n3A_1093 = arith.select %or3A_1082, %broadcast_in_dim3A_1091, %broadcast_in_dim3A_1092 : vector<16xi1>, vector<16xi32>
      %add3A_1094 = arith.addi %add3A_1023, %select_n3A_1093 : vector<16xi32>
      scf.yield %add3A_1088, %add3A_1094 : vector<16xi32>, vector<16xi32>
    }
    %scan3A_179 = arith.constant 32 : i32
    %eq3A_180 = arith.constant 0 : i32
    %eq3A_181 = vector.broadcast %eq3A_180 : i32 to vector<16xi32>
    %eq3A_182 = arith.cmpi eq, %scan3A_178#0, %eq3A_181 : vector<16xi32>
    %jit3A_183 = arith.constant 0 : i32
    %broadcast_in_dim3A_184 = vector.broadcast %jit3A_183 : i32 to vector<16xi32>
    %select_n3A_185 = arith.select %eq3A_182, %iota3A, %broadcast_in_dim3A_184 : vector<16xi1>, vector<16xi32>
    %reduce_sum3A_186 = arith.constant true
    %reduce_sum3A_187 = vector.broadcast %reduce_sum3A_186 : i1 to vector<16xi1>
    %reduce_sum3A_188 = tpu.scan <sum>, %select_n3A_185 masked %reduce_sum3A_187 : vector<16xi32>, vector<16xi1> -> vector<16xi32>
    %reduce_sum3A_189 = vector.extract %reduce_sum3A_188[15] : i32 from vector<16xi32>
    %eq3A_190 = arith.constant 0 : i32
    %eq3A_191 = vector.broadcast %eq3A_190 : i32 to vector<16xi32>
    %eq3A_192 = arith.cmpi eq, %scan3A_178#1, %eq3A_191 : vector<16xi32>
    %jit3A_193 = arith.constant 0 : i32
    %broadcast_in_dim3A_194 = vector.broadcast %jit3A_193 : i32 to vector<16xi32>
    %select_n3A_195 = arith.select %eq3A_192, %add3A_3, %broadcast_in_dim3A_194 : vector<16xi1>, vector<16xi32>
    %reduce_sum3A_196 = arith.constant true
    %reduce_sum3A_197 = vector.broadcast %reduce_sum3A_196 : i1 to vector<16xi1>
    %reduce_sum3A_198 = tpu.scan <sum>, %select_n3A_195 masked %reduce_sum3A_197 : vector<16xi32>, vector<16xi1> -> vector<16xi32>
    %reduce_sum3A_199 = vector.extract %reduce_sum3A_198[15] : i32 from vector<16xi32>
    %add3A_200 = arith.addi %reduce_sum3A_189, %reduce_sum3A_199 : i32
    %mul3A_201 = arith.constant 32 : i32
    %mul3A_202 = arith.muli %add3A_161, %mul3A_201 : i32
    %add3A_203 = arith.addi %mul3A_202, %add3A_200 : i32
    %dma_start3A_204 = arith.constant 1 : i32
    %dma_start3A_205 = arith.constant 0 : i32
    %dma_start3A_206 = tpu.memref_slice %arg9[%dma_start3A_204, %dma_start3A_205] : memref<4x2048xi32, #tpu.memory_space<vmem>> -> memref<1x2048xi32, #tpu.memory_space<vmem>>
    %dma_start3A_207 = tpu.memref_squeeze %dma_start3A_206 : memref<1x2048xi32, #tpu.memory_space<vmem>> -> memref<2048xi32, #tpu.memory_space<vmem>>
    %dma_start3A_208 = arith.constant 0 : i32
    %dma_start3A_209 = tpu.memref_slice %arg2[%add3A_203, %dma_start3A_208] : memref<4096x2048xi32, #tpu.memory_space<hbm>> -> memref<1x2048xi32, #tpu.memory_space<hbm>>
    %dma_start3A_210 = tpu.memref_squeeze %dma_start3A_209 : memref<1x2048xi32, #tpu.memory_space<hbm>> -> memref<2048xi32, #tpu.memory_space<hbm>>
    %dma_start3A_211 = arith.constant 0 : i32
    %dma_start3A_212 = tpu.memref_slice %arg9[%dma_start3A_204, %dma_start3A_211] : memref<4x2048xi32, #tpu.memory_space<vmem>> -> memref<1x2048xi32, #tpu.memory_space<vmem>>
    %dma_start3A_213 = tpu.memref_squeeze %dma_start3A_212 : memref<1x2048xi32, #tpu.memory_space<vmem>> -> memref<2048xi32, #tpu.memory_space<vmem>>
    %dma_start3A_214 = arith.constant 0 : i32
    %dma_start3A_215 = tpu.memref_slice %arg2[%add3A_203, %dma_start3A_214] : memref<4096x2048xi32, #tpu.memory_space<hbm>> -> memref<1x2048xi32, #tpu.memory_space<hbm>>
    %dma_start3A_216 = tpu.memref_squeeze %dma_start3A_215 : memref<1x2048xi32, #tpu.memory_space<hbm>> -> memref<2048xi32, #tpu.memory_space<hbm>>
    tpu.enqueue_dma source(%dma_start3A_216 : memref<2048xi32, #tpu.memory_space<hbm>>) target(%dma_start3A_213 : memref<2048xi32, #tpu.memory_space<vmem>>) target_semaphore(%arg11 : memref<!tpu.dma_semaphore, #tpu.memory_space<semaphore_mem>>)
    %broadcast_in_dim3A_217 = arith.constant 1 : i32
    %broadcast_in_dim3A_218 = vector.broadcast %broadcast_in_dim3A_217 : i32 to vector<16xi32>
    %jit3A_219 = arith.constant 16 : i32
    %div3A_220 = vector.broadcast %jit3A_219 : i32 to vector<16xi32>
    %div3A_221 = arith.divsi %scan3A_178#0, %div3A_220 : vector<16xi32>
    %sign3A_222 = arith.constant 0 : i32
    %sign3A_223 = vector.broadcast %sign3A_222 : i32 to vector<16xi32>
    %sign3A_224 = arith.cmpi sgt, %scan3A_178#0, %sign3A_223 : vector<16xi32>
    %sign3A_225 = arith.extui %sign3A_224 : vector<16xi1> to vector<16xi32>
    %sign3A_226 = arith.constant 0 : i32
    %sign3A_227 = vector.broadcast %sign3A_226 : i32 to vector<16xi32>
    %sign3A_228 = arith.cmpi slt, %scan3A_178#0, %sign3A_227 : vector<16xi32>
    %sign3A_229 = arith.extui %sign3A_228 : vector<16xi1> to vector<16xi32>
    %sign3A_230 = arith.subi %sign3A_225, %sign3A_229 : vector<16xi32>
    %sign3A_231 = arith.constant 0 : i32
    %sign3A_232 = arith.cmpi sgt, %jit3A_219, %sign3A_231 : i32
    %sign3A_233 = arith.extui %sign3A_232 : i1 to i32
    %sign3A_234 = arith.constant 0 : i32
    %sign3A_235 = arith.cmpi slt, %jit3A_219, %sign3A_234 : i32
    %sign3A_236 = arith.extui %sign3A_235 : i1 to i32
    %sign3A_237 = arith.subi %sign3A_233, %sign3A_236 : i32
    %ne3A_238 = vector.broadcast %sign3A_237 : i32 to vector<16xi32>
    %ne3A_239 = arith.cmpi ne, %sign3A_230, %ne3A_238 : vector<16xi32>
    %rem3A_240 = vector.broadcast %jit3A_219 : i32 to vector<16xi32>
    %rem3A_241 = arith.remsi %scan3A_178#0, %rem3A_240 : vector<16xi32>
    %ne3A_242 = arith.constant 0 : i32
    %ne3A_243 = vector.broadcast %ne3A_242 : i32 to vector<16xi32>
    %ne3A_244 = arith.cmpi ne, %rem3A_241, %ne3A_243 : vector<16xi32>
    %and3A_245 = arith.andi %ne3A_239, %ne3A_244 : vector<16xi1>
    %sub3A_246 = arith.constant 1 : i32
    %sub3A_247 = vector.broadcast %sub3A_246 : i32 to vector<16xi32>
    %sub3A_248 = arith.subi %div3A_221, %sub3A_247 : vector<16xi32>
    %select_n3A_249 = arith.select %and3A_245, %sub3A_248, %div3A_221 : vector<16xi1>, vector<16xi32>
    %jit3A_250 = arith.constant 16 : i32
    %eq3A_251 = arith.constant 0 : i32
    %eq3A_252 = arith.cmpi eq, %jit3A_250, %eq3A_251 : i32
    %jit3A_253 = arith.constant 1 : i32
    %select_n3A_254 = arith.select %eq3A_252, %jit3A_253, %jit3A_250 : i32
    %rem3A_255 = vector.broadcast %select_n3A_254 : i32 to vector<16xi32>
    %rem3A_256 = arith.remsi %scan3A_178#0, %rem3A_255 : vector<16xi32>
    %ne3A_257 = arith.constant 0 : i32
    %ne3A_258 = vector.broadcast %ne3A_257 : i32 to vector<16xi32>
    %ne3A_259 = arith.cmpi ne, %rem3A_256, %ne3A_258 : vector<16xi32>
    %lt3A_260 = arith.constant 0 : i32
    %lt3A_261 = vector.broadcast %lt3A_260 : i32 to vector<16xi32>
    %lt3A_262 = arith.cmpi slt, %rem3A_256, %lt3A_261 : vector<16xi32>
    %lt3A_263 = arith.constant 0 : i32
    %lt3A_264 = arith.cmpi slt, %select_n3A_254, %lt3A_263 : i32
    %ne3A_265 = vector.broadcast %lt3A_264 : i1 to vector<16xi1>
    %ne3A_266 = vector.broadcast %ne3A_265 : vector<16xi1> to vector<16xi1>
    %ne3A_267 = arith.xori %lt3A_262, %ne3A_266 : vector<16xi1>
    %and3A_268 = arith.andi %ne3A_267, %ne3A_259 : vector<16xi1>
    %add3A_269 = vector.broadcast %select_n3A_254 : i32 to vector<16xi32>
    %add3A_270 = arith.addi %rem3A_256, %add3A_269 : vector<16xi32>
    %select_n3A_271 = arith.select %and3A_268, %add3A_270, %rem3A_256 : vector<16xi1>, vector<16xi32>
    tpu.vector_store_idx %arg8[%broadcast_in_dim3A_218, %select_n3A_249, %select_n3A_271], %get3A_167 : memref<4x2x16xf32, #tpu.memory_space<vmem>>[vector<16xi32>, vector<16xi32>, vector<16xi32>], vector<16xf32>,
    %jit3A_272 = arith.constant 16 : i32
    %div3A_273 = vector.broadcast %jit3A_272 : i32 to vector<16xi32>
    %div3A_274 = arith.divsi %scan3A_178#1, %div3A_273 : vector<16xi32>
    %sign3A_275 = arith.constant 0 : i32
    %sign3A_276 = vector.broadcast %sign3A_275 : i32 to vector<16xi32>
    %sign3A_277 = arith.cmpi sgt, %scan3A_178#1, %sign3A_276 : vector<16xi32>
    %sign3A_278 = arith.extui %sign3A_277 : vector<16xi1> to vector<16xi32>
    %sign3A_279 = arith.constant 0 : i32
    %sign3A_280 = vector.broadcast %sign3A_279 : i32 to vector<16xi32>
    %sign3A_281 = arith.cmpi slt, %scan3A_178#1, %sign3A_280 : vector<16xi32>
    %sign3A_282 = arith.extui %sign3A_281 : vector<16xi1> to vector<16xi32>
    %sign3A_283 = arith.subi %sign3A_278, %sign3A_282 : vector<16xi32>
    %sign3A_284 = arith.constant 0 : i32
    %sign3A_285 = arith.cmpi sgt, %jit3A_272, %sign3A_284 : i32
    %sign3A_286 = arith.extui %sign3A_285 : i1 to i32
    %sign3A_287 = arith.constant 0 : i32
    %sign3A_288 = arith.cmpi slt, %jit3A_272, %sign3A_287 : i32
    %sign3A_289 = arith.extui %sign3A_288 : i1 to i32
    %sign3A_290 = arith.subi %sign3A_286, %sign3A_289 : i32
    %ne3A_291 = vector.broadcast %sign3A_290 : i32 to vector<16xi32>
    %ne3A_292 = arith.cmpi ne, %sign3A_283, %ne3A_291 : vector<16xi32>
    %rem3A_293 = vector.broadcast %jit3A_272 : i32 to vector<16xi32>
    %rem3A_294 = arith.remsi %scan3A_178#1, %rem3A_293 : vector<16xi32>
    %ne3A_295 = arith.constant 0 : i32
    %ne3A_296 = vector.broadcast %ne3A_295 : i32 to vector<16xi32>
    %ne3A_297 = arith.cmpi ne, %rem3A_294, %ne3A_296 : vector<16xi32>
    %and3A_298 = arith.andi %ne3A_292, %ne3A_297 : vector<16xi1>
    %sub3A_299 = arith.constant 1 : i32
    %sub3A_300 = vector.broadcast %sub3A_299 : i32 to vector<16xi32>
    %sub3A_301 = arith.subi %div3A_274, %sub3A_300 : vector<16xi32>
    %select_n3A_302 = arith.select %and3A_298, %sub3A_301, %div3A_274 : vector<16xi1>, vector<16xi32>
    %jit3A_303 = arith.constant 16 : i32
    %eq3A_304 = arith.constant 0 : i32
    %eq3A_305 = arith.cmpi eq, %jit3A_303, %eq3A_304 : i32
    %jit3A_306 = arith.constant 1 : i32
    %select_n3A_307 = arith.select %eq3A_305, %jit3A_306, %jit3A_303 : i32
    %rem3A_308 = vector.broadcast %select_n3A_307 : i32 to vector<16xi32>
    %rem3A_309 = arith.remsi %scan3A_178#1, %rem3A_308 : vector<16xi32>
    %ne3A_310 = arith.constant 0 : i32
    %ne3A_311 = vector.broadcast %ne3A_310 : i32 to vector<16xi32>
    %ne3A_312 = arith.cmpi ne, %rem3A_309, %ne3A_311 : vector<16xi32>
    %lt3A_313 = arith.constant 0 : i32
    %lt3A_314 = vector.broadcast %lt3A_313 : i32 to vector<16xi32>
    %lt3A_315 = arith.cmpi slt, %rem3A_309, %lt3A_314 : vector<16xi32>
    %lt3A_316 = arith.constant 0 : i32
    %lt3A_317 = arith.cmpi slt, %select_n3A_307, %lt3A_316 : i32
    %ne3A_318 = vector.broadcast %lt3A_317 : i1 to vector<16xi1>
    %ne3A_319 = vector.broadcast %ne3A_318 : vector<16xi1> to vector<16xi1>
    %ne3A_320 = arith.xori %lt3A_315, %ne3A_319 : vector<16xi1>
    %and3A_321 = arith.andi %ne3A_320, %ne3A_312 : vector<16xi1>
    %add3A_322 = vector.broadcast %select_n3A_307 : i32 to vector<16xi32>
    %add3A_323 = arith.addi %rem3A_309, %add3A_322 : vector<16xi32>
    %select_n3A_324 = arith.select %and3A_321, %add3A_323, %rem3A_309 : vector<16xi1>, vector<16xi32>
    tpu.vector_store_idx %arg8[%broadcast_in_dim3A_218, %select_n3A_302, %select_n3A_324], %get3A_173 : memref<4x2x16xf32, #tpu.memory_space<vmem>>[vector<16xi32>, vector<16xi32>, vector<16xi32>], vector<16xf32>,
    %mul3A_325 = arith.constant 4 : i32
    %mul3A_326 = arith.muli %add3A, %mul3A_325 : i32
    %add3A_327 = arith.constant 2 : i32
    %add3A_328 = arith.addi %mul3A_326, %add3A_327 : i32
    %get3A_329 = arith.constant 2 : i32
    %get3A_330 = arith.constant 0 : i32
    %get3A_331 = arith.index_cast %get3A_329 : i32 to index
    %get3A_332 = arith.index_cast %get3A_330 : i32 to index
    %get3A_333 = arith.constant 0 : index
    %get3A_334 = tpu.vector_load %arg7[%get3A_331, %get3A_332, %get3A_333] {strides = array<i32>} : memref<4x2x16xf32, #tpu.memory_space<vmem>>, vector<16xf32>,
    %get3A_335 = arith.constant 2 : i32
    %get3A_336 = arith.constant 1 : i32
    %get3A_337 = arith.index_cast %get3A_335 : i32 to index
    %get3A_338 = arith.index_cast %get3A_336 : i32 to index
    %get3A_339 = arith.constant 0 : index
    %get3A_340 = tpu.vector_load %arg7[%get3A_337, %get3A_338, %get3A_339] {strides = array<i32>} : memref<4x2x16xf32, #tpu.memory_space<vmem>>, vector<16xf32>,
    %scan3A_341 = arith.constant 0 : i32
    %scan3A_342 = arith.constant 32 : i32
    %scan3A_343 = arith.addi %scan3A_341, %scan3A_342 : i32
    %scan3A_344 = arith.constant 4 : i32
    %scan3A_345:2 = scf.for %scan3A_813 = %scan3A_341 to %scan3A_343 step %scan3A_344 iter_args(%scan3A_814 = %broadcast_in_dim3A_4, %scan3A_815 = %broadcast_in_dim3A_4) -> (vector<16xi32>, vector<16xi32>)  : i32 {
      %broadcast_in_dim3A_816 = arith.constant 2 : i32
      %broadcast_in_dim3A_817 = vector.broadcast %broadcast_in_dim3A_816 : i32 to vector<16xi32>
      %jit3A_818 = arith.constant 16 : i32
      %div3A_819 = arith.divsi %scan3A_813, %jit3A_818 : i32
      %sign3A_820 = arith.constant 0 : i32
      %sign3A_821 = arith.cmpi sgt, %scan3A_813, %sign3A_820 : i32
      %sign3A_822 = arith.extui %sign3A_821 : i1 to i32
      %sign3A_823 = arith.constant 0 : i32
      %sign3A_824 = arith.cmpi slt, %scan3A_813, %sign3A_823 : i32
      %sign3A_825 = arith.extui %sign3A_824 : i1 to i32
      %sign3A_826 = arith.subi %sign3A_822, %sign3A_825 : i32
      %sign3A_827 = arith.constant 0 : i32
      %sign3A_828 = arith.cmpi sgt, %jit3A_818, %sign3A_827 : i32
      %sign3A_829 = arith.extui %sign3A_828 : i1 to i32
      %sign3A_830 = arith.constant 0 : i32
      %sign3A_831 = arith.cmpi slt, %jit3A_818, %sign3A_830 : i32
      %sign3A_832 = arith.extui %sign3A_831 : i1 to i32
      %sign3A_833 = arith.subi %sign3A_829, %sign3A_832 : i32
      %ne3A_834 = arith.cmpi ne, %sign3A_826, %sign3A_833 : i32
      %rem3A_835 = arith.remsi %scan3A_813, %jit3A_818 : i32
      %ne3A_836 = arith.constant 0 : i32
      %ne3A_837 = arith.cmpi ne, %rem3A_835, %ne3A_836 : i32
      %and3A_838 = arith.andi %ne3A_834, %ne3A_837 : i1
      %sub3A_839 = arith.constant 1 : i32
      %sub3A_840 = arith.subi %div3A_819, %sub3A_839 : i32
      %select_n3A_841 = arith.select %and3A_838, %sub3A_840, %div3A_819 : i32
      %broadcast_in_dim3A_842 = vector.broadcast %select_n3A_841 : i32 to vector<16xi32>
      %jit3A_843 = arith.constant 16 : i32
      %eq3A_844 = arith.constant 0 : i32
      %eq3A_845 = arith.cmpi eq, %jit3A_843, %eq3A_844 : i32
      %jit3A_846 = arith.constant 1 : i32
      %select_n3A_847 = arith.select %eq3A_845, %jit3A_846, %jit3A_843 : i32
      %rem3A_848 = arith.remsi %scan3A_813, %select_n3A_847 : i32
      %ne3A_849 = arith.constant 0 : i32
      %ne3A_850 = arith.cmpi ne, %rem3A_848, %ne3A_849 : i32
      %lt3A_851 = arith.constant 0 : i32
      %lt3A_852 = arith.cmpi slt, %rem3A_848, %lt3A_851 : i32
      %lt3A_853 = arith.constant 0 : i32
      %lt3A_854 = arith.cmpi slt, %select_n3A_847, %lt3A_853 : i32
      %ne3A_855 = arith.xori %lt3A_852, %lt3A_854 : i1
      %and3A_856 = arith.andi %ne3A_855, %ne3A_850 : i1
      %add3A_857 = arith.addi %rem3A_848, %select_n3A_847 : i32
      %select_n3A_858 = arith.select %and3A_856, %add3A_857, %rem3A_848 : i32
      %broadcast_in_dim3A_859 = vector.broadcast %select_n3A_858 : i32 to vector<16xi32>
      %gather3A = tpu.vector_load_idx %arg7[%broadcast_in_dim3A_817, %broadcast_in_dim3A_842, %broadcast_in_dim3A_859] : memref<4x2x16xf32, #tpu.memory_space<vmem>>[vector<16xi32>, vector<16xi32>, vector<16xi32>], vector<16xf32>,
      %gt3A = arith.cmpf ogt, %gather3A, %get3A_334 : vector<16xf32>
      %eq3A_860 = arith.cmpf oeq, %gather3A, %get3A_334 : vector<16xf32>
      %lt3A_861 = vector.broadcast %scan3A_813 : i32 to vector<16xi32>
      %lt3A_862 = arith.cmpi slt, %lt3A_861, %iota3A : vector<16xi32>
      %and3A_863 = arith.andi %eq3A_860, %lt3A_862 : vector<16xi1>
      %or3A = arith.ori %gt3A, %and3A_863 : vector<16xi1>
      %gt3A_864 = arith.cmpf ogt, %gather3A, %get3A_340 : vector<16xf32>
      %eq3A_865 = arith.cmpf oeq, %gather3A, %get3A_340 : vector<16xf32>
      %lt3A_866 = vector.broadcast %scan3A_813 : i32 to vector<16xi32>
      %lt3A_867 = arith.cmpi slt, %lt3A_866, %add3A_3 : vector<16xi32>
      %and3A_868 = arith.andi %eq3A_865, %lt3A_867 : vector<16xi1>
      %or3A_869 = arith.ori %gt3A_864, %and3A_868 : vector<16xi1>
      %jit3A_870 = arith.constant 1 : i32
      %jit3A_871 = arith.constant 0 : i32
      %broadcast_in_dim3A_872 = vector.broadcast %jit3A_870 : i32 to vector<16xi32>
      %broadcast_in_dim3A_873 = vector.broadcast %jit3A_871 : i32 to vector<16xi32>
      %select_n3A_874 = arith.select %or3A, %broadcast_in_dim3A_872, %broadcast_in_dim3A_873 : vector<16xi1>, vector<16xi32>
      %add3A_875 = arith.addi %scan3A_814, %select_n3A_874 : vector<16xi32>
      %jit3A_876 = arith.constant 1 : i32
      %jit3A_877 = arith.constant 0 : i32
      %broadcast_in_dim3A_878 = vector.broadcast %jit3A_876 : i32 to vector<16xi32>
      %broadcast_in_dim3A_879 = vector.broadcast %jit3A_877 : i32 to vector<16xi32>
      %select_n3A_880 = arith.select %or3A_869, %broadcast_in_dim3A_878, %broadcast_in_dim3A_879 : vector<16xi1>, vector<16xi32>
      %add3A_881 = arith.addi %scan3A_815, %select_n3A_880 : vector<16xi32>
      %scan3A_882 = arith.constant 1 : i32
      %scan3A_883 = arith.addi %scan3A_813, %scan3A_882 : i32
      %broadcast_in_dim3A_884 = arith.constant 2 : i32
      %broadcast_in_dim3A_885 = vector.broadcast %broadcast_in_dim3A_884 : i32 to vector<16xi32>
      %jit3A_886 = arith.constant 16 : i32
      %div3A_887 = arith.divsi %scan3A_883, %jit3A_886 : i32
      %sign3A_888 = arith.constant 0 : i32
      %sign3A_889 = arith.cmpi sgt, %scan3A_883, %sign3A_888 : i32
      %sign3A_890 = arith.extui %sign3A_889 : i1 to i32
      %sign3A_891 = arith.constant 0 : i32
      %sign3A_892 = arith.cmpi slt, %scan3A_883, %sign3A_891 : i32
      %sign3A_893 = arith.extui %sign3A_892 : i1 to i32
      %sign3A_894 = arith.subi %sign3A_890, %sign3A_893 : i32
      %sign3A_895 = arith.constant 0 : i32
      %sign3A_896 = arith.cmpi sgt, %jit3A_886, %sign3A_895 : i32
      %sign3A_897 = arith.extui %sign3A_896 : i1 to i32
      %sign3A_898 = arith.constant 0 : i32
      %sign3A_899 = arith.cmpi slt, %jit3A_886, %sign3A_898 : i32
      %sign3A_900 = arith.extui %sign3A_899 : i1 to i32
      %sign3A_901 = arith.subi %sign3A_897, %sign3A_900 : i32
      %ne3A_902 = arith.cmpi ne, %sign3A_894, %sign3A_901 : i32
      %rem3A_903 = arith.remsi %scan3A_883, %jit3A_886 : i32
      %ne3A_904 = arith.constant 0 : i32
      %ne3A_905 = arith.cmpi ne, %rem3A_903, %ne3A_904 : i32
      %and3A_906 = arith.andi %ne3A_902, %ne3A_905 : i1
      %sub3A_907 = arith.constant 1 : i32
      %sub3A_908 = arith.subi %div3A_887, %sub3A_907 : i32
      %select_n3A_909 = arith.select %and3A_906, %sub3A_908, %div3A_887 : i32
      %broadcast_in_dim3A_910 = vector.broadcast %select_n3A_909 : i32 to vector<16xi32>
      %jit3A_911 = arith.constant 16 : i32
      %eq3A_912 = arith.constant 0 : i32
      %eq3A_913 = arith.cmpi eq, %jit3A_911, %eq3A_912 : i32
      %jit3A_914 = arith.constant 1 : i32
      %select_n3A_915 = arith.select %eq3A_913, %jit3A_914, %jit3A_911 : i32
      %rem3A_916 = arith.remsi %scan3A_883, %select_n3A_915 : i32
      %ne3A_917 = arith.constant 0 : i32
      %ne3A_918 = arith.cmpi ne, %rem3A_916, %ne3A_917 : i32
      %lt3A_919 = arith.constant 0 : i32
      %lt3A_920 = arith.cmpi slt, %rem3A_916, %lt3A_919 : i32
      %lt3A_921 = arith.constant 0 : i32
      %lt3A_922 = arith.cmpi slt, %select_n3A_915, %lt3A_921 : i32
      %ne3A_923 = arith.xori %lt3A_920, %lt3A_922 : i1
      %and3A_924 = arith.andi %ne3A_923, %ne3A_918 : i1
      %add3A_925 = arith.addi %rem3A_916, %select_n3A_915 : i32
      %select_n3A_926 = arith.select %and3A_924, %add3A_925, %rem3A_916 : i32
      %broadcast_in_dim3A_927 = vector.broadcast %select_n3A_926 : i32 to vector<16xi32>
      %gather3A_928 = tpu.vector_load_idx %arg7[%broadcast_in_dim3A_885, %broadcast_in_dim3A_910, %broadcast_in_dim3A_927] : memref<4x2x16xf32, #tpu.memory_space<vmem>>[vector<16xi32>, vector<16xi32>, vector<16xi32>], vector<16xf32>,
      %gt3A_929 = arith.cmpf ogt, %gather3A_928, %get3A_334 : vector<16xf32>
      %eq3A_930 = arith.cmpf oeq, %gather3A_928, %get3A_334 : vector<16xf32>
      %lt3A_931 = vector.broadcast %scan3A_883 : i32 to vector<16xi32>
      %lt3A_932 = arith.cmpi slt, %lt3A_931, %iota3A : vector<16xi32>
      %and3A_933 = arith.andi %eq3A_930, %lt3A_932 : vector<16xi1>
      %or3A_934 = arith.ori %gt3A_929, %and3A_933 : vector<16xi1>
      %gt3A_935 = arith.cmpf ogt, %gather3A_928, %get3A_340 : vector<16xf32>
      %eq3A_936 = arith.cmpf oeq, %gather3A_928, %get3A_340 : vector<16xf32>
      %lt3A_937 = vector.broadcast %scan3A_883 : i32 to vector<16xi32>
      %lt3A_938 = arith.cmpi slt, %lt3A_937, %add3A_3 : vector<16xi32>
      %and3A_939 = arith.andi %eq3A_936, %lt3A_938 : vector<16xi1>
      %or3A_940 = arith.ori %gt3A_935, %and3A_939 : vector<16xi1>
      %jit3A_941 = arith.constant 1 : i32
      %jit3A_942 = arith.constant 0 : i32
      %broadcast_in_dim3A_943 = vector.broadcast %jit3A_941 : i32 to vector<16xi32>
      %broadcast_in_dim3A_944 = vector.broadcast %jit3A_942 : i32 to vector<16xi32>
      %select_n3A_945 = arith.select %or3A_934, %broadcast_in_dim3A_943, %broadcast_in_dim3A_944 : vector<16xi1>, vector<16xi32>
      %add3A_946 = arith.addi %add3A_875, %select_n3A_945 : vector<16xi32>
      %jit3A_947 = arith.constant 1 : i32
      %jit3A_948 = arith.constant 0 : i32
      %broadcast_in_dim3A_949 = vector.broadcast %jit3A_947 : i32 to vector<16xi32>
      %broadcast_in_dim3A_950 = vector.broadcast %jit3A_948 : i32 to vector<16xi32>
      %select_n3A_951 = arith.select %or3A_940, %broadcast_in_dim3A_949, %broadcast_in_dim3A_950 : vector<16xi1>, vector<16xi32>
      %add3A_952 = arith.addi %add3A_881, %select_n3A_951 : vector<16xi32>
      %scan3A_953 = arith.constant 2 : i32
      %scan3A_954 = arith.addi %scan3A_813, %scan3A_953 : i32
      %broadcast_in_dim3A_955 = arith.constant 2 : i32
      %broadcast_in_dim3A_956 = vector.broadcast %broadcast_in_dim3A_955 : i32 to vector<16xi32>
      %jit3A_957 = arith.constant 16 : i32
      %div3A_958 = arith.divsi %scan3A_954, %jit3A_957 : i32
      %sign3A_959 = arith.constant 0 : i32
      %sign3A_960 = arith.cmpi sgt, %scan3A_954, %sign3A_959 : i32
      %sign3A_961 = arith.extui %sign3A_960 : i1 to i32
      %sign3A_962 = arith.constant 0 : i32
      %sign3A_963 = arith.cmpi slt, %scan3A_954, %sign3A_962 : i32
      %sign3A_964 = arith.extui %sign3A_963 : i1 to i32
      %sign3A_965 = arith.subi %sign3A_961, %sign3A_964 : i32
      %sign3A_966 = arith.constant 0 : i32
      %sign3A_967 = arith.cmpi sgt, %jit3A_957, %sign3A_966 : i32
      %sign3A_968 = arith.extui %sign3A_967 : i1 to i32
      %sign3A_969 = arith.constant 0 : i32
      %sign3A_970 = arith.cmpi slt, %jit3A_957, %sign3A_969 : i32
      %sign3A_971 = arith.extui %sign3A_970 : i1 to i32
      %sign3A_972 = arith.subi %sign3A_968, %sign3A_971 : i32
      %ne3A_973 = arith.cmpi ne, %sign3A_965, %sign3A_972 : i32
      %rem3A_974 = arith.remsi %scan3A_954, %jit3A_957 : i32
      %ne3A_975 = arith.constant 0 : i32
      %ne3A_976 = arith.cmpi ne, %rem3A_974, %ne3A_975 : i32
      %and3A_977 = arith.andi %ne3A_973, %ne3A_976 : i1
      %sub3A_978 = arith.constant 1 : i32
      %sub3A_979 = arith.subi %div3A_958, %sub3A_978 : i32
      %select_n3A_980 = arith.select %and3A_977, %sub3A_979, %div3A_958 : i32
      %broadcast_in_dim3A_981 = vector.broadcast %select_n3A_980 : i32 to vector<16xi32>
      %jit3A_982 = arith.constant 16 : i32
      %eq3A_983 = arith.constant 0 : i32
      %eq3A_984 = arith.cmpi eq, %jit3A_982, %eq3A_983 : i32
      %jit3A_985 = arith.constant 1 : i32
      %select_n3A_986 = arith.select %eq3A_984, %jit3A_985, %jit3A_982 : i32
      %rem3A_987 = arith.remsi %scan3A_954, %select_n3A_986 : i32
      %ne3A_988 = arith.constant 0 : i32
      %ne3A_989 = arith.cmpi ne, %rem3A_987, %ne3A_988 : i32
      %lt3A_990 = arith.constant 0 : i32
      %lt3A_991 = arith.cmpi slt, %rem3A_987, %lt3A_990 : i32
      %lt3A_992 = arith.constant 0 : i32
      %lt3A_993 = arith.cmpi slt, %select_n3A_986, %lt3A_992 : i32
      %ne3A_994 = arith.xori %lt3A_991, %lt3A_993 : i1
      %and3A_995 = arith.andi %ne3A_994, %ne3A_989 : i1
      %add3A_996 = arith.addi %rem3A_987, %select_n3A_986 : i32
      %select_n3A_997 = arith.select %and3A_995, %add3A_996, %rem3A_987 : i32
      %broadcast_in_dim3A_998 = vector.broadcast %select_n3A_997 : i32 to vector<16xi32>
      %gather3A_999 = tpu.vector_load_idx %arg7[%broadcast_in_dim3A_956, %broadcast_in_dim3A_981, %broadcast_in_dim3A_998] : memref<4x2x16xf32, #tpu.memory_space<vmem>>[vector<16xi32>, vector<16xi32>, vector<16xi32>], vector<16xf32>,
      %gt3A_1000 = arith.cmpf ogt, %gather3A_999, %get3A_334 : vector<16xf32>
      %eq3A_1001 = arith.cmpf oeq, %gather3A_999, %get3A_334 : vector<16xf32>
      %lt3A_1002 = vector.broadcast %scan3A_954 : i32 to vector<16xi32>
      %lt3A_1003 = arith.cmpi slt, %lt3A_1002, %iota3A : vector<16xi32>
      %and3A_1004 = arith.andi %eq3A_1001, %lt3A_1003 : vector<16xi1>
      %or3A_1005 = arith.ori %gt3A_1000, %and3A_1004 : vector<16xi1>
      %gt3A_1006 = arith.cmpf ogt, %gather3A_999, %get3A_340 : vector<16xf32>
      %eq3A_1007 = arith.cmpf oeq, %gather3A_999, %get3A_340 : vector<16xf32>
      %lt3A_1008 = vector.broadcast %scan3A_954 : i32 to vector<16xi32>
      %lt3A_1009 = arith.cmpi slt, %lt3A_1008, %add3A_3 : vector<16xi32>
      %and3A_1010 = arith.andi %eq3A_1007, %lt3A_1009 : vector<16xi1>
      %or3A_1011 = arith.ori %gt3A_1006, %and3A_1010 : vector<16xi1>
      %jit3A_1012 = arith.constant 1 : i32
      %jit3A_1013 = arith.constant 0 : i32
      %broadcast_in_dim3A_1014 = vector.broadcast %jit3A_1012 : i32 to vector<16xi32>
      %broadcast_in_dim3A_1015 = vector.broadcast %jit3A_1013 : i32 to vector<16xi32>
      %select_n3A_1016 = arith.select %or3A_1005, %broadcast_in_dim3A_1014, %broadcast_in_dim3A_1015 : vector<16xi1>, vector<16xi32>
      %add3A_1017 = arith.addi %add3A_946, %select_n3A_1016 : vector<16xi32>
      %jit3A_1018 = arith.constant 1 : i32
      %jit3A_1019 = arith.constant 0 : i32
      %broadcast_in_dim3A_1020 = vector.broadcast %jit3A_1018 : i32 to vector<16xi32>
      %broadcast_in_dim3A_1021 = vector.broadcast %jit3A_1019 : i32 to vector<16xi32>
      %select_n3A_1022 = arith.select %or3A_1011, %broadcast_in_dim3A_1020, %broadcast_in_dim3A_1021 : vector<16xi1>, vector<16xi32>
      %add3A_1023 = arith.addi %add3A_952, %select_n3A_1022 : vector<16xi32>
      %scan3A_1024 = arith.constant 3 : i32
      %scan3A_1025 = arith.addi %scan3A_813, %scan3A_1024 : i32
      %broadcast_in_dim3A_1026 = arith.constant 2 : i32
      %broadcast_in_dim3A_1027 = vector.broadcast %broadcast_in_dim3A_1026 : i32 to vector<16xi32>
      %jit3A_1028 = arith.constant 16 : i32
      %div3A_1029 = arith.divsi %scan3A_1025, %jit3A_1028 : i32
      %sign3A_1030 = arith.constant 0 : i32
      %sign3A_1031 = arith.cmpi sgt, %scan3A_1025, %sign3A_1030 : i32
      %sign3A_1032 = arith.extui %sign3A_1031 : i1 to i32
      %sign3A_1033 = arith.constant 0 : i32
      %sign3A_1034 = arith.cmpi slt, %scan3A_1025, %sign3A_1033 : i32
      %sign3A_1035 = arith.extui %sign3A_1034 : i1 to i32
      %sign3A_1036 = arith.subi %sign3A_1032, %sign3A_1035 : i32
      %sign3A_1037 = arith.constant 0 : i32
      %sign3A_1038 = arith.cmpi sgt, %jit3A_1028, %sign3A_1037 : i32
      %sign3A_1039 = arith.extui %sign3A_1038 : i1 to i32
      %sign3A_1040 = arith.constant 0 : i32
      %sign3A_1041 = arith.cmpi slt, %jit3A_1028, %sign3A_1040 : i32
      %sign3A_1042 = arith.extui %sign3A_1041 : i1 to i32
      %sign3A_1043 = arith.subi %sign3A_1039, %sign3A_1042 : i32
      %ne3A_1044 = arith.cmpi ne, %sign3A_1036, %sign3A_1043 : i32
      %rem3A_1045 = arith.remsi %scan3A_1025, %jit3A_1028 : i32
      %ne3A_1046 = arith.constant 0 : i32
      %ne3A_1047 = arith.cmpi ne, %rem3A_1045, %ne3A_1046 : i32
      %and3A_1048 = arith.andi %ne3A_1044, %ne3A_1047 : i1
      %sub3A_1049 = arith.constant 1 : i32
      %sub3A_1050 = arith.subi %div3A_1029, %sub3A_1049 : i32
      %select_n3A_1051 = arith.select %and3A_1048, %sub3A_1050, %div3A_1029 : i32
      %broadcast_in_dim3A_1052 = vector.broadcast %select_n3A_1051 : i32 to vector<16xi32>
      %jit3A_1053 = arith.constant 16 : i32
      %eq3A_1054 = arith.constant 0 : i32
      %eq3A_1055 = arith.cmpi eq, %jit3A_1053, %eq3A_1054 : i32
      %jit3A_1056 = arith.constant 1 : i32
      %select_n3A_1057 = arith.select %eq3A_1055, %jit3A_1056, %jit3A_1053 : i32
      %rem3A_1058 = arith.remsi %scan3A_1025, %select_n3A_1057 : i32
      %ne3A_1059 = arith.constant 0 : i32
      %ne3A_1060 = arith.cmpi ne, %rem3A_1058, %ne3A_1059 : i32
      %lt3A_1061 = arith.constant 0 : i32
      %lt3A_1062 = arith.cmpi slt, %rem3A_1058, %lt3A_1061 : i32
      %lt3A_1063 = arith.constant 0 : i32
      %lt3A_1064 = arith.cmpi slt, %select_n3A_1057, %lt3A_1063 : i32
      %ne3A_1065 = arith.xori %lt3A_1062, %lt3A_1064 : i1
      %and3A_1066 = arith.andi %ne3A_1065, %ne3A_1060 : i1
      %add3A_1067 = arith.addi %rem3A_1058, %select_n3A_1057 : i32
      %select_n3A_1068 = arith.select %and3A_1066, %add3A_1067, %rem3A_1058 : i32
      %broadcast_in_dim3A_1069 = vector.broadcast %select_n3A_1068 : i32 to vector<16xi32>
      %gather3A_1070 = tpu.vector_load_idx %arg7[%broadcast_in_dim3A_1027, %broadcast_in_dim3A_1052, %broadcast_in_dim3A_1069] : memref<4x2x16xf32, #tpu.memory_space<vmem>>[vector<16xi32>, vector<16xi32>, vector<16xi32>], vector<16xf32>,
      %gt3A_1071 = arith.cmpf ogt, %gather3A_1070, %get3A_334 : vector<16xf32>
      %eq3A_1072 = arith.cmpf oeq, %gather3A_1070, %get3A_334 : vector<16xf32>
      %lt3A_1073 = vector.broadcast %scan3A_1025 : i32 to vector<16xi32>
      %lt3A_1074 = arith.cmpi slt, %lt3A_1073, %iota3A : vector<16xi32>
      %and3A_1075 = arith.andi %eq3A_1072, %lt3A_1074 : vector<16xi1>
      %or3A_1076 = arith.ori %gt3A_1071, %and3A_1075 : vector<16xi1>
      %gt3A_1077 = arith.cmpf ogt, %gather3A_1070, %get3A_340 : vector<16xf32>
      %eq3A_1078 = arith.cmpf oeq, %gather3A_1070, %get3A_340 : vector<16xf32>
      %lt3A_1079 = vector.broadcast %scan3A_1025 : i32 to vector<16xi32>
      %lt3A_1080 = arith.cmpi slt, %lt3A_1079, %add3A_3 : vector<16xi32>
      %and3A_1081 = arith.andi %eq3A_1078, %lt3A_1080 : vector<16xi1>
      %or3A_1082 = arith.ori %gt3A_1077, %and3A_1081 : vector<16xi1>
      %jit3A_1083 = arith.constant 1 : i32
      %jit3A_1084 = arith.constant 0 : i32
      %broadcast_in_dim3A_1085 = vector.broadcast %jit3A_1083 : i32 to vector<16xi32>
      %broadcast_in_dim3A_1086 = vector.broadcast %jit3A_1084 : i32 to vector<16xi32>
      %select_n3A_1087 = arith.select %or3A_1076, %broadcast_in_dim3A_1085, %broadcast_in_dim3A_1086 : vector<16xi1>, vector<16xi32>
      %add3A_1088 = arith.addi %add3A_1017, %select_n3A_1087 : vector<16xi32>
      %jit3A_1089 = arith.constant 1 : i32
      %jit3A_1090 = arith.constant 0 : i32
      %broadcast_in_dim3A_1091 = vector.broadcast %jit3A_1089 : i32 to vector<16xi32>
      %broadcast_in_dim3A_1092 = vector.broadcast %jit3A_1090 : i32 to vector<16xi32>
      %select_n3A_1093 = arith.select %or3A_1082, %broadcast_in_dim3A_1091, %broadcast_in_dim3A_1092 : vector<16xi1>, vector<16xi32>
      %add3A_1094 = arith.addi %add3A_1023, %select_n3A_1093 : vector<16xi32>
      scf.yield %add3A_1088, %add3A_1094 : vector<16xi32>, vector<16xi32>
    }
    %scan3A_346 = arith.constant 32 : i32
    %eq3A_347 = arith.constant 0 : i32
    %eq3A_348 = vector.broadcast %eq3A_347 : i32 to vector<16xi32>
    %eq3A_349 = arith.cmpi eq, %scan3A_345#0, %eq3A_348 : vector<16xi32>
    %jit3A_350 = arith.constant 0 : i32
    %broadcast_in_dim3A_351 = vector.broadcast %jit3A_350 : i32 to vector<16xi32>
    %select_n3A_352 = arith.select %eq3A_349, %iota3A, %broadcast_in_dim3A_351 : vector<16xi1>, vector<16xi32>
    %reduce_sum3A_353 = arith.constant true
    %reduce_sum3A_354 = vector.broadcast %reduce_sum3A_353 : i1 to vector<16xi1>
    %reduce_sum3A_355 = tpu.scan <sum>, %select_n3A_352 masked %reduce_sum3A_354 : vector<16xi32>, vector<16xi1> -> vector<16xi32>
    %reduce_sum3A_356 = vector.extract %reduce_sum3A_355[15] : i32 from vector<16xi32>
    %eq3A_357 = arith.constant 0 : i32
    %eq3A_358 = vector.broadcast %eq3A_357 : i32 to vector<16xi32>
    %eq3A_359 = arith.cmpi eq, %scan3A_345#1, %eq3A_358 : vector<16xi32>
    %jit3A_360 = arith.constant 0 : i32
    %broadcast_in_dim3A_361 = vector.broadcast %jit3A_360 : i32 to vector<16xi32>
    %select_n3A_362 = arith.select %eq3A_359, %add3A_3, %broadcast_in_dim3A_361 : vector<16xi1>, vector<16xi32>
    %reduce_sum3A_363 = arith.constant true
    %reduce_sum3A_364 = vector.broadcast %reduce_sum3A_363 : i1 to vector<16xi1>
    %reduce_sum3A_365 = tpu.scan <sum>, %select_n3A_362 masked %reduce_sum3A_364 : vector<16xi32>, vector<16xi1> -> vector<16xi32>
    %reduce_sum3A_366 = vector.extract %reduce_sum3A_365[15] : i32 from vector<16xi32>
    %add3A_367 = arith.addi %reduce_sum3A_356, %reduce_sum3A_366 : i32
    %mul3A_368 = arith.constant 32 : i32
    %mul3A_369 = arith.muli %add3A_328, %mul3A_368 : i32
    %add3A_370 = arith.addi %mul3A_369, %add3A_367 : i32
    %dma_start3A_371 = arith.constant 2 : i32
    %dma_start3A_372 = arith.constant 0 : i32
    %dma_start3A_373 = tpu.memref_slice %arg9[%dma_start3A_371, %dma_start3A_372] : memref<4x2048xi32, #tpu.memory_space<vmem>> -> memref<1x2048xi32, #tpu.memory_space<vmem>>
    %dma_start3A_374 = tpu.memref_squeeze %dma_start3A_373 : memref<1x2048xi32, #tpu.memory_space<vmem>> -> memref<2048xi32, #tpu.memory_space<vmem>>
    %dma_start3A_375 = arith.constant 0 : i32
    %dma_start3A_376 = tpu.memref_slice %arg2[%add3A_370, %dma_start3A_375] : memref<4096x2048xi32, #tpu.memory_space<hbm>> -> memref<1x2048xi32, #tpu.memory_space<hbm>>
    %dma_start3A_377 = tpu.memref_squeeze %dma_start3A_376 : memref<1x2048xi32, #tpu.memory_space<hbm>> -> memref<2048xi32, #tpu.memory_space<hbm>>
    %dma_start3A_378 = arith.constant 0 : i32
    %dma_start3A_379 = tpu.memref_slice %arg9[%dma_start3A_371, %dma_start3A_378] : memref<4x2048xi32, #tpu.memory_space<vmem>> -> memref<1x2048xi32, #tpu.memory_space<vmem>>
    %dma_start3A_380 = tpu.memref_squeeze %dma_start3A_379 : memref<1x2048xi32, #tpu.memory_space<vmem>> -> memref<2048xi32, #tpu.memory_space<vmem>>
    %dma_start3A_381 = arith.constant 0 : i32
    %dma_start3A_382 = tpu.memref_slice %arg2[%add3A_370, %dma_start3A_381] : memref<4096x2048xi32, #tpu.memory_space<hbm>> -> memref<1x2048xi32, #tpu.memory_space<hbm>>
    %dma_start3A_383 = tpu.memref_squeeze %dma_start3A_382 : memref<1x2048xi32, #tpu.memory_space<hbm>> -> memref<2048xi32, #tpu.memory_space<hbm>>
    tpu.enqueue_dma source(%dma_start3A_383 : memref<2048xi32, #tpu.memory_space<hbm>>) target(%dma_start3A_380 : memref<2048xi32, #tpu.memory_space<vmem>>) target_semaphore(%arg11 : memref<!tpu.dma_semaphore, #tpu.memory_space<semaphore_mem>>)
    %broadcast_in_dim3A_384 = arith.constant 2 : i32
    %broadcast_in_dim3A_385 = vector.broadcast %broadcast_in_dim3A_384 : i32 to vector<16xi32>
    %jit3A_386 = arith.constant 16 : i32
    %div3A_387 = vector.broadcast %jit3A_386 : i32 to vector<16xi32>
    %div3A_388 = arith.divsi %scan3A_345#0, %div3A_387 : vector<16xi32>
    %sign3A_389 = arith.constant 0 : i32
    %sign3A_390 = vector.broadcast %sign3A_389 : i32 to vector<16xi32>
    %sign3A_391 = arith.cmpi sgt, %scan3A_345#0, %sign3A_390 : vector<16xi32>
    %sign3A_392 = arith.extui %sign3A_391 : vector<16xi1> to vector<16xi32>
    %sign3A_393 = arith.constant 0 : i32
    %sign3A_394 = vector.broadcast %sign3A_393 : i32 to vector<16xi32>
    %sign3A_395 = arith.cmpi slt, %scan3A_345#0, %sign3A_394 : vector<16xi32>
    %sign3A_396 = arith.extui %sign3A_395 : vector<16xi1> to vector<16xi32>
    %sign3A_397 = arith.subi %sign3A_392, %sign3A_396 : vector<16xi32>
    %sign3A_398 = arith.constant 0 : i32
    %sign3A_399 = arith.cmpi sgt, %jit3A_386, %sign3A_398 : i32
    %sign3A_400 = arith.extui %sign3A_399 : i1 to i32
    %sign3A_401 = arith.constant 0 : i32
    %sign3A_402 = arith.cmpi slt, %jit3A_386, %sign3A_401 : i32
    %sign3A_403 = arith.extui %sign3A_402 : i1 to i32
    %sign3A_404 = arith.subi %sign3A_400, %sign3A_403 : i32
    %ne3A_405 = vector.broadcast %sign3A_404 : i32 to vector<16xi32>
    %ne3A_406 = arith.cmpi ne, %sign3A_397, %ne3A_405 : vector<16xi32>
    %rem3A_407 = vector.broadcast %jit3A_386 : i32 to vector<16xi32>
    %rem3A_408 = arith.remsi %scan3A_345#0, %rem3A_407 : vector<16xi32>
    %ne3A_409 = arith.constant 0 : i32
    %ne3A_410 = vector.broadcast %ne3A_409 : i32 to vector<16xi32>
    %ne3A_411 = arith.cmpi ne, %rem3A_408, %ne3A_410 : vector<16xi32>
    %and3A_412 = arith.andi %ne3A_406, %ne3A_411 : vector<16xi1>
    %sub3A_413 = arith.constant 1 : i32
    %sub3A_414 = vector.broadcast %sub3A_413 : i32 to vector<16xi32>
    %sub3A_415 = arith.subi %div3A_388, %sub3A_414 : vector<16xi32>
    %select_n3A_416 = arith.select %and3A_412, %sub3A_415, %div3A_388 : vector<16xi1>, vector<16xi32>
    %jit3A_417 = arith.constant 16 : i32
    %eq3A_418 = arith.constant 0 : i32
    %eq3A_419 = arith.cmpi eq, %jit3A_417, %eq3A_418 : i32
    %jit3A_420 = arith.constant 1 : i32
    %select_n3A_421 = arith.select %eq3A_419, %jit3A_420, %jit3A_417 : i32
    %rem3A_422 = vector.broadcast %select_n3A_421 : i32 to vector<16xi32>
    %rem3A_423 = arith.remsi %scan3A_345#0, %rem3A_422 : vector<16xi32>
    %ne3A_424 = arith.constant 0 : i32
    %ne3A_425 = vector.broadcast %ne3A_424 : i32 to vector<16xi32>
    %ne3A_426 = arith.cmpi ne, %rem3A_423, %ne3A_425 : vector<16xi32>
    %lt3A_427 = arith.constant 0 : i32
    %lt3A_428 = vector.broadcast %lt3A_427 : i32 to vector<16xi32>
    %lt3A_429 = arith.cmpi slt, %rem3A_423, %lt3A_428 : vector<16xi32>
    %lt3A_430 = arith.constant 0 : i32
    %lt3A_431 = arith.cmpi slt, %select_n3A_421, %lt3A_430 : i32
    %ne3A_432 = vector.broadcast %lt3A_431 : i1 to vector<16xi1>
    %ne3A_433 = vector.broadcast %ne3A_432 : vector<16xi1> to vector<16xi1>
    %ne3A_434 = arith.xori %lt3A_429, %ne3A_433 : vector<16xi1>
    %and3A_435 = arith.andi %ne3A_434, %ne3A_426 : vector<16xi1>
    %add3A_436 = vector.broadcast %select_n3A_421 : i32 to vector<16xi32>
    %add3A_437 = arith.addi %rem3A_423, %add3A_436 : vector<16xi32>
    %select_n3A_438 = arith.select %and3A_435, %add3A_437, %rem3A_423 : vector<16xi1>, vector<16xi32>
    tpu.vector_store_idx %arg8[%broadcast_in_dim3A_385, %select_n3A_416, %select_n3A_438], %get3A_334 : memref<4x2x16xf32, #tpu.memory_space<vmem>>[vector<16xi32>, vector<16xi32>, vector<16xi32>], vector<16xf32>,
    %jit3A_439 = arith.constant 16 : i32
    %div3A_440 = vector.broadcast %jit3A_439 : i32 to vector<16xi32>
    %div3A_441 = arith.divsi %scan3A_345#1, %div3A_440 : vector<16xi32>
    %sign3A_442 = arith.constant 0 : i32
    %sign3A_443 = vector.broadcast %sign3A_442 : i32 to vector<16xi32>
    %sign3A_444 = arith.cmpi sgt, %scan3A_345#1, %sign3A_443 : vector<16xi32>
    %sign3A_445 = arith.extui %sign3A_444 : vector<16xi1> to vector<16xi32>
    %sign3A_446 = arith.constant 0 : i32
    %sign3A_447 = vector.broadcast %sign3A_446 : i32 to vector<16xi32>
    %sign3A_448 = arith.cmpi slt, %scan3A_345#1, %sign3A_447 : vector<16xi32>
    %sign3A_449 = arith.extui %sign3A_448 : vector<16xi1> to vector<16xi32>
    %sign3A_450 = arith.subi %sign3A_445, %sign3A_449 : vector<16xi32>
    %sign3A_451 = arith.constant 0 : i32
    %sign3A_452 = arith.cmpi sgt, %jit3A_439, %sign3A_451 : i32
    %sign3A_453 = arith.extui %sign3A_452 : i1 to i32
    %sign3A_454 = arith.constant 0 : i32
    %sign3A_455 = arith.cmpi slt, %jit3A_439, %sign3A_454 : i32
    %sign3A_456 = arith.extui %sign3A_455 : i1 to i32
    %sign3A_457 = arith.subi %sign3A_453, %sign3A_456 : i32
    %ne3A_458 = vector.broadcast %sign3A_457 : i32 to vector<16xi32>
    %ne3A_459 = arith.cmpi ne, %sign3A_450, %ne3A_458 : vector<16xi32>
    %rem3A_460 = vector.broadcast %jit3A_439 : i32 to vector<16xi32>
    %rem3A_461 = arith.remsi %scan3A_345#1, %rem3A_460 : vector<16xi32>
    %ne3A_462 = arith.constant 0 : i32
    %ne3A_463 = vector.broadcast %ne3A_462 : i32 to vector<16xi32>
    %ne3A_464 = arith.cmpi ne, %rem3A_461, %ne3A_463 : vector<16xi32>
    %and3A_465 = arith.andi %ne3A_459, %ne3A_464 : vector<16xi1>
    %sub3A_466 = arith.constant 1 : i32
    %sub3A_467 = vector.broadcast %sub3A_466 : i32 to vector<16xi32>
    %sub3A_468 = arith.subi %div3A_441, %sub3A_467 : vector<16xi32>
    %select_n3A_469 = arith.select %and3A_465, %sub3A_468, %div3A_441 : vector<16xi1>, vector<16xi32>
    %jit3A_470 = arith.constant 16 : i32
    %eq3A_471 = arith.constant 0 : i32
    %eq3A_472 = arith.cmpi eq, %jit3A_470, %eq3A_471 : i32
    %jit3A_473 = arith.constant 1 : i32
    %select_n3A_474 = arith.select %eq3A_472, %jit3A_473, %jit3A_470 : i32
    %rem3A_475 = vector.broadcast %select_n3A_474 : i32 to vector<16xi32>
    %rem3A_476 = arith.remsi %scan3A_345#1, %rem3A_475 : vector<16xi32>
    %ne3A_477 = arith.constant 0 : i32
    %ne3A_478 = vector.broadcast %ne3A_477 : i32 to vector<16xi32>
    %ne3A_479 = arith.cmpi ne, %rem3A_476, %ne3A_478 : vector<16xi32>
    %lt3A_480 = arith.constant 0 : i32
    %lt3A_481 = vector.broadcast %lt3A_480 : i32 to vector<16xi32>
    %lt3A_482 = arith.cmpi slt, %rem3A_476, %lt3A_481 : vector<16xi32>
    %lt3A_483 = arith.constant 0 : i32
    %lt3A_484 = arith.cmpi slt, %select_n3A_474, %lt3A_483 : i32
    %ne3A_485 = vector.broadcast %lt3A_484 : i1 to vector<16xi1>
    %ne3A_486 = vector.broadcast %ne3A_485 : vector<16xi1> to vector<16xi1>
    %ne3A_487 = arith.xori %lt3A_482, %ne3A_486 : vector<16xi1>
    %and3A_488 = arith.andi %ne3A_487, %ne3A_479 : vector<16xi1>
    %add3A_489 = vector.broadcast %select_n3A_474 : i32 to vector<16xi32>
    %add3A_490 = arith.addi %rem3A_476, %add3A_489 : vector<16xi32>
    %select_n3A_491 = arith.select %and3A_488, %add3A_490, %rem3A_476 : vector<16xi1>, vector<16xi32>
    tpu.vector_store_idx %arg8[%broadcast_in_dim3A_385, %select_n3A_469, %select_n3A_491], %get3A_340 : memref<4x2x16xf32, #tpu.memory_space<vmem>>[vector<16xi32>, vector<16xi32>, vector<16xi32>], vector<16xf32>,
    %mul3A_492 = arith.constant 4 : i32
    %mul3A_493 = arith.muli %add3A, %mul3A_492 : i32
    %add3A_494 = arith.constant 3 : i32
    %add3A_495 = arith.addi %mul3A_493, %add3A_494 : i32
    %get3A_496 = arith.constant 3 : i32
    %get3A_497 = arith.constant 0 : i32
    %get3A_498 = arith.index_cast %get3A_496 : i32 to index
    %get3A_499 = arith.index_cast %get3A_497 : i32 to index
    %get3A_500 = arith.constant 0 : index
    %get3A_501 = tpu.vector_load %arg7[%get3A_498, %get3A_499, %get3A_500] {strides = array<i32>} : memref<4x2x16xf32, #tpu.memory_space<vmem>>, vector<16xf32>,
    %get3A_502 = arith.constant 3 : i32
    %get3A_503 = arith.constant 1 : i32
    %get3A_504 = arith.index_cast %get3A_502 : i32 to index
    %get3A_505 = arith.index_cast %get3A_503 : i32 to index
    %get3A_506 = arith.constant 0 : index
    %get3A_507 = tpu.vector_load %arg7[%get3A_504, %get3A_505, %get3A_506] {strides = array<i32>} : memref<4x2x16xf32, #tpu.memory_space<vmem>>, vector<16xf32>,
    %scan3A_508 = arith.constant 0 : i32
    %scan3A_509 = arith.constant 32 : i32
    %scan3A_510 = arith.addi %scan3A_508, %scan3A_509 : i32
    %scan3A_511 = arith.constant 4 : i32
    %scan3A_512:2 = scf.for %scan3A_813 = %scan3A_508 to %scan3A_510 step %scan3A_511 iter_args(%scan3A_814 = %broadcast_in_dim3A_4, %scan3A_815 = %broadcast_in_dim3A_4) -> (vector<16xi32>, vector<16xi32>)  : i32 {
      %broadcast_in_dim3A_816 = arith.constant 3 : i32
      %broadcast_in_dim3A_817 = vector.broadcast %broadcast_in_dim3A_816 : i32 to vector<16xi32>
      %jit3A_818 = arith.constant 16 : i32
      %div3A_819 = arith.divsi %scan3A_813, %jit3A_818 : i32
      %sign3A_820 = arith.constant 0 : i32
      %sign3A_821 = arith.cmpi sgt, %scan3A_813, %sign3A_820 : i32
      %sign3A_822 = arith.extui %sign3A_821 : i1 to i32
      %sign3A_823 = arith.constant 0 : i32
      %sign3A_824 = arith.cmpi slt, %scan3A_813, %sign3A_823 : i32
      %sign3A_825 = arith.extui %sign3A_824 : i1 to i32
      %sign3A_826 = arith.subi %sign3A_822, %sign3A_825 : i32
      %sign3A_827 = arith.constant 0 : i32
      %sign3A_828 = arith.cmpi sgt, %jit3A_818, %sign3A_827 : i32
      %sign3A_829 = arith.extui %sign3A_828 : i1 to i32
      %sign3A_830 = arith.constant 0 : i32
      %sign3A_831 = arith.cmpi slt, %jit3A_818, %sign3A_830 : i32
      %sign3A_832 = arith.extui %sign3A_831 : i1 to i32
      %sign3A_833 = arith.subi %sign3A_829, %sign3A_832 : i32
      %ne3A_834 = arith.cmpi ne, %sign3A_826, %sign3A_833 : i32
      %rem3A_835 = arith.remsi %scan3A_813, %jit3A_818 : i32
      %ne3A_836 = arith.constant 0 : i32
      %ne3A_837 = arith.cmpi ne, %rem3A_835, %ne3A_836 : i32
      %and3A_838 = arith.andi %ne3A_834, %ne3A_837 : i1
      %sub3A_839 = arith.constant 1 : i32
      %sub3A_840 = arith.subi %div3A_819, %sub3A_839 : i32
      %select_n3A_841 = arith.select %and3A_838, %sub3A_840, %div3A_819 : i32
      %broadcast_in_dim3A_842 = vector.broadcast %select_n3A_841 : i32 to vector<16xi32>
      %jit3A_843 = arith.constant 16 : i32
      %eq3A_844 = arith.constant 0 : i32
      %eq3A_845 = arith.cmpi eq, %jit3A_843, %eq3A_844 : i32
      %jit3A_846 = arith.constant 1 : i32
      %select_n3A_847 = arith.select %eq3A_845, %jit3A_846, %jit3A_843 : i32
      %rem3A_848 = arith.remsi %scan3A_813, %select_n3A_847 : i32
      %ne3A_849 = arith.constant 0 : i32
      %ne3A_850 = arith.cmpi ne, %rem3A_848, %ne3A_849 : i32
      %lt3A_851 = arith.constant 0 : i32
      %lt3A_852 = arith.cmpi slt, %rem3A_848, %lt3A_851 : i32
      %lt3A_853 = arith.constant 0 : i32
      %lt3A_854 = arith.cmpi slt, %select_n3A_847, %lt3A_853 : i32
      %ne3A_855 = arith.xori %lt3A_852, %lt3A_854 : i1
      %and3A_856 = arith.andi %ne3A_855, %ne3A_850 : i1
      %add3A_857 = arith.addi %rem3A_848, %select_n3A_847 : i32
      %select_n3A_858 = arith.select %and3A_856, %add3A_857, %rem3A_848 : i32
      %broadcast_in_dim3A_859 = vector.broadcast %select_n3A_858 : i32 to vector<16xi32>
      %gather3A = tpu.vector_load_idx %arg7[%broadcast_in_dim3A_817, %broadcast_in_dim3A_842, %broadcast_in_dim3A_859] : memref<4x2x16xf32, #tpu.memory_space<vmem>>[vector<16xi32>, vector<16xi32>, vector<16xi32>], vector<16xf32>,
      %gt3A = arith.cmpf ogt, %gather3A, %get3A_501 : vector<16xf32>
      %eq3A_860 = arith.cmpf oeq, %gather3A, %get3A_501 : vector<16xf32>
      %lt3A_861 = vector.broadcast %scan3A_813 : i32 to vector<16xi32>
      %lt3A_862 = arith.cmpi slt, %lt3A_861, %iota3A : vector<16xi32>
      %and3A_863 = arith.andi %eq3A_860, %lt3A_862 : vector<16xi1>
      %or3A = arith.ori %gt3A, %and3A_863 : vector<16xi1>
      %gt3A_864 = arith.cmpf ogt, %gather3A, %get3A_507 : vector<16xf32>
      %eq3A_865 = arith.cmpf oeq, %gather3A, %get3A_507 : vector<16xf32>
      %lt3A_866 = vector.broadcast %scan3A_813 : i32 to vector<16xi32>
      %lt3A_867 = arith.cmpi slt, %lt3A_866, %add3A_3 : vector<16xi32>
      %and3A_868 = arith.andi %eq3A_865, %lt3A_867 : vector<16xi1>
      %or3A_869 = arith.ori %gt3A_864, %and3A_868 : vector<16xi1>
      %jit3A_870 = arith.constant 1 : i32
      %jit3A_871 = arith.constant 0 : i32
      %broadcast_in_dim3A_872 = vector.broadcast %jit3A_870 : i32 to vector<16xi32>
      %broadcast_in_dim3A_873 = vector.broadcast %jit3A_871 : i32 to vector<16xi32>
      %select_n3A_874 = arith.select %or3A, %broadcast_in_dim3A_872, %broadcast_in_dim3A_873 : vector<16xi1>, vector<16xi32>
      %add3A_875 = arith.addi %scan3A_814, %select_n3A_874 : vector<16xi32>
      %jit3A_876 = arith.constant 1 : i32
      %jit3A_877 = arith.constant 0 : i32
      %broadcast_in_dim3A_878 = vector.broadcast %jit3A_876 : i32 to vector<16xi32>
      %broadcast_in_dim3A_879 = vector.broadcast %jit3A_877 : i32 to vector<16xi32>
      %select_n3A_880 = arith.select %or3A_869, %broadcast_in_dim3A_878, %broadcast_in_dim3A_879 : vector<16xi1>, vector<16xi32>
      %add3A_881 = arith.addi %scan3A_815, %select_n3A_880 : vector<16xi32>
      %scan3A_882 = arith.constant 1 : i32
      %scan3A_883 = arith.addi %scan3A_813, %scan3A_882 : i32
      %broadcast_in_dim3A_884 = arith.constant 3 : i32
      %broadcast_in_dim3A_885 = vector.broadcast %broadcast_in_dim3A_884 : i32 to vector<16xi32>
      %jit3A_886 = arith.constant 16 : i32
      %div3A_887 = arith.divsi %scan3A_883, %jit3A_886 : i32
      %sign3A_888 = arith.constant 0 : i32
      %sign3A_889 = arith.cmpi sgt, %scan3A_883, %sign3A_888 : i32
      %sign3A_890 = arith.extui %sign3A_889 : i1 to i32
      %sign3A_891 = arith.constant 0 : i32
      %sign3A_892 = arith.cmpi slt, %scan3A_883, %sign3A_891 : i32
      %sign3A_893 = arith.extui %sign3A_892 : i1 to i32
      %sign3A_894 = arith.subi %sign3A_890, %sign3A_893 : i32
      %sign3A_895 = arith.constant 0 : i32
      %sign3A_896 = arith.cmpi sgt, %jit3A_886, %sign3A_895 : i32
      %sign3A_897 = arith.extui %sign3A_896 : i1 to i32
      %sign3A_898 = arith.constant 0 : i32
      %sign3A_899 = arith.cmpi slt, %jit3A_886, %sign3A_898 : i32
      %sign3A_900 = arith.extui %sign3A_899 : i1 to i32
      %sign3A_901 = arith.subi %sign3A_897, %sign3A_900 : i32
      %ne3A_902 = arith.cmpi ne, %sign3A_894, %sign3A_901 : i32
      %rem3A_903 = arith.remsi %scan3A_883, %jit3A_886 : i32
      %ne3A_904 = arith.constant 0 : i32
      %ne3A_905 = arith.cmpi ne, %rem3A_903, %ne3A_904 : i32
      %and3A_906 = arith.andi %ne3A_902, %ne3A_905 : i1
      %sub3A_907 = arith.constant 1 : i32
      %sub3A_908 = arith.subi %div3A_887, %sub3A_907 : i32
      %select_n3A_909 = arith.select %and3A_906, %sub3A_908, %div3A_887 : i32
      %broadcast_in_dim3A_910 = vector.broadcast %select_n3A_909 : i32 to vector<16xi32>
      %jit3A_911 = arith.constant 16 : i32
      %eq3A_912 = arith.constant 0 : i32
      %eq3A_913 = arith.cmpi eq, %jit3A_911, %eq3A_912 : i32
      %jit3A_914 = arith.constant 1 : i32
      %select_n3A_915 = arith.select %eq3A_913, %jit3A_914, %jit3A_911 : i32
      %rem3A_916 = arith.remsi %scan3A_883, %select_n3A_915 : i32
      %ne3A_917 = arith.constant 0 : i32
      %ne3A_918 = arith.cmpi ne, %rem3A_916, %ne3A_917 : i32
      %lt3A_919 = arith.constant 0 : i32
      %lt3A_920 = arith.cmpi slt, %rem3A_916, %lt3A_919 : i32
      %lt3A_921 = arith.constant 0 : i32
      %lt3A_922 = arith.cmpi slt, %select_n3A_915, %lt3A_921 : i32
      %ne3A_923 = arith.xori %lt3A_920, %lt3A_922 : i1
      %and3A_924 = arith.andi %ne3A_923, %ne3A_918 : i1
      %add3A_925 = arith.addi %rem3A_916, %select_n3A_915 : i32
      %select_n3A_926 = arith.select %and3A_924, %add3A_925, %rem3A_916 : i32
      %broadcast_in_dim3A_927 = vector.broadcast %select_n3A_926 : i32 to vector<16xi32>
      %gather3A_928 = tpu.vector_load_idx %arg7[%broadcast_in_dim3A_885, %broadcast_in_dim3A_910, %broadcast_in_dim3A_927] : memref<4x2x16xf32, #tpu.memory_space<vmem>>[vector<16xi32>, vector<16xi32>, vector<16xi32>], vector<16xf32>,
      %gt3A_929 = arith.cmpf ogt, %gather3A_928, %get3A_501 : vector<16xf32>
      %eq3A_930 = arith.cmpf oeq, %gather3A_928, %get3A_501 : vector<16xf32>
      %lt3A_931 = vector.broadcast %scan3A_883 : i32 to vector<16xi32>
      %lt3A_932 = arith.cmpi slt, %lt3A_931, %iota3A : vector<16xi32>
      %and3A_933 = arith.andi %eq3A_930, %lt3A_932 : vector<16xi1>
      %or3A_934 = arith.ori %gt3A_929, %and3A_933 : vector<16xi1>
      %gt3A_935 = arith.cmpf ogt, %gather3A_928, %get3A_507 : vector<16xf32>
      %eq3A_936 = arith.cmpf oeq, %gather3A_928, %get3A_507 : vector<16xf32>
      %lt3A_937 = vector.broadcast %scan3A_883 : i32 to vector<16xi32>
      %lt3A_938 = arith.cmpi slt, %lt3A_937, %add3A_3 : vector<16xi32>
      %and3A_939 = arith.andi %eq3A_936, %lt3A_938 : vector<16xi1>
      %or3A_940 = arith.ori %gt3A_935, %and3A_939 : vector<16xi1>
      %jit3A_941 = arith.constant 1 : i32
      %jit3A_942 = arith.constant 0 : i32
      %broadcast_in_dim3A_943 = vector.broadcast %jit3A_941 : i32 to vector<16xi32>
      %broadcast_in_dim3A_944 = vector.broadcast %jit3A_942 : i32 to vector<16xi32>
      %select_n3A_945 = arith.select %or3A_934, %broadcast_in_dim3A_943, %broadcast_in_dim3A_944 : vector<16xi1>, vector<16xi32>
      %add3A_946 = arith.addi %add3A_875, %select_n3A_945 : vector<16xi32>
      %jit3A_947 = arith.constant 1 : i32
      %jit3A_948 = arith.constant 0 : i32
      %broadcast_in_dim3A_949 = vector.broadcast %jit3A_947 : i32 to vector<16xi32>
      %broadcast_in_dim3A_950 = vector.broadcast %jit3A_948 : i32 to vector<16xi32>
      %select_n3A_951 = arith.select %or3A_940, %broadcast_in_dim3A_949, %broadcast_in_dim3A_950 : vector<16xi1>, vector<16xi32>
      %add3A_952 = arith.addi %add3A_881, %select_n3A_951 : vector<16xi32>
      %scan3A_953 = arith.constant 2 : i32
      %scan3A_954 = arith.addi %scan3A_813, %scan3A_953 : i32
      %broadcast_in_dim3A_955 = arith.constant 3 : i32
      %broadcast_in_dim3A_956 = vector.broadcast %broadcast_in_dim3A_955 : i32 to vector<16xi32>
      %jit3A_957 = arith.constant 16 : i32
      %div3A_958 = arith.divsi %scan3A_954, %jit3A_957 : i32
      %sign3A_959 = arith.constant 0 : i32
      %sign3A_960 = arith.cmpi sgt, %scan3A_954, %sign3A_959 : i32
      %sign3A_961 = arith.extui %sign3A_960 : i1 to i32
      %sign3A_962 = arith.constant 0 : i32
      %sign3A_963 = arith.cmpi slt, %scan3A_954, %sign3A_962 : i32
      %sign3A_964 = arith.extui %sign3A_963 : i1 to i32
      %sign3A_965 = arith.subi %sign3A_961, %sign3A_964 : i32
      %sign3A_966 = arith.constant 0 : i32
      %sign3A_967 = arith.cmpi sgt, %jit3A_957, %sign3A_966 : i32
      %sign3A_968 = arith.extui %sign3A_967 : i1 to i32
      %sign3A_969 = arith.constant 0 : i32
      %sign3A_970 = arith.cmpi slt, %jit3A_957, %sign3A_969 : i32
      %sign3A_971 = arith.extui %sign3A_970 : i1 to i32
      %sign3A_972 = arith.subi %sign3A_968, %sign3A_971 : i32
      %ne3A_973 = arith.cmpi ne, %sign3A_965, %sign3A_972 : i32
      %rem3A_974 = arith.remsi %scan3A_954, %jit3A_957 : i32
      %ne3A_975 = arith.constant 0 : i32
      %ne3A_976 = arith.cmpi ne, %rem3A_974, %ne3A_975 : i32
      %and3A_977 = arith.andi %ne3A_973, %ne3A_976 : i1
      %sub3A_978 = arith.constant 1 : i32
      %sub3A_979 = arith.subi %div3A_958, %sub3A_978 : i32
      %select_n3A_980 = arith.select %and3A_977, %sub3A_979, %div3A_958 : i32
      %broadcast_in_dim3A_981 = vector.broadcast %select_n3A_980 : i32 to vector<16xi32>
      %jit3A_982 = arith.constant 16 : i32
      %eq3A_983 = arith.constant 0 : i32
      %eq3A_984 = arith.cmpi eq, %jit3A_982, %eq3A_983 : i32
      %jit3A_985 = arith.constant 1 : i32
      %select_n3A_986 = arith.select %eq3A_984, %jit3A_985, %jit3A_982 : i32
      %rem3A_987 = arith.remsi %scan3A_954, %select_n3A_986 : i32
      %ne3A_988 = arith.constant 0 : i32
      %ne3A_989 = arith.cmpi ne, %rem3A_987, %ne3A_988 : i32
      %lt3A_990 = arith.constant 0 : i32
      %lt3A_991 = arith.cmpi slt, %rem3A_987, %lt3A_990 : i32
      %lt3A_992 = arith.constant 0 : i32
      %lt3A_993 = arith.cmpi slt, %select_n3A_986, %lt3A_992 : i32
      %ne3A_994 = arith.xori %lt3A_991, %lt3A_993 : i1
      %and3A_995 = arith.andi %ne3A_994, %ne3A_989 : i1
      %add3A_996 = arith.addi %rem3A_987, %select_n3A_986 : i32
      %select_n3A_997 = arith.select %and3A_995, %add3A_996, %rem3A_987 : i32
      %broadcast_in_dim3A_998 = vector.broadcast %select_n3A_997 : i32 to vector<16xi32>
      %gather3A_999 = tpu.vector_load_idx %arg7[%broadcast_in_dim3A_956, %broadcast_in_dim3A_981, %broadcast_in_dim3A_998] : memref<4x2x16xf32, #tpu.memory_space<vmem>>[vector<16xi32>, vector<16xi32>, vector<16xi32>], vector<16xf32>,
      %gt3A_1000 = arith.cmpf ogt, %gather3A_999, %get3A_501 : vector<16xf32>
      %eq3A_1001 = arith.cmpf oeq, %gather3A_999, %get3A_501 : vector<16xf32>
      %lt3A_1002 = vector.broadcast %scan3A_954 : i32 to vector<16xi32>
      %lt3A_1003 = arith.cmpi slt, %lt3A_1002, %iota3A : vector<16xi32>
      %and3A_1004 = arith.andi %eq3A_1001, %lt3A_1003 : vector<16xi1>
      %or3A_1005 = arith.ori %gt3A_1000, %and3A_1004 : vector<16xi1>
      %gt3A_1006 = arith.cmpf ogt, %gather3A_999, %get3A_507 : vector<16xf32>
      %eq3A_1007 = arith.cmpf oeq, %gather3A_999, %get3A_507 : vector<16xf32>
      %lt3A_1008 = vector.broadcast %scan3A_954 : i32 to vector<16xi32>
      %lt3A_1009 = arith.cmpi slt, %lt3A_1008, %add3A_3 : vector<16xi32>
      %and3A_1010 = arith.andi %eq3A_1007, %lt3A_1009 : vector<16xi1>
      %or3A_1011 = arith.ori %gt3A_1006, %and3A_1010 : vector<16xi1>
      %jit3A_1012 = arith.constant 1 : i32
      %jit3A_1013 = arith.constant 0 : i32
      %broadcast_in_dim3A_1014 = vector.broadcast %jit3A_1012 : i32 to vector<16xi32>
      %broadcast_in_dim3A_1015 = vector.broadcast %jit3A_1013 : i32 to vector<16xi32>
      %select_n3A_1016 = arith.select %or3A_1005, %broadcast_in_dim3A_1014, %broadcast_in_dim3A_1015 : vector<16xi1>, vector<16xi32>
      %add3A_1017 = arith.addi %add3A_946, %select_n3A_1016 : vector<16xi32>
      %jit3A_1018 = arith.constant 1 : i32
      %jit3A_1019 = arith.constant 0 : i32
      %broadcast_in_dim3A_1020 = vector.broadcast %jit3A_1018 : i32 to vector<16xi32>
      %broadcast_in_dim3A_1021 = vector.broadcast %jit3A_1019 : i32 to vector<16xi32>
      %select_n3A_1022 = arith.select %or3A_1011, %broadcast_in_dim3A_1020, %broadcast_in_dim3A_1021 : vector<16xi1>, vector<16xi32>
      %add3A_1023 = arith.addi %add3A_952, %select_n3A_1022 : vector<16xi32>
      %scan3A_1024 = arith.constant 3 : i32
      %scan3A_1025 = arith.addi %scan3A_813, %scan3A_1024 : i32
      %broadcast_in_dim3A_1026 = arith.constant 3 : i32
      %broadcast_in_dim3A_1027 = vector.broadcast %broadcast_in_dim3A_1026 : i32 to vector<16xi32>
      %jit3A_1028 = arith.constant 16 : i32
      %div3A_1029 = arith.divsi %scan3A_1025, %jit3A_1028 : i32
      %sign3A_1030 = arith.constant 0 : i32
      %sign3A_1031 = arith.cmpi sgt, %scan3A_1025, %sign3A_1030 : i32
      %sign3A_1032 = arith.extui %sign3A_1031 : i1 to i32
      %sign3A_1033 = arith.constant 0 : i32
      %sign3A_1034 = arith.cmpi slt, %scan3A_1025, %sign3A_1033 : i32
      %sign3A_1035 = arith.extui %sign3A_1034 : i1 to i32
      %sign3A_1036 = arith.subi %sign3A_1032, %sign3A_1035 : i32
      %sign3A_1037 = arith.constant 0 : i32
      %sign3A_1038 = arith.cmpi sgt, %jit3A_1028, %sign3A_1037 : i32
      %sign3A_1039 = arith.extui %sign3A_1038 : i1 to i32
      %sign3A_1040 = arith.constant 0 : i32
      %sign3A_1041 = arith.cmpi slt, %jit3A_1028, %sign3A_1040 : i32
      %sign3A_1042 = arith.extui %sign3A_1041 : i1 to i32
      %sign3A_1043 = arith.subi %sign3A_1039, %sign3A_1042 : i32
      %ne3A_1044 = arith.cmpi ne, %sign3A_1036, %sign3A_1043 : i32
      %rem3A_1045 = arith.remsi %scan3A_1025, %jit3A_1028 : i32
      %ne3A_1046 = arith.constant 0 : i32
      %ne3A_1047 = arith.cmpi ne, %rem3A_1045, %ne3A_1046 : i32
      %and3A_1048 = arith.andi %ne3A_1044, %ne3A_1047 : i1
      %sub3A_1049 = arith.constant 1 : i32
      %sub3A_1050 = arith.subi %div3A_1029, %sub3A_1049 : i32
      %select_n3A_1051 = arith.select %and3A_1048, %sub3A_1050, %div3A_1029 : i32
      %broadcast_in_dim3A_1052 = vector.broadcast %select_n3A_1051 : i32 to vector<16xi32>
      %jit3A_1053 = arith.constant 16 : i32
      %eq3A_1054 = arith.constant 0 : i32
      %eq3A_1055 = arith.cmpi eq, %jit3A_1053, %eq3A_1054 : i32
      %jit3A_1056 = arith.constant 1 : i32
      %select_n3A_1057 = arith.select %eq3A_1055, %jit3A_1056, %jit3A_1053 : i32
      %rem3A_1058 = arith.remsi %scan3A_1025, %select_n3A_1057 : i32
      %ne3A_1059 = arith.constant 0 : i32
      %ne3A_1060 = arith.cmpi ne, %rem3A_1058, %ne3A_1059 : i32
      %lt3A_1061 = arith.constant 0 : i32
      %lt3A_1062 = arith.cmpi slt, %rem3A_1058, %lt3A_1061 : i32
      %lt3A_1063 = arith.constant 0 : i32
      %lt3A_1064 = arith.cmpi slt, %select_n3A_1057, %lt3A_1063 : i32
      %ne3A_1065 = arith.xori %lt3A_1062, %lt3A_1064 : i1
      %and3A_1066 = arith.andi %ne3A_1065, %ne3A_1060 : i1
      %add3A_1067 = arith.addi %rem3A_1058, %select_n3A_1057 : i32
      %select_n3A_1068 = arith.select %and3A_1066, %add3A_1067, %rem3A_1058 : i32
      %broadcast_in_dim3A_1069 = vector.broadcast %select_n3A_1068 : i32 to vector<16xi32>
      %gather3A_1070 = tpu.vector_load_idx %arg7[%broadcast_in_dim3A_1027, %broadcast_in_dim3A_1052, %broadcast_in_dim3A_1069] : memref<4x2x16xf32, #tpu.memory_space<vmem>>[vector<16xi32>, vector<16xi32>, vector<16xi32>], vector<16xf32>,
      %gt3A_1071 = arith.cmpf ogt, %gather3A_1070, %get3A_501 : vector<16xf32>
      %eq3A_1072 = arith.cmpf oeq, %gather3A_1070, %get3A_501 : vector<16xf32>
      %lt3A_1073 = vector.broadcast %scan3A_1025 : i32 to vector<16xi32>
      %lt3A_1074 = arith.cmpi slt, %lt3A_1073, %iota3A : vector<16xi32>
      %and3A_1075 = arith.andi %eq3A_1072, %lt3A_1074 : vector<16xi1>
      %or3A_1076 = arith.ori %gt3A_1071, %and3A_1075 : vector<16xi1>
      %gt3A_1077 = arith.cmpf ogt, %gather3A_1070, %get3A_507 : vector<16xf32>
      %eq3A_1078 = arith.cmpf oeq, %gather3A_1070, %get3A_507 : vector<16xf32>
      %lt3A_1079 = vector.broadcast %scan3A_1025 : i32 to vector<16xi32>
      %lt3A_1080 = arith.cmpi slt, %lt3A_1079, %add3A_3 : vector<16xi32>
      %and3A_1081 = arith.andi %eq3A_1078, %lt3A_1080 : vector<16xi1>
      %or3A_1082 = arith.ori %gt3A_1077, %and3A_1081 : vector<16xi1>
      %jit3A_1083 = arith.constant 1 : i32
      %jit3A_1084 = arith.constant 0 : i32
      %broadcast_in_dim3A_1085 = vector.broadcast %jit3A_1083 : i32 to vector<16xi32>
      %broadcast_in_dim3A_1086 = vector.broadcast %jit3A_1084 : i32 to vector<16xi32>
      %select_n3A_1087 = arith.select %or3A_1076, %broadcast_in_dim3A_1085, %broadcast_in_dim3A_1086 : vector<16xi1>, vector<16xi32>
      %add3A_1088 = arith.addi %add3A_1017, %select_n3A_1087 : vector<16xi32>
      %jit3A_1089 = arith.constant 1 : i32
      %jit3A_1090 = arith.constant 0 : i32
      %broadcast_in_dim3A_1091 = vector.broadcast %jit3A_1089 : i32 to vector<16xi32>
      %broadcast_in_dim3A_1092 = vector.broadcast %jit3A_1090 : i32 to vector<16xi32>
      %select_n3A_1093 = arith.select %or3A_1082, %broadcast_in_dim3A_1091, %broadcast_in_dim3A_1092 : vector<16xi1>, vector<16xi32>
      %add3A_1094 = arith.addi %add3A_1023, %select_n3A_1093 : vector<16xi32>
      scf.yield %add3A_1088, %add3A_1094 : vector<16xi32>, vector<16xi32>
    }
    %scan3A_513 = arith.constant 32 : i32
    %eq3A_514 = arith.constant 0 : i32
    %eq3A_515 = vector.broadcast %eq3A_514 : i32 to vector<16xi32>
    %eq3A_516 = arith.cmpi eq, %scan3A_512#0, %eq3A_515 : vector<16xi32>
    %jit3A_517 = arith.constant 0 : i32
    %broadcast_in_dim3A_518 = vector.broadcast %jit3A_517 : i32 to vector<16xi32>
    %select_n3A_519 = arith.select %eq3A_516, %iota3A, %broadcast_in_dim3A_518 : vector<16xi1>, vector<16xi32>
    %reduce_sum3A_520 = arith.constant true
    %reduce_sum3A_521 = vector.broadcast %reduce_sum3A_520 : i1 to vector<16xi1>
    %reduce_sum3A_522 = tpu.scan <sum>, %select_n3A_519 masked %reduce_sum3A_521 : vector<16xi32>, vector<16xi1> -> vector<16xi32>
    %reduce_sum3A_523 = vector.extract %reduce_sum3A_522[15] : i32 from vector<16xi32>
    %eq3A_524 = arith.constant 0 : i32
    %eq3A_525 = vector.broadcast %eq3A_524 : i32 to vector<16xi32>
    %eq3A_526 = arith.cmpi eq, %scan3A_512#1, %eq3A_525 : vector<16xi32>
    %jit3A_527 = arith.constant 0 : i32
    %broadcast_in_dim3A_528 = vector.broadcast %jit3A_527 : i32 to vector<16xi32>
    %select_n3A_529 = arith.select %eq3A_526, %add3A_3, %broadcast_in_dim3A_528 : vector<16xi1>, vector<16xi32>
    %reduce_sum3A_530 = arith.constant true
    %reduce_sum3A_531 = vector.broadcast %reduce_sum3A_530 : i1 to vector<16xi1>
    %reduce_sum3A_532 = tpu.scan <sum>, %select_n3A_529 masked %reduce_sum3A_531 : vector<16xi32>, vector<16xi1> -> vector<16xi32>
    %reduce_sum3A_533 = vector.extract %reduce_sum3A_532[15] : i32 from vector<16xi32>
    %add3A_534 = arith.addi %reduce_sum3A_523, %reduce_sum3A_533 : i32
    %mul3A_535 = arith.constant 32 : i32
    %mul3A_536 = arith.muli %add3A_495, %mul3A_535 : i32
    %add3A_537 = arith.addi %mul3A_536, %add3A_534 : i32
    %dma_start3A_538 = arith.constant 3 : i32
    %dma_start3A_539 = arith.constant 0 : i32
    %dma_start3A_540 = tpu.memref_slice %arg9[%dma_start3A_538, %dma_start3A_539] : memref<4x2048xi32, #tpu.memory_space<vmem>> -> memref<1x2048xi32, #tpu.memory_space<vmem>>
    %dma_start3A_541 = tpu.memref_squeeze %dma_start3A_540 : memref<1x2048xi32, #tpu.memory_space<vmem>> -> memref<2048xi32, #tpu.memory_space<vmem>>
    %dma_start3A_542 = arith.constant 0 : i32
    %dma_start3A_543 = tpu.memref_slice %arg2[%add3A_537, %dma_start3A_542] : memref<4096x2048xi32, #tpu.memory_space<hbm>> -> memref<1x2048xi32, #tpu.memory_space<hbm>>
    %dma_start3A_544 = tpu.memref_squeeze %dma_start3A_543 : memref<1x2048xi32, #tpu.memory_space<hbm>> -> memref<2048xi32, #tpu.memory_space<hbm>>
    %dma_start3A_545 = arith.constant 0 : i32
    %dma_start3A_546 = tpu.memref_slice %arg9[%dma_start3A_538, %dma_start3A_545] : memref<4x2048xi32, #tpu.memory_space<vmem>> -> memref<1x2048xi32, #tpu.memory_space<vmem>>
    %dma_start3A_547 = tpu.memref_squeeze %dma_start3A_546 : memref<1x2048xi32, #tpu.memory_space<vmem>> -> memref<2048xi32, #tpu.memory_space<vmem>>
    %dma_start3A_548 = arith.constant 0 : i32
    %dma_start3A_549 = tpu.memref_slice %arg2[%add3A_537, %dma_start3A_548] : memref<4096x2048xi32, #tpu.memory_space<hbm>> -> memref<1x2048xi32, #tpu.memory_space<hbm>>
    %dma_start3A_550 = tpu.memref_squeeze %dma_start3A_549 : memref<1x2048xi32, #tpu.memory_space<hbm>> -> memref<2048xi32, #tpu.memory_space<hbm>>
    tpu.enqueue_dma source(%dma_start3A_550 : memref<2048xi32, #tpu.memory_space<hbm>>) target(%dma_start3A_547 : memref<2048xi32, #tpu.memory_space<vmem>>) target_semaphore(%arg11 : memref<!tpu.dma_semaphore, #tpu.memory_space<semaphore_mem>>)
    %broadcast_in_dim3A_551 = arith.constant 3 : i32
    %broadcast_in_dim3A_552 = vector.broadcast %broadcast_in_dim3A_551 : i32 to vector<16xi32>
    %jit3A_553 = arith.constant 16 : i32
    %div3A_554 = vector.broadcast %jit3A_553 : i32 to vector<16xi32>
    %div3A_555 = arith.divsi %scan3A_512#0, %div3A_554 : vector<16xi32>
    %sign3A_556 = arith.constant 0 : i32
    %sign3A_557 = vector.broadcast %sign3A_556 : i32 to vector<16xi32>
    %sign3A_558 = arith.cmpi sgt, %scan3A_512#0, %sign3A_557 : vector<16xi32>
    %sign3A_559 = arith.extui %sign3A_558 : vector<16xi1> to vector<16xi32>
    %sign3A_560 = arith.constant 0 : i32
    %sign3A_561 = vector.broadcast %sign3A_560 : i32 to vector<16xi32>
    %sign3A_562 = arith.cmpi slt, %scan3A_512#0, %sign3A_561 : vector<16xi32>
    %sign3A_563 = arith.extui %sign3A_562 : vector<16xi1> to vector<16xi32>
    %sign3A_564 = arith.subi %sign3A_559, %sign3A_563 : vector<16xi32>
    %sign3A_565 = arith.constant 0 : i32
    %sign3A_566 = arith.cmpi sgt, %jit3A_553, %sign3A_565 : i32
    %sign3A_567 = arith.extui %sign3A_566 : i1 to i32
    %sign3A_568 = arith.constant 0 : i32
    %sign3A_569 = arith.cmpi slt, %jit3A_553, %sign3A_568 : i32
    %sign3A_570 = arith.extui %sign3A_569 : i1 to i32
    %sign3A_571 = arith.subi %sign3A_567, %sign3A_570 : i32
    %ne3A_572 = vector.broadcast %sign3A_571 : i32 to vector<16xi32>
    %ne3A_573 = arith.cmpi ne, %sign3A_564, %ne3A_572 : vector<16xi32>
    %rem3A_574 = vector.broadcast %jit3A_553 : i32 to vector<16xi32>
    %rem3A_575 = arith.remsi %scan3A_512#0, %rem3A_574 : vector<16xi32>
    %ne3A_576 = arith.constant 0 : i32
    %ne3A_577 = vector.broadcast %ne3A_576 : i32 to vector<16xi32>
    %ne3A_578 = arith.cmpi ne, %rem3A_575, %ne3A_577 : vector<16xi32>
    %and3A_579 = arith.andi %ne3A_573, %ne3A_578 : vector<16xi1>
    %sub3A_580 = arith.constant 1 : i32
    %sub3A_581 = vector.broadcast %sub3A_580 : i32 to vector<16xi32>
    %sub3A_582 = arith.subi %div3A_555, %sub3A_581 : vector<16xi32>
    %select_n3A_583 = arith.select %and3A_579, %sub3A_582, %div3A_555 : vector<16xi1>, vector<16xi32>
    %jit3A_584 = arith.constant 16 : i32
    %eq3A_585 = arith.constant 0 : i32
    %eq3A_586 = arith.cmpi eq, %jit3A_584, %eq3A_585 : i32
    %jit3A_587 = arith.constant 1 : i32
    %select_n3A_588 = arith.select %eq3A_586, %jit3A_587, %jit3A_584 : i32
    %rem3A_589 = vector.broadcast %select_n3A_588 : i32 to vector<16xi32>
    %rem3A_590 = arith.remsi %scan3A_512#0, %rem3A_589 : vector<16xi32>
    %ne3A_591 = arith.constant 0 : i32
    %ne3A_592 = vector.broadcast %ne3A_591 : i32 to vector<16xi32>
    %ne3A_593 = arith.cmpi ne, %rem3A_590, %ne3A_592 : vector<16xi32>
    %lt3A_594 = arith.constant 0 : i32
    %lt3A_595 = vector.broadcast %lt3A_594 : i32 to vector<16xi32>
    %lt3A_596 = arith.cmpi slt, %rem3A_590, %lt3A_595 : vector<16xi32>
    %lt3A_597 = arith.constant 0 : i32
    %lt3A_598 = arith.cmpi slt, %select_n3A_588, %lt3A_597 : i32
    %ne3A_599 = vector.broadcast %lt3A_598 : i1 to vector<16xi1>
    %ne3A_600 = vector.broadcast %ne3A_599 : vector<16xi1> to vector<16xi1>
    %ne3A_601 = arith.xori %lt3A_596, %ne3A_600 : vector<16xi1>
    %and3A_602 = arith.andi %ne3A_601, %ne3A_593 : vector<16xi1>
    %add3A_603 = vector.broadcast %select_n3A_588 : i32 to vector<16xi32>
    %add3A_604 = arith.addi %rem3A_590, %add3A_603 : vector<16xi32>
    %select_n3A_605 = arith.select %and3A_602, %add3A_604, %rem3A_590 : vector<16xi1>, vector<16xi32>
    tpu.vector_store_idx %arg8[%broadcast_in_dim3A_552, %select_n3A_583, %select_n3A_605], %get3A_501 : memref<4x2x16xf32, #tpu.memory_space<vmem>>[vector<16xi32>, vector<16xi32>, vector<16xi32>], vector<16xf32>,
    %jit3A_606 = arith.constant 16 : i32
    %div3A_607 = vector.broadcast %jit3A_606 : i32 to vector<16xi32>
    %div3A_608 = arith.divsi %scan3A_512#1, %div3A_607 : vector<16xi32>
    %sign3A_609 = arith.constant 0 : i32
    %sign3A_610 = vector.broadcast %sign3A_609 : i32 to vector<16xi32>
    %sign3A_611 = arith.cmpi sgt, %scan3A_512#1, %sign3A_610 : vector<16xi32>
    %sign3A_612 = arith.extui %sign3A_611 : vector<16xi1> to vector<16xi32>
    %sign3A_613 = arith.constant 0 : i32
    %sign3A_614 = vector.broadcast %sign3A_613 : i32 to vector<16xi32>
    %sign3A_615 = arith.cmpi slt, %scan3A_512#1, %sign3A_614 : vector<16xi32>
    %sign3A_616 = arith.extui %sign3A_615 : vector<16xi1> to vector<16xi32>
    %sign3A_617 = arith.subi %sign3A_612, %sign3A_616 : vector<16xi32>
    %sign3A_618 = arith.constant 0 : i32
    %sign3A_619 = arith.cmpi sgt, %jit3A_606, %sign3A_618 : i32
    %sign3A_620 = arith.extui %sign3A_619 : i1 to i32
    %sign3A_621 = arith.constant 0 : i32
    %sign3A_622 = arith.cmpi slt, %jit3A_606, %sign3A_621 : i32
    %sign3A_623 = arith.extui %sign3A_622 : i1 to i32
    %sign3A_624 = arith.subi %sign3A_620, %sign3A_623 : i32
    %ne3A_625 = vector.broadcast %sign3A_624 : i32 to vector<16xi32>
    %ne3A_626 = arith.cmpi ne, %sign3A_617, %ne3A_625 : vector<16xi32>
    %rem3A_627 = vector.broadcast %jit3A_606 : i32 to vector<16xi32>
    %rem3A_628 = arith.remsi %scan3A_512#1, %rem3A_627 : vector<16xi32>
    %ne3A_629 = arith.constant 0 : i32
    %ne3A_630 = vector.broadcast %ne3A_629 : i32 to vector<16xi32>
    %ne3A_631 = arith.cmpi ne, %rem3A_628, %ne3A_630 : vector<16xi32>
    %and3A_632 = arith.andi %ne3A_626, %ne3A_631 : vector<16xi1>
    %sub3A_633 = arith.constant 1 : i32
    %sub3A_634 = vector.broadcast %sub3A_633 : i32 to vector<16xi32>
    %sub3A_635 = arith.subi %div3A_608, %sub3A_634 : vector<16xi32>
    %select_n3A_636 = arith.select %and3A_632, %sub3A_635, %div3A_608 : vector<16xi1>, vector<16xi32>
    %jit3A_637 = arith.constant 16 : i32
    %eq3A_638 = arith.constant 0 : i32
    %eq3A_639 = arith.cmpi eq, %jit3A_637, %eq3A_638 : i32
    %jit3A_640 = arith.constant 1 : i32
    %select_n3A_641 = arith.select %eq3A_639, %jit3A_640, %jit3A_637 : i32
    %rem3A_642 = vector.broadcast %select_n3A_641 : i32 to vector<16xi32>
    %rem3A_643 = arith.remsi %scan3A_512#1, %rem3A_642 : vector<16xi32>
    %ne3A_644 = arith.constant 0 : i32
    %ne3A_645 = vector.broadcast %ne3A_644 : i32 to vector<16xi32>
    %ne3A_646 = arith.cmpi ne, %rem3A_643, %ne3A_645 : vector<16xi32>
    %lt3A_647 = arith.constant 0 : i32
    %lt3A_648 = vector.broadcast %lt3A_647 : i32 to vector<16xi32>
    %lt3A_649 = arith.cmpi slt, %rem3A_643, %lt3A_648 : vector<16xi32>
    %lt3A_650 = arith.constant 0 : i32
    %lt3A_651 = arith.cmpi slt, %select_n3A_641, %lt3A_650 : i32
    %ne3A_652 = vector.broadcast %lt3A_651 : i1 to vector<16xi1>
    %ne3A_653 = vector.broadcast %ne3A_652 : vector<16xi1> to vector<16xi1>
    %ne3A_654 = arith.xori %lt3A_649, %ne3A_653 : vector<16xi1>
    %and3A_655 = arith.andi %ne3A_654, %ne3A_646 : vector<16xi1>
    %add3A_656 = vector.broadcast %select_n3A_641 : i32 to vector<16xi32>
    %add3A_657 = arith.addi %rem3A_643, %add3A_656 : vector<16xi32>
    %select_n3A_658 = arith.select %and3A_655, %add3A_657, %rem3A_643 : vector<16xi1>, vector<16xi32>
    tpu.vector_store_idx %arg8[%broadcast_in_dim3A_552, %select_n3A_636, %select_n3A_658], %get3A_507 : memref<4x2x16xf32, #tpu.memory_space<vmem>>[vector<16xi32>, vector<16xi32>, vector<16xi32>], vector<16xf32>,
    %dma_start3A_659 = arith.constant 0 : i32
    %dma_start3A_660 = arith.constant 0 : i32
    %dma_start3A_661 = arith.constant 0 : i32
    %dma_start3A_662 = tpu.memref_slice %arg6[%add3A, %dma_start3A_659, %dma_start3A_660, %dma_start3A_661] : memref<32x4x2x16xf32, #tpu.memory_space<hbm>> -> memref<1x4x2x16xf32, #tpu.memory_space<hbm>>
    %dma_start3A_663 = tpu.memref_squeeze %dma_start3A_662 : memref<1x4x2x16xf32, #tpu.memory_space<hbm>> -> memref<4x2x16xf32, #tpu.memory_space<hbm>>
    %dma_start3A_664 = arith.constant 0 : i32
    %dma_start3A_665 = arith.constant 0 : i32
    %dma_start3A_666 = arith.constant 0 : i32
    %dma_start3A_667 = tpu.memref_slice %arg6[%add3A, %dma_start3A_664, %dma_start3A_665, %dma_start3A_666] : memref<32x4x2x16xf32, #tpu.memory_space<hbm>> -> memref<1x4x2x16xf32, #tpu.memory_space<hbm>>
    %dma_start3A_668 = tpu.memref_squeeze %dma_start3A_667 : memref<1x4x2x16xf32, #tpu.memory_space<hbm>> -> memref<4x2x16xf32, #tpu.memory_space<hbm>>
    tpu.enqueue_dma source(%arg8 : memref<4x2x16xf32, #tpu.memory_space<vmem>>) target(%dma_start3A_668 : memref<4x2x16xf32, #tpu.memory_space<hbm>>) target_semaphore(%arg12 : memref<!tpu.dma_semaphore, #tpu.memory_space<semaphore_mem>>)
    %dma_wait3A = arith.constant 0 : i32
    %dma_wait3A_669 = arith.constant 0 : i32
    %dma_wait3A_670 = tpu.memref_slice %arg9[%dma_wait3A, %dma_wait3A_669] : memref<4x2048xi32, #tpu.memory_space<vmem>> -> memref<1x2048xi32, #tpu.memory_space<vmem>>
    %dma_wait3A_671 = tpu.memref_squeeze %dma_wait3A_670 : memref<1x2048xi32, #tpu.memory_space<vmem>> -> memref<2048xi32, #tpu.memory_space<vmem>>
    %dma_wait3A_672 = arith.constant 0 : i32
    %dma_wait3A_673 = tpu.memref_slice %arg2[%add3A_44, %dma_wait3A_672] : memref<4096x2048xi32, #tpu.memory_space<hbm>> -> memref<1x2048xi32, #tpu.memory_space<hbm>>
    %dma_wait3A_674 = tpu.memref_squeeze %dma_wait3A_673 : memref<1x2048xi32, #tpu.memory_space<hbm>> -> memref<2048xi32, #tpu.memory_space<hbm>>
    %dma_wait3A_675 = arith.constant 0 : i32
    %dma_wait3A_676 = tpu.memref_slice %arg9[%dma_wait3A, %dma_wait3A_675] : memref<4x2048xi32, #tpu.memory_space<vmem>> -> memref<1x2048xi32, #tpu.memory_space<vmem>>
    %dma_wait3A_677 = tpu.memref_squeeze %dma_wait3A_676 : memref<1x2048xi32, #tpu.memory_space<vmem>> -> memref<2048xi32, #tpu.memory_space<vmem>>
    %dma_wait3A_678 = arith.constant 0 : i32
    %dma_wait3A_679 = tpu.memref_slice %arg2[%add3A_44, %dma_wait3A_678] : memref<4096x2048xi32, #tpu.memory_space<hbm>> -> memref<1x2048xi32, #tpu.memory_space<hbm>>
    %dma_wait3A_680 = tpu.memref_squeeze %dma_wait3A_679 : memref<1x2048xi32, #tpu.memory_space<hbm>> -> memref<2048xi32, #tpu.memory_space<hbm>>
    tpu.wait_dma2 semaphore(%arg11 : memref<!tpu.dma_semaphore, #tpu.memory_space<semaphore_mem>>) src(%dma_wait3A_680 : memref<2048xi32, #tpu.memory_space<hbm>>) dst(%dma_wait3A_677 : memref<2048xi32, #tpu.memory_space<vmem>>)
    %dma_wait3A_681 = arith.constant 1 : i32
    %dma_wait3A_682 = arith.constant 0 : i32
    %dma_wait3A_683 = tpu.memref_slice %arg9[%dma_wait3A_681, %dma_wait3A_682] : memref<4x2048xi32, #tpu.memory_space<vmem>> -> memref<1x2048xi32, #tpu.memory_space<vmem>>
    %dma_wait3A_684 = tpu.memref_squeeze %dma_wait3A_683 : memref<1x2048xi32, #tpu.memory_space<vmem>> -> memref<2048xi32, #tpu.memory_space<vmem>>
    %dma_wait3A_685 = arith.constant 0 : i32
    %dma_wait3A_686 = tpu.memref_slice %arg2[%add3A_203, %dma_wait3A_685] : memref<4096x2048xi32, #tpu.memory_space<hbm>> -> memref<1x2048xi32, #tpu.memory_space<hbm>>
    %dma_wait3A_687 = tpu.memref_squeeze %dma_wait3A_686 : memref<1x2048xi32, #tpu.memory_space<hbm>> -> memref<2048xi32, #tpu.memory_space<hbm>>
    %dma_wait3A_688 = arith.constant 0 : i32
    %dma_wait3A_689 = tpu.memref_slice %arg9[%dma_wait3A_681, %dma_wait3A_688] : memref<4x2048xi32, #tpu.memory_space<vmem>> -> memref<1x2048xi32, #tpu.memory_space<vmem>>
    %dma_wait3A_690 = tpu.memref_squeeze %dma_wait3A_689 : memref<1x2048xi32, #tpu.memory_space<vmem>> -> memref<2048xi32, #tpu.memory_space<vmem>>
    %dma_wait3A_691 = arith.constant 0 : i32
    %dma_wait3A_692 = tpu.memref_slice %arg2[%add3A_203, %dma_wait3A_691] : memref<4096x2048xi32, #tpu.memory_space<hbm>> -> memref<1x2048xi32, #tpu.memory_space<hbm>>
    %dma_wait3A_693 = tpu.memref_squeeze %dma_wait3A_692 : memref<1x2048xi32, #tpu.memory_space<hbm>> -> memref<2048xi32, #tpu.memory_space<hbm>>
    tpu.wait_dma2 semaphore(%arg11 : memref<!tpu.dma_semaphore, #tpu.memory_space<semaphore_mem>>) src(%dma_wait3A_693 : memref<2048xi32, #tpu.memory_space<hbm>>) dst(%dma_wait3A_690 : memref<2048xi32, #tpu.memory_space<vmem>>)
    %dma_wait3A_694 = arith.constant 2 : i32
    %dma_wait3A_695 = arith.constant 0 : i32
    %dma_wait3A_696 = tpu.memref_slice %arg9[%dma_wait3A_694, %dma_wait3A_695] : memref<4x2048xi32, #tpu.memory_space<vmem>> -> memref<1x2048xi32, #tpu.memory_space<vmem>>
    %dma_wait3A_697 = tpu.memref_squeeze %dma_wait3A_696 : memref<1x2048xi32, #tpu.memory_space<vmem>> -> memref<2048xi32, #tpu.memory_space<vmem>>
    %dma_wait3A_698 = arith.constant 0 : i32
    %dma_wait3A_699 = tpu.memref_slice %arg2[%add3A_370, %dma_wait3A_698] : memref<4096x2048xi32, #tpu.memory_space<hbm>> -> memref<1x2048xi32, #tpu.memory_space<hbm>>
    %dma_wait3A_700 = tpu.memref_squeeze %dma_wait3A_699 : memref<1x2048xi32, #tpu.memory_space<hbm>> -> memref<2048xi32, #tpu.memory_space<hbm>>
    %dma_wait3A_701 = arith.constant 0 : i32
    %dma_wait3A_702 = tpu.memref_slice %arg9[%dma_wait3A_694, %dma_wait3A_701] : memref<4x2048xi32, #tpu.memory_space<vmem>> -> memref<1x2048xi32, #tpu.memory_space<vmem>>
    %dma_wait3A_703 = tpu.memref_squeeze %dma_wait3A_702 : memref<1x2048xi32, #tpu.memory_space<vmem>> -> memref<2048xi32, #tpu.memory_space<vmem>>
    %dma_wait3A_704 = arith.constant 0 : i32
    %dma_wait3A_705 = tpu.memref_slice %arg2[%add3A_370, %dma_wait3A_704] : memref<4096x2048xi32, #tpu.memory_space<hbm>> -> memref<1x2048xi32, #tpu.memory_space<hbm>>
    %dma_wait3A_706 = tpu.memref_squeeze %dma_wait3A_705 : memref<1x2048xi32, #tpu.memory_space<hbm>> -> memref<2048xi32, #tpu.memory_space<hbm>>
    tpu.wait_dma2 semaphore(%arg11 : memref<!tpu.dma_semaphore, #tpu.memory_space<semaphore_mem>>) src(%dma_wait3A_706 : memref<2048xi32, #tpu.memory_space<hbm>>) dst(%dma_wait3A_703 : memref<2048xi32, #tpu.memory_space<vmem>>)
    %dma_wait3A_707 = arith.constant 3 : i32
    %dma_wait3A_708 = arith.constant 0 : i32
    %dma_wait3A_709 = tpu.memref_slice %arg9[%dma_wait3A_707, %dma_wait3A_708] : memref<4x2048xi32, #tpu.memory_space<vmem>> -> memref<1x2048xi32, #tpu.memory_space<vmem>>
    %dma_wait3A_710 = tpu.memref_squeeze %dma_wait3A_709 : memref<1x2048xi32, #tpu.memory_space<vmem>> -> memref<2048xi32, #tpu.memory_space<vmem>>
    %dma_wait3A_711 = arith.constant 0 : i32
    %dma_wait3A_712 = tpu.memref_slice %arg2[%add3A_537, %dma_wait3A_711] : memref<4096x2048xi32, #tpu.memory_space<hbm>> -> memref<1x2048xi32, #tpu.memory_space<hbm>>
    %dma_wait3A_713 = tpu.memref_squeeze %dma_wait3A_712 : memref<1x2048xi32, #tpu.memory_space<hbm>> -> memref<2048xi32, #tpu.memory_space<hbm>>
    %dma_wait3A_714 = arith.constant 0 : i32
    %dma_wait3A_715 = tpu.memref_slice %arg9[%dma_wait3A_707, %dma_wait3A_714] : memref<4x2048xi32, #tpu.memory_space<vmem>> -> memref<1x2048xi32, #tpu.memory_space<vmem>>
    %dma_wait3A_716 = tpu.memref_squeeze %dma_wait3A_715 : memref<1x2048xi32, #tpu.memory_space<vmem>> -> memref<2048xi32, #tpu.memory_space<vmem>>
    %dma_wait3A_717 = arith.constant 0 : i32
    %dma_wait3A_718 = tpu.memref_slice %arg2[%add3A_537, %dma_wait3A_717] : memref<4096x2048xi32, #tpu.memory_space<hbm>> -> memref<1x2048xi32, #tpu.memory_space<hbm>>
    %dma_wait3A_719 = tpu.memref_squeeze %dma_wait3A_718 : memref<1x2048xi32, #tpu.memory_space<hbm>> -> memref<2048xi32, #tpu.memory_space<hbm>>
    tpu.wait_dma2 semaphore(%arg11 : memref<!tpu.dma_semaphore, #tpu.memory_space<semaphore_mem>>) src(%dma_wait3A_719 : memref<2048xi32, #tpu.memory_space<hbm>>) dst(%dma_wait3A_716 : memref<2048xi32, #tpu.memory_space<vmem>>)
    %mul3A_720 = arith.constant 4 : i32
    %mul3A_721 = arith.muli %add3A, %mul3A_720 : i32
    %dma_start3A_722 = arith.constant 0 : i32
    %dma_start3A_723 = tpu.memref_slice %arg4[%mul3A_721, %dma_start3A_722] : memref<128x2048xi32, #tpu.memory_space<hbm>> -> memref<4x2048xi32, #tpu.memory_space<hbm>>
    %dma_start3A_724 = arith.constant 0 : i32
    %dma_start3A_725 = tpu.memref_slice %arg4[%mul3A_721, %dma_start3A_724] : memref<128x2048xi32, #tpu.memory_space<hbm>> -> memref<4x2048xi32, #tpu.memory_space<hbm>>
    tpu.enqueue_dma source(%arg9 : memref<4x2048xi32, #tpu.memory_space<vmem>>) target(%dma_start3A_725 : memref<4x2048xi32, #tpu.memory_space<hbm>>) target_semaphore(%arg11 : memref<!tpu.dma_semaphore, #tpu.memory_space<semaphore_mem>>)
    %scan3A_726 = arith.constant 0 : i32
    %scan3A_727 = arith.constant 32 : i32
    %scan3A_728 = arith.addi %scan3A_726, %scan3A_727 : i32
    %scan3A_729 = arith.constant 2 : i32
    %scan3A_730:4 = scf.for %scan3A_813 = %scan3A_726 to %scan3A_728 step %scan3A_729 iter_args(%scan3A_814 = %broadcast_in_dim3A_4, %scan3A_815 = %broadcast_in_dim3A_4, %scan3A_816 = %broadcast_in_dim3A_4, %scan3A_817 = %broadcast_in_dim3A_4) -> (vector<16xi32>, vector<16xi32>, vector<16xi32>, vector<16xi32>)  : i32 {
      %mul3A_818 = arith.constant 4 : i32
      %mul3A_819 = arith.muli %scan3A_813, %mul3A_818 : i32
      %add3A_820 = arith.constant 0 : i32
      %add3A_821 = arith.addi %mul3A_819, %add3A_820 : i32
      %mul3A_822 = arith.constant 16 : i32
      %mul3A_823 = arith.muli %add3A_821, %mul3A_822 : i32
      %get3A_824 = arith.constant 0 : i32
      %get3A_825 = arith.index_cast %get3A_824 : i32 to index
      %get3A_826 = arith.index_cast %mul3A_823 : i32 to index
      %get3A_827 = tpu.vector_load %arg9[%get3A_825, %get3A_826] {strides = array<i32>} : memref<4x2048xi32, #tpu.memory_space<vmem>>, vector<16xi32>,
      %ne3A_828 = arith.constant 0 : i32
      %ne3A_829 = vector.broadcast %ne3A_828 : i32 to vector<16xi32>
      %ne3A_830 = arith.cmpi ne, %get3A_827, %ne3A_829 : vector<16xi32>
      %jit3A_831 = arith.constant 1 : i32
      %jit3A_832 = arith.constant 0 : i32
      %broadcast_in_dim3A_833 = vector.broadcast %jit3A_831 : i32 to vector<16xi32>
      %broadcast_in_dim3A_834 = vector.broadcast %jit3A_832 : i32 to vector<16xi32>
      %select_n3A_835 = arith.select %ne3A_830, %broadcast_in_dim3A_833, %broadcast_in_dim3A_834 : vector<16xi1>, vector<16xi32>
      %add3A_836 = arith.addi %scan3A_814, %select_n3A_835 : vector<16xi32>
      %mul3A_837 = arith.constant 4 : i32
      %mul3A_838 = arith.muli %scan3A_813, %mul3A_837 : i32
      %add3A_839 = arith.constant 1 : i32
      %add3A_840 = arith.addi %mul3A_838, %add3A_839 : i32
      %mul3A_841 = arith.constant 16 : i32
      %mul3A_842 = arith.muli %add3A_840, %mul3A_841 : i32
      %get3A_843 = arith.constant 0 : i32
      %get3A_844 = arith.index_cast %get3A_843 : i32 to index
      %get3A_845 = arith.index_cast %mul3A_842 : i32 to index
      %get3A_846 = tpu.vector_load %arg9[%get3A_844, %get3A_845] {strides = array<i32>} : memref<4x2048xi32, #tpu.memory_space<vmem>>, vector<16xi32>,
      %ne3A_847 = arith.constant 0 : i32
      %ne3A_848 = vector.broadcast %ne3A_847 : i32 to vector<16xi32>
      %ne3A_849 = arith.cmpi ne, %get3A_846, %ne3A_848 : vector<16xi32>
      %jit3A_850 = arith.constant 1 : i32
      %jit3A_851 = arith.constant 0 : i32
      %broadcast_in_dim3A_852 = vector.broadcast %jit3A_850 : i32 to vector<16xi32>
      %broadcast_in_dim3A_853 = vector.broadcast %jit3A_851 : i32 to vector<16xi32>
      %select_n3A_854 = arith.select %ne3A_849, %broadcast_in_dim3A_852, %broadcast_in_dim3A_853 : vector<16xi1>, vector<16xi32>
      %add3A_855 = arith.addi %scan3A_815, %select_n3A_854 : vector<16xi32>
      %mul3A_856 = arith.constant 4 : i32
      %mul3A_857 = arith.muli %scan3A_813, %mul3A_856 : i32
      %add3A_858 = arith.constant 2 : i32
      %add3A_859 = arith.addi %mul3A_857, %add3A_858 : i32
      %mul3A_860 = arith.constant 16 : i32
      %mul3A_861 = arith.muli %add3A_859, %mul3A_860 : i32
      %get3A_862 = arith.constant 0 : i32
      %get3A_863 = arith.index_cast %get3A_862 : i32 to index
      %get3A_864 = arith.index_cast %mul3A_861 : i32 to index
      %get3A_865 = tpu.vector_load %arg9[%get3A_863, %get3A_864] {strides = array<i32>} : memref<4x2048xi32, #tpu.memory_space<vmem>>, vector<16xi32>,
      %ne3A_866 = arith.constant 0 : i32
      %ne3A_867 = vector.broadcast %ne3A_866 : i32 to vector<16xi32>
      %ne3A_868 = arith.cmpi ne, %get3A_865, %ne3A_867 : vector<16xi32>
      %jit3A_869 = arith.constant 1 : i32
      %jit3A_870 = arith.constant 0 : i32
      %broadcast_in_dim3A_871 = vector.broadcast %jit3A_869 : i32 to vector<16xi32>
      %broadcast_in_dim3A_872 = vector.broadcast %jit3A_870 : i32 to vector<16xi32>
      %select_n3A_873 = arith.select %ne3A_868, %broadcast_in_dim3A_871, %broadcast_in_dim3A_872 : vector<16xi1>, vector<16xi32>
      %add3A_874 = arith.addi %scan3A_816, %select_n3A_873 : vector<16xi32>
      %mul3A_875 = arith.constant 4 : i32
      %mul3A_876 = arith.muli %scan3A_813, %mul3A_875 : i32
      %add3A_877 = arith.constant 3 : i32
      %add3A_878 = arith.addi %mul3A_876, %add3A_877 : i32
      %mul3A_879 = arith.constant 16 : i32
      %mul3A_880 = arith.muli %add3A_878, %mul3A_879 : i32
      %get3A_881 = arith.constant 0 : i32
      %get3A_882 = arith.index_cast %get3A_881 : i32 to index
      %get3A_883 = arith.index_cast %mul3A_880 : i32 to index
      %get3A_884 = tpu.vector_load %arg9[%get3A_882, %get3A_883] {strides = array<i32>} : memref<4x2048xi32, #tpu.memory_space<vmem>>, vector<16xi32>,
      %ne3A_885 = arith.constant 0 : i32
      %ne3A_886 = vector.broadcast %ne3A_885 : i32 to vector<16xi32>
      %ne3A_887 = arith.cmpi ne, %get3A_884, %ne3A_886 : vector<16xi32>
      %jit3A_888 = arith.constant 1 : i32
      %jit3A_889 = arith.constant 0 : i32
      %broadcast_in_dim3A_890 = vector.broadcast %jit3A_888 : i32 to vector<16xi32>
      %broadcast_in_dim3A_891 = vector.broadcast %jit3A_889 : i32 to vector<16xi32>
      %select_n3A_892 = arith.select %ne3A_887, %broadcast_in_dim3A_890, %broadcast_in_dim3A_891 : vector<16xi1>, vector<16xi32>
      %add3A_893 = arith.addi %scan3A_817, %select_n3A_892 : vector<16xi32>
      %scan3A_894 = arith.constant 1 : i32
      %scan3A_895 = arith.addi %scan3A_813, %scan3A_894 : i32
      %mul3A_896 = arith.constant 4 : i32
      %mul3A_897 = arith.muli %scan3A_895, %mul3A_896 : i32
      %add3A_898 = arith.constant 0 : i32
      %add3A_899 = arith.addi %mul3A_897, %add3A_898 : i32
      %mul3A_900 = arith.constant 16 : i32
      %mul3A_901 = arith.muli %add3A_899, %mul3A_900 : i32
      %get3A_902 = arith.constant 0 : i32
      %get3A_903 = arith.index_cast %get3A_902 : i32 to index
      %get3A_904 = arith.index_cast %mul3A_901 : i32 to index
      %get3A_905 = tpu.vector_load %arg9[%get3A_903, %get3A_904] {strides = array<i32>} : memref<4x2048xi32, #tpu.memory_space<vmem>>, vector<16xi32>,
      %ne3A_906 = arith.constant 0 : i32
      %ne3A_907 = vector.broadcast %ne3A_906 : i32 to vector<16xi32>
      %ne3A_908 = arith.cmpi ne, %get3A_905, %ne3A_907 : vector<16xi32>
      %jit3A_909 = arith.constant 1 : i32
      %jit3A_910 = arith.constant 0 : i32
      %broadcast_in_dim3A_911 = vector.broadcast %jit3A_909 : i32 to vector<16xi32>
      %broadcast_in_dim3A_912 = vector.broadcast %jit3A_910 : i32 to vector<16xi32>
      %select_n3A_913 = arith.select %ne3A_908, %broadcast_in_dim3A_911, %broadcast_in_dim3A_912 : vector<16xi1>, vector<16xi32>
      %add3A_914 = arith.addi %add3A_836, %select_n3A_913 : vector<16xi32>
      %mul3A_915 = arith.constant 4 : i32
      %mul3A_916 = arith.muli %scan3A_895, %mul3A_915 : i32
      %add3A_917 = arith.constant 1 : i32
      %add3A_918 = arith.addi %mul3A_916, %add3A_917 : i32
      %mul3A_919 = arith.constant 16 : i32
      %mul3A_920 = arith.muli %add3A_918, %mul3A_919 : i32
      %get3A_921 = arith.constant 0 : i32
      %get3A_922 = arith.index_cast %get3A_921 : i32 to index
      %get3A_923 = arith.index_cast %mul3A_920 : i32 to index
      %get3A_924 = tpu.vector_load %arg9[%get3A_922, %get3A_923] {strides = array<i32>} : memref<4x2048xi32, #tpu.memory_space<vmem>>, vector<16xi32>,
      %ne3A_925 = arith.constant 0 : i32
      %ne3A_926 = vector.broadcast %ne3A_925 : i32 to vector<16xi32>
      %ne3A_927 = arith.cmpi ne, %get3A_924, %ne3A_926 : vector<16xi32>
      %jit3A_928 = arith.constant 1 : i32
      %jit3A_929 = arith.constant 0 : i32
      %broadcast_in_dim3A_930 = vector.broadcast %jit3A_928 : i32 to vector<16xi32>
      %broadcast_in_dim3A_931 = vector.broadcast %jit3A_929 : i32 to vector<16xi32>
      %select_n3A_932 = arith.select %ne3A_927, %broadcast_in_dim3A_930, %broadcast_in_dim3A_931 : vector<16xi1>, vector<16xi32>
      %add3A_933 = arith.addi %add3A_855, %select_n3A_932 : vector<16xi32>
      %mul3A_934 = arith.constant 4 : i32
      %mul3A_935 = arith.muli %scan3A_895, %mul3A_934 : i32
      %add3A_936 = arith.constant 2 : i32
      %add3A_937 = arith.addi %mul3A_935, %add3A_936 : i32
      %mul3A_938 = arith.constant 16 : i32
      %mul3A_939 = arith.muli %add3A_937, %mul3A_938 : i32
      %get3A_940 = arith.constant 0 : i32
      %get3A_941 = arith.index_cast %get3A_940 : i32 to index
      %get3A_942 = arith.index_cast %mul3A_939 : i32 to index
      %get3A_943 = tpu.vector_load %arg9[%get3A_941, %get3A_942] {strides = array<i32>} : memref<4x2048xi32, #tpu.memory_space<vmem>>, vector<16xi32>,
      %ne3A_944 = arith.constant 0 : i32
      %ne3A_945 = vector.broadcast %ne3A_944 : i32 to vector<16xi32>
      %ne3A_946 = arith.cmpi ne, %get3A_943, %ne3A_945 : vector<16xi32>
      %jit3A_947 = arith.constant 1 : i32
      %jit3A_948 = arith.constant 0 : i32
      %broadcast_in_dim3A_949 = vector.broadcast %jit3A_947 : i32 to vector<16xi32>
      %broadcast_in_dim3A_950 = vector.broadcast %jit3A_948 : i32 to vector<16xi32>
      %select_n3A_951 = arith.select %ne3A_946, %broadcast_in_dim3A_949, %broadcast_in_dim3A_950 : vector<16xi1>, vector<16xi32>
      %add3A_952 = arith.addi %add3A_874, %select_n3A_951 : vector<16xi32>
      %mul3A_953 = arith.constant 4 : i32
      %mul3A_954 = arith.muli %scan3A_895, %mul3A_953 : i32
      %add3A_955 = arith.constant 3 : i32
      %add3A_956 = arith.addi %mul3A_954, %add3A_955 : i32
      %mul3A_957 = arith.constant 16 : i32
      %mul3A_958 = arith.muli %add3A_956, %mul3A_957 : i32
      %get3A_959 = arith.constant 0 : i32
      %get3A_960 = arith.index_cast %get3A_959 : i32 to index
      %get3A_961 = arith.index_cast %mul3A_958 : i32 to index
      %get3A_962 = tpu.vector_load %arg9[%get3A_960, %get3A_961] {strides = array<i32>} : memref<4x2048xi32, #tpu.memory_space<vmem>>, vector<16xi32>,
      %ne3A_963 = arith.constant 0 : i32
      %ne3A_964 = vector.broadcast %ne3A_963 : i32 to vector<16xi32>
      %ne3A_965 = arith.cmpi ne, %get3A_962, %ne3A_964 : vector<16xi32>
      %jit3A_966 = arith.constant 1 : i32
      %jit3A_967 = arith.constant 0 : i32
      %broadcast_in_dim3A_968 = vector.broadcast %jit3A_966 : i32 to vector<16xi32>
      %broadcast_in_dim3A_969 = vector.broadcast %jit3A_967 : i32 to vector<16xi32>
      %select_n3A_970 = arith.select %ne3A_965, %broadcast_in_dim3A_968, %broadcast_in_dim3A_969 : vector<16xi1>, vector<16xi32>
      %add3A_971 = arith.addi %add3A_893, %select_n3A_970 : vector<16xi32>
      scf.yield %add3A_914, %add3A_933, %add3A_952, %add3A_971 : vector<16xi32>, vector<16xi32>, vector<16xi32>, vector<16xi32>
    }
    %scan3A_731 = arith.constant 32 : i32
    %add3A_732 = arith.addi %scan3A_730#0, %scan3A_730#1 : vector<16xi32>
    %add3A_733 = arith.addi %add3A_732, %scan3A_730#2 : vector<16xi32>
    %add3A_734 = arith.addi %add3A_733, %scan3A_730#3 : vector<16xi32>
    %reduce_sum3A_735 = arith.constant true
    %reduce_sum3A_736 = vector.broadcast %reduce_sum3A_735 : i1 to vector<16xi1>
    %reduce_sum3A_737 = tpu.scan <sum>, %add3A_734 masked %reduce_sum3A_736 : vector<16xi32>, vector<16xi1> -> vector<16xi32>
    %reduce_sum3A_738 = vector.extract %reduce_sum3A_737[15] : i32 from vector<16xi32>
    %eq3A_739 = arith.constant 0 : i32
    %eq3A_740 = vector.broadcast %eq3A_739 : i32 to vector<16xi32>
    %eq3A_741 = arith.cmpi eq, %iota3A, %eq3A_740 : vector<16xi32>
    %broadcast_in_dim3A_742 = vector.broadcast %reduce_sum3A_738 : i32 to vector<16xi32>
    %select_n3A_743 = arith.select %eq3A_741, %broadcast_in_dim3A_742, %broadcast_in_dim3A_4 : vector<16xi1>, vector<16xi32>
    %scan3A_744 = arith.constant 0 : i32
    %scan3A_745 = arith.constant 32 : i32
    %scan3A_746 = arith.addi %scan3A_744, %scan3A_745 : i32
    %scan3A_747 = arith.constant 2 : i32
    %scan3A_748:4 = scf.for %scan3A_813 = %scan3A_744 to %scan3A_746 step %scan3A_747 iter_args(%scan3A_814 = %broadcast_in_dim3A_4, %scan3A_815 = %broadcast_in_dim3A_4, %scan3A_816 = %broadcast_in_dim3A_4, %scan3A_817 = %broadcast_in_dim3A_4) -> (vector<16xi32>, vector<16xi32>, vector<16xi32>, vector<16xi32>)  : i32 {
      %mul3A_818 = arith.constant 4 : i32
      %mul3A_819 = arith.muli %scan3A_813, %mul3A_818 : i32
      %add3A_820 = arith.constant 0 : i32
      %add3A_821 = arith.addi %mul3A_819, %add3A_820 : i32
      %mul3A_822 = arith.constant 16 : i32
      %mul3A_823 = arith.muli %add3A_821, %mul3A_822 : i32
      %get3A_824 = arith.constant 1 : i32
      %get3A_825 = arith.index_cast %get3A_824 : i32 to index
      %get3A_826 = arith.index_cast %mul3A_823 : i32 to index
      %get3A_827 = tpu.vector_load %arg9[%get3A_825, %get3A_826] {strides = array<i32>} : memref<4x2048xi32, #tpu.memory_space<vmem>>, vector<16xi32>,
      %ne3A_828 = arith.constant 0 : i32
      %ne3A_829 = vector.broadcast %ne3A_828 : i32 to vector<16xi32>
      %ne3A_830 = arith.cmpi ne, %get3A_827, %ne3A_829 : vector<16xi32>
      %jit3A_831 = arith.constant 1 : i32
      %jit3A_832 = arith.constant 0 : i32
      %broadcast_in_dim3A_833 = vector.broadcast %jit3A_831 : i32 to vector<16xi32>
      %broadcast_in_dim3A_834 = vector.broadcast %jit3A_832 : i32 to vector<16xi32>
      %select_n3A_835 = arith.select %ne3A_830, %broadcast_in_dim3A_833, %broadcast_in_dim3A_834 : vector<16xi1>, vector<16xi32>
      %add3A_836 = arith.addi %scan3A_814, %select_n3A_835 : vector<16xi32>
      %mul3A_837 = arith.constant 4 : i32
      %mul3A_838 = arith.muli %scan3A_813, %mul3A_837 : i32
      %add3A_839 = arith.constant 1 : i32
      %add3A_840 = arith.addi %mul3A_838, %add3A_839 : i32
      %mul3A_841 = arith.constant 16 : i32
      %mul3A_842 = arith.muli %add3A_840, %mul3A_841 : i32
      %get3A_843 = arith.constant 1 : i32
      %get3A_844 = arith.index_cast %get3A_843 : i32 to index
      %get3A_845 = arith.index_cast %mul3A_842 : i32 to index
      %get3A_846 = tpu.vector_load %arg9[%get3A_844, %get3A_845] {strides = array<i32>} : memref<4x2048xi32, #tpu.memory_space<vmem>>, vector<16xi32>,
      %ne3A_847 = arith.constant 0 : i32
      %ne3A_848 = vector.broadcast %ne3A_847 : i32 to vector<16xi32>
      %ne3A_849 = arith.cmpi ne, %get3A_846, %ne3A_848 : vector<16xi32>
      %jit3A_850 = arith.constant 1 : i32
      %jit3A_851 = arith.constant 0 : i32
      %broadcast_in_dim3A_852 = vector.broadcast %jit3A_850 : i32 to vector<16xi32>
      %broadcast_in_dim3A_853 = vector.broadcast %jit3A_851 : i32 to vector<16xi32>
      %select_n3A_854 = arith.select %ne3A_849, %broadcast_in_dim3A_852, %broadcast_in_dim3A_853 : vector<16xi1>, vector<16xi32>
      %add3A_855 = arith.addi %scan3A_815, %select_n3A_854 : vector<16xi32>
      %mul3A_856 = arith.constant 4 : i32
      %mul3A_857 = arith.muli %scan3A_813, %mul3A_856 : i32
      %add3A_858 = arith.constant 2 : i32
      %add3A_859 = arith.addi %mul3A_857, %add3A_858 : i32
      %mul3A_860 = arith.constant 16 : i32
      %mul3A_861 = arith.muli %add3A_859, %mul3A_860 : i32
      %get3A_862 = arith.constant 1 : i32
      %get3A_863 = arith.index_cast %get3A_862 : i32 to index
      %get3A_864 = arith.index_cast %mul3A_861 : i32 to index
      %get3A_865 = tpu.vector_load %arg9[%get3A_863, %get3A_864] {strides = array<i32>} : memref<4x2048xi32, #tpu.memory_space<vmem>>, vector<16xi32>,
      %ne3A_866 = arith.constant 0 : i32
      %ne3A_867 = vector.broadcast %ne3A_866 : i32 to vector<16xi32>
      %ne3A_868 = arith.cmpi ne, %get3A_865, %ne3A_867 : vector<16xi32>
      %jit3A_869 = arith.constant 1 : i32
      %jit3A_870 = arith.constant 0 : i32
      %broadcast_in_dim3A_871 = vector.broadcast %jit3A_869 : i32 to vector<16xi32>
      %broadcast_in_dim3A_872 = vector.broadcast %jit3A_870 : i32 to vector<16xi32>
      %select_n3A_873 = arith.select %ne3A_868, %broadcast_in_dim3A_871, %broadcast_in_dim3A_872 : vector<16xi1>, vector<16xi32>
      %add3A_874 = arith.addi %scan3A_816, %select_n3A_873 : vector<16xi32>
      %mul3A_875 = arith.constant 4 : i32
      %mul3A_876 = arith.muli %scan3A_813, %mul3A_875 : i32
      %add3A_877 = arith.constant 3 : i32
      %add3A_878 = arith.addi %mul3A_876, %add3A_877 : i32
      %mul3A_879 = arith.constant 16 : i32
      %mul3A_880 = arith.muli %add3A_878, %mul3A_879 : i32
      %get3A_881 = arith.constant 1 : i32
      %get3A_882 = arith.index_cast %get3A_881 : i32 to index
      %get3A_883 = arith.index_cast %mul3A_880 : i32 to index
      %get3A_884 = tpu.vector_load %arg9[%get3A_882, %get3A_883] {strides = array<i32>} : memref<4x2048xi32, #tpu.memory_space<vmem>>, vector<16xi32>,
      %ne3A_885 = arith.constant 0 : i32
      %ne3A_886 = vector.broadcast %ne3A_885 : i32 to vector<16xi32>
      %ne3A_887 = arith.cmpi ne, %get3A_884, %ne3A_886 : vector<16xi32>
      %jit3A_888 = arith.constant 1 : i32
      %jit3A_889 = arith.constant 0 : i32
      %broadcast_in_dim3A_890 = vector.broadcast %jit3A_888 : i32 to vector<16xi32>
      %broadcast_in_dim3A_891 = vector.broadcast %jit3A_889 : i32 to vector<16xi32>
      %select_n3A_892 = arith.select %ne3A_887, %broadcast_in_dim3A_890, %broadcast_in_dim3A_891 : vector<16xi1>, vector<16xi32>
      %add3A_893 = arith.addi %scan3A_817, %select_n3A_892 : vector<16xi32>
      %scan3A_894 = arith.constant 1 : i32
      %scan3A_895 = arith.addi %scan3A_813, %scan3A_894 : i32
      %mul3A_896 = arith.constant 4 : i32
      %mul3A_897 = arith.muli %scan3A_895, %mul3A_896 : i32
      %add3A_898 = arith.constant 0 : i32
      %add3A_899 = arith.addi %mul3A_897, %add3A_898 : i32
      %mul3A_900 = arith.constant 16 : i32
      %mul3A_901 = arith.muli %add3A_899, %mul3A_900 : i32
      %get3A_902 = arith.constant 1 : i32
      %get3A_903 = arith.index_cast %get3A_902 : i32 to index
      %get3A_904 = arith.index_cast %mul3A_901 : i32 to index
      %get3A_905 = tpu.vector_load %arg9[%get3A_903, %get3A_904] {strides = array<i32>} : memref<4x2048xi32, #tpu.memory_space<vmem>>, vector<16xi32>,
      %ne3A_906 = arith.constant 0 : i32
      %ne3A_907 = vector.broadcast %ne3A_906 : i32 to vector<16xi32>
      %ne3A_908 = arith.cmpi ne, %get3A_905, %ne3A_907 : vector<16xi32>
      %jit3A_909 = arith.constant 1 : i32
      %jit3A_910 = arith.constant 0 : i32
      %broadcast_in_dim3A_911 = vector.broadcast %jit3A_909 : i32 to vector<16xi32>
      %broadcast_in_dim3A_912 = vector.broadcast %jit3A_910 : i32 to vector<16xi32>
      %select_n3A_913 = arith.select %ne3A_908, %broadcast_in_dim3A_911, %broadcast_in_dim3A_912 : vector<16xi1>, vector<16xi32>
      %add3A_914 = arith.addi %add3A_836, %select_n3A_913 : vector<16xi32>
      %mul3A_915 = arith.constant 4 : i32
      %mul3A_916 = arith.muli %scan3A_895, %mul3A_915 : i32
      %add3A_917 = arith.constant 1 : i32
      %add3A_918 = arith.addi %mul3A_916, %add3A_917 : i32
      %mul3A_919 = arith.constant 16 : i32
      %mul3A_920 = arith.muli %add3A_918, %mul3A_919 : i32
      %get3A_921 = arith.constant 1 : i32
      %get3A_922 = arith.index_cast %get3A_921 : i32 to index
      %get3A_923 = arith.index_cast %mul3A_920 : i32 to index
      %get3A_924 = tpu.vector_load %arg9[%get3A_922, %get3A_923] {strides = array<i32>} : memref<4x2048xi32, #tpu.memory_space<vmem>>, vector<16xi32>,
      %ne3A_925 = arith.constant 0 : i32
      %ne3A_926 = vector.broadcast %ne3A_925 : i32 to vector<16xi32>
      %ne3A_927 = arith.cmpi ne, %get3A_924, %ne3A_926 : vector<16xi32>
      %jit3A_928 = arith.constant 1 : i32
      %jit3A_929 = arith.constant 0 : i32
      %broadcast_in_dim3A_930 = vector.broadcast %jit3A_928 : i32 to vector<16xi32>
      %broadcast_in_dim3A_931 = vector.broadcast %jit3A_929 : i32 to vector<16xi32>
      %select_n3A_932 = arith.select %ne3A_927, %broadcast_in_dim3A_930, %broadcast_in_dim3A_931 : vector<16xi1>, vector<16xi32>
      %add3A_933 = arith.addi %add3A_855, %select_n3A_932 : vector<16xi32>
      %mul3A_934 = arith.constant 4 : i32
      %mul3A_935 = arith.muli %scan3A_895, %mul3A_934 : i32
      %add3A_936 = arith.constant 2 : i32
      %add3A_937 = arith.addi %mul3A_935, %add3A_936 : i32
      %mul3A_938 = arith.constant 16 : i32
      %mul3A_939 = arith.muli %add3A_937, %mul3A_938 : i32
      %get3A_940 = arith.constant 1 : i32
      %get3A_941 = arith.index_cast %get3A_940 : i32 to index
      %get3A_942 = arith.index_cast %mul3A_939 : i32 to index
      %get3A_943 = tpu.vector_load %arg9[%get3A_941, %get3A_942] {strides = array<i32>} : memref<4x2048xi32, #tpu.memory_space<vmem>>, vector<16xi32>,
      %ne3A_944 = arith.constant 0 : i32
      %ne3A_945 = vector.broadcast %ne3A_944 : i32 to vector<16xi32>
      %ne3A_946 = arith.cmpi ne, %get3A_943, %ne3A_945 : vector<16xi32>
      %jit3A_947 = arith.constant 1 : i32
      %jit3A_948 = arith.constant 0 : i32
      %broadcast_in_dim3A_949 = vector.broadcast %jit3A_947 : i32 to vector<16xi32>
      %broadcast_in_dim3A_950 = vector.broadcast %jit3A_948 : i32 to vector<16xi32>
      %select_n3A_951 = arith.select %ne3A_946, %broadcast_in_dim3A_949, %broadcast_in_dim3A_950 : vector<16xi1>, vector<16xi32>
      %add3A_952 = arith.addi %add3A_874, %select_n3A_951 : vector<16xi32>
      %mul3A_953 = arith.constant 4 : i32
      %mul3A_954 = arith.muli %scan3A_895, %mul3A_953 : i32
      %add3A_955 = arith.constant 3 : i32
      %add3A_956 = arith.addi %mul3A_954, %add3A_955 : i32
      %mul3A_957 = arith.constant 16 : i32
      %mul3A_958 = arith.muli %add3A_956, %mul3A_957 : i32
      %get3A_959 = arith.constant 1 : i32
      %get3A_960 = arith.index_cast %get3A_959 : i32 to index
      %get3A_961 = arith.index_cast %mul3A_958 : i32 to index
      %get3A_962 = tpu.vector_load %arg9[%get3A_960, %get3A_961] {strides = array<i32>} : memref<4x2048xi32, #tpu.memory_space<vmem>>, vector<16xi32>,
      %ne3A_963 = arith.constant 0 : i32
      %ne3A_964 = vector.broadcast %ne3A_963 : i32 to vector<16xi32>
      %ne3A_965 = arith.cmpi ne, %get3A_962, %ne3A_964 : vector<16xi32>
      %jit3A_966 = arith.constant 1 : i32
      %jit3A_967 = arith.constant 0 : i32
      %broadcast_in_dim3A_968 = vector.broadcast %jit3A_966 : i32 to vector<16xi32>
      %broadcast_in_dim3A_969 = vector.broadcast %jit3A_967 : i32 to vector<16xi32>
      %select_n3A_970 = arith.select %ne3A_965, %broadcast_in_dim3A_968, %broadcast_in_dim3A_969 : vector<16xi1>, vector<16xi32>
      %add3A_971 = arith.addi %add3A_893, %select_n3A_970 : vector<16xi32>
      scf.yield %add3A_914, %add3A_933, %add3A_952, %add3A_971 : vector<16xi32>, vector<16xi32>, vector<16xi32>, vector<16xi32>
    }
    %scan3A_749 = arith.constant 32 : i32
    %add3A_750 = arith.addi %scan3A_748#0, %scan3A_748#1 : vector<16xi32>
    %add3A_751 = arith.addi %add3A_750, %scan3A_748#2 : vector<16xi32>
    %add3A_752 = arith.addi %add3A_751, %scan3A_748#3 : vector<16xi32>
    %reduce_sum3A_753 = arith.constant true
    %reduce_sum3A_754 = vector.broadcast %reduce_sum3A_753 : i1 to vector<16xi1>
    %reduce_sum3A_755 = tpu.scan <sum>, %add3A_752 masked %reduce_sum3A_754 : vector<16xi32>, vector<16xi1> -> vector<16xi32>
    %reduce_sum3A_756 = vector.extract %reduce_sum3A_755[15] : i32 from vector<16xi32>
    %eq3A_757 = arith.constant 1 : i32
    %eq3A_758 = vector.broadcast %eq3A_757 : i32 to vector<16xi32>
    %eq3A_759 = arith.cmpi eq, %iota3A, %eq3A_758 : vector<16xi32>
    %broadcast_in_dim3A_760 = vector.broadcast %reduce_sum3A_756 : i32 to vector<16xi32>
    %select_n3A_761 = arith.select %eq3A_759, %broadcast_in_dim3A_760, %select_n3A_743 : vector<16xi1>, vector<16xi32>
    %scan3A_762 = arith.constant 0 : i32
    %scan3A_763 = arith.constant 32 : i32
    %scan3A_764 = arith.addi %scan3A_762, %scan3A_763 : i32
    %scan3A_765 = arith.constant 2 : i32
    %scan3A_766:4 = scf.for %scan3A_813 = %scan3A_762 to %scan3A_764 step %scan3A_765 iter_args(%scan3A_814 = %broadcast_in_dim3A_4, %scan3A_815 = %broadcast_in_dim3A_4, %scan3A_816 = %broadcast_in_dim3A_4, %scan3A_817 = %broadcast_in_dim3A_4) -> (vector<16xi32>, vector<16xi32>, vector<16xi32>, vector<16xi32>)  : i32 {
      %mul3A_818 = arith.constant 4 : i32
      %mul3A_819 = arith.muli %scan3A_813, %mul3A_818 : i32
      %add3A_820 = arith.constant 0 : i32
      %add3A_821 = arith.addi %mul3A_819, %add3A_820 : i32
      %mul3A_822 = arith.constant 16 : i32
      %mul3A_823 = arith.muli %add3A_821, %mul3A_822 : i32
      %get3A_824 = arith.constant 2 : i32
      %get3A_825 = arith.index_cast %get3A_824 : i32 to index
      %get3A_826 = arith.index_cast %mul3A_823 : i32 to index
      %get3A_827 = tpu.vector_load %arg9[%get3A_825, %get3A_826] {strides = array<i32>} : memref<4x2048xi32, #tpu.memory_space<vmem>>, vector<16xi32>,
      %ne3A_828 = arith.constant 0 : i32
      %ne3A_829 = vector.broadcast %ne3A_828 : i32 to vector<16xi32>
      %ne3A_830 = arith.cmpi ne, %get3A_827, %ne3A_829 : vector<16xi32>
      %jit3A_831 = arith.constant 1 : i32
      %jit3A_832 = arith.constant 0 : i32
      %broadcast_in_dim3A_833 = vector.broadcast %jit3A_831 : i32 to vector<16xi32>
      %broadcast_in_dim3A_834 = vector.broadcast %jit3A_832 : i32 to vector<16xi32>
      %select_n3A_835 = arith.select %ne3A_830, %broadcast_in_dim3A_833, %broadcast_in_dim3A_834 : vector<16xi1>, vector<16xi32>
      %add3A_836 = arith.addi %scan3A_814, %select_n3A_835 : vector<16xi32>
      %mul3A_837 = arith.constant 4 : i32
      %mul3A_838 = arith.muli %scan3A_813, %mul3A_837 : i32
      %add3A_839 = arith.constant 1 : i32
      %add3A_840 = arith.addi %mul3A_838, %add3A_839 : i32
      %mul3A_841 = arith.constant 16 : i32
      %mul3A_842 = arith.muli %add3A_840, %mul3A_841 : i32
      %get3A_843 = arith.constant 2 : i32
      %get3A_844 = arith.index_cast %get3A_843 : i32 to index
      %get3A_845 = arith.index_cast %mul3A_842 : i32 to index
      %get3A_846 = tpu.vector_load %arg9[%get3A_844, %get3A_845] {strides = array<i32>} : memref<4x2048xi32, #tpu.memory_space<vmem>>, vector<16xi32>,
      %ne3A_847 = arith.constant 0 : i32
      %ne3A_848 = vector.broadcast %ne3A_847 : i32 to vector<16xi32>
      %ne3A_849 = arith.cmpi ne, %get3A_846, %ne3A_848 : vector<16xi32>
      %jit3A_850 = arith.constant 1 : i32
      %jit3A_851 = arith.constant 0 : i32
      %broadcast_in_dim3A_852 = vector.broadcast %jit3A_850 : i32 to vector<16xi32>
      %broadcast_in_dim3A_853 = vector.broadcast %jit3A_851 : i32 to vector<16xi32>
      %select_n3A_854 = arith.select %ne3A_849, %broadcast_in_dim3A_852, %broadcast_in_dim3A_853 : vector<16xi1>, vector<16xi32>
      %add3A_855 = arith.addi %scan3A_815, %select_n3A_854 : vector<16xi32>
      %mul3A_856 = arith.constant 4 : i32
      %mul3A_857 = arith.muli %scan3A_813, %mul3A_856 : i32
      %add3A_858 = arith.constant 2 : i32
      %add3A_859 = arith.addi %mul3A_857, %add3A_858 : i32
      %mul3A_860 = arith.constant 16 : i32
      %mul3A_861 = arith.muli %add3A_859, %mul3A_860 : i32
      %get3A_862 = arith.constant 2 : i32
      %get3A_863 = arith.index_cast %get3A_862 : i32 to index
      %get3A_864 = arith.index_cast %mul3A_861 : i32 to index
      %get3A_865 = tpu.vector_load %arg9[%get3A_863, %get3A_864] {strides = array<i32>} : memref<4x2048xi32, #tpu.memory_space<vmem>>, vector<16xi32>,
      %ne3A_866 = arith.constant 0 : i32
      %ne3A_867 = vector.broadcast %ne3A_866 : i32 to vector<16xi32>
      %ne3A_868 = arith.cmpi ne, %get3A_865, %ne3A_867 : vector<16xi32>
      %jit3A_869 = arith.constant 1 : i32
      %jit3A_870 = arith.constant 0 : i32
      %broadcast_in_dim3A_871 = vector.broadcast %jit3A_869 : i32 to vector<16xi32>
      %broadcast_in_dim3A_872 = vector.broadcast %jit3A_870 : i32 to vector<16xi32>
      %select_n3A_873 = arith.select %ne3A_868, %broadcast_in_dim3A_871, %broadcast_in_dim3A_872 : vector<16xi1>, vector<16xi32>
      %add3A_874 = arith.addi %scan3A_816, %select_n3A_873 : vector<16xi32>
      %mul3A_875 = arith.constant 4 : i32
      %mul3A_876 = arith.muli %scan3A_813, %mul3A_875 : i32
      %add3A_877 = arith.constant 3 : i32
      %add3A_878 = arith.addi %mul3A_876, %add3A_877 : i32
      %mul3A_879 = arith.constant 16 : i32
      %mul3A_880 = arith.muli %add3A_878, %mul3A_879 : i32
      %get3A_881 = arith.constant 2 : i32
      %get3A_882 = arith.index_cast %get3A_881 : i32 to index
      %get3A_883 = arith.index_cast %mul3A_880 : i32 to index
      %get3A_884 = tpu.vector_load %arg9[%get3A_882, %get3A_883] {strides = array<i32>} : memref<4x2048xi32, #tpu.memory_space<vmem>>, vector<16xi32>,
      %ne3A_885 = arith.constant 0 : i32
      %ne3A_886 = vector.broadcast %ne3A_885 : i32 to vector<16xi32>
      %ne3A_887 = arith.cmpi ne, %get3A_884, %ne3A_886 : vector<16xi32>
      %jit3A_888 = arith.constant 1 : i32
      %jit3A_889 = arith.constant 0 : i32
      %broadcast_in_dim3A_890 = vector.broadcast %jit3A_888 : i32 to vector<16xi32>
      %broadcast_in_dim3A_891 = vector.broadcast %jit3A_889 : i32 to vector<16xi32>
      %select_n3A_892 = arith.select %ne3A_887, %broadcast_in_dim3A_890, %broadcast_in_dim3A_891 : vector<16xi1>, vector<16xi32>
      %add3A_893 = arith.addi %scan3A_817, %select_n3A_892 : vector<16xi32>
      %scan3A_894 = arith.constant 1 : i32
      %scan3A_895 = arith.addi %scan3A_813, %scan3A_894 : i32
      %mul3A_896 = arith.constant 4 : i32
      %mul3A_897 = arith.muli %scan3A_895, %mul3A_896 : i32
      %add3A_898 = arith.constant 0 : i32
      %add3A_899 = arith.addi %mul3A_897, %add3A_898 : i32
      %mul3A_900 = arith.constant 16 : i32
      %mul3A_901 = arith.muli %add3A_899, %mul3A_900 : i32
      %get3A_902 = arith.constant 2 : i32
      %get3A_903 = arith.index_cast %get3A_902 : i32 to index
      %get3A_904 = arith.index_cast %mul3A_901 : i32 to index
      %get3A_905 = tpu.vector_load %arg9[%get3A_903, %get3A_904] {strides = array<i32>} : memref<4x2048xi32, #tpu.memory_space<vmem>>, vector<16xi32>,
      %ne3A_906 = arith.constant 0 : i32
      %ne3A_907 = vector.broadcast %ne3A_906 : i32 to vector<16xi32>
      %ne3A_908 = arith.cmpi ne, %get3A_905, %ne3A_907 : vector<16xi32>
      %jit3A_909 = arith.constant 1 : i32
      %jit3A_910 = arith.constant 0 : i32
      %broadcast_in_dim3A_911 = vector.broadcast %jit3A_909 : i32 to vector<16xi32>
      %broadcast_in_dim3A_912 = vector.broadcast %jit3A_910 : i32 to vector<16xi32>
      %select_n3A_913 = arith.select %ne3A_908, %broadcast_in_dim3A_911, %broadcast_in_dim3A_912 : vector<16xi1>, vector<16xi32>
      %add3A_914 = arith.addi %add3A_836, %select_n3A_913 : vector<16xi32>
      %mul3A_915 = arith.constant 4 : i32
      %mul3A_916 = arith.muli %scan3A_895, %mul3A_915 : i32
      %add3A_917 = arith.constant 1 : i32
      %add3A_918 = arith.addi %mul3A_916, %add3A_917 : i32
      %mul3A_919 = arith.constant 16 : i32
      %mul3A_920 = arith.muli %add3A_918, %mul3A_919 : i32
      %get3A_921 = arith.constant 2 : i32
      %get3A_922 = arith.index_cast %get3A_921 : i32 to index
      %get3A_923 = arith.index_cast %mul3A_920 : i32 to index
      %get3A_924 = tpu.vector_load %arg9[%get3A_922, %get3A_923] {strides = array<i32>} : memref<4x2048xi32, #tpu.memory_space<vmem>>, vector<16xi32>,
      %ne3A_925 = arith.constant 0 : i32
      %ne3A_926 = vector.broadcast %ne3A_925 : i32 to vector<16xi32>
      %ne3A_927 = arith.cmpi ne, %get3A_924, %ne3A_926 : vector<16xi32>
      %jit3A_928 = arith.constant 1 : i32
      %jit3A_929 = arith.constant 0 : i32
      %broadcast_in_dim3A_930 = vector.broadcast %jit3A_928 : i32 to vector<16xi32>
      %broadcast_in_dim3A_931 = vector.broadcast %jit3A_929 : i32 to vector<16xi32>
      %select_n3A_932 = arith.select %ne3A_927, %broadcast_in_dim3A_930, %broadcast_in_dim3A_931 : vector<16xi1>, vector<16xi32>
      %add3A_933 = arith.addi %add3A_855, %select_n3A_932 : vector<16xi32>
      %mul3A_934 = arith.constant 4 : i32
      %mul3A_935 = arith.muli %scan3A_895, %mul3A_934 : i32
      %add3A_936 = arith.constant 2 : i32
      %add3A_937 = arith.addi %mul3A_935, %add3A_936 : i32
      %mul3A_938 = arith.constant 16 : i32
      %mul3A_939 = arith.muli %add3A_937, %mul3A_938 : i32
      %get3A_940 = arith.constant 2 : i32
      %get3A_941 = arith.index_cast %get3A_940 : i32 to index
      %get3A_942 = arith.index_cast %mul3A_939 : i32 to index
      %get3A_943 = tpu.vector_load %arg9[%get3A_941, %get3A_942] {strides = array<i32>} : memref<4x2048xi32, #tpu.memory_space<vmem>>, vector<16xi32>,
      %ne3A_944 = arith.constant 0 : i32
      %ne3A_945 = vector.broadcast %ne3A_944 : i32 to vector<16xi32>
      %ne3A_946 = arith.cmpi ne, %get3A_943, %ne3A_945 : vector<16xi32>
      %jit3A_947 = arith.constant 1 : i32
      %jit3A_948 = arith.constant 0 : i32
      %broadcast_in_dim3A_949 = vector.broadcast %jit3A_947 : i32 to vector<16xi32>
      %broadcast_in_dim3A_950 = vector.broadcast %jit3A_948 : i32 to vector<16xi32>
      %select_n3A_951 = arith.select %ne3A_946, %broadcast_in_dim3A_949, %broadcast_in_dim3A_950 : vector<16xi1>, vector<16xi32>
      %add3A_952 = arith.addi %add3A_874, %select_n3A_951 : vector<16xi32>
      %mul3A_953 = arith.constant 4 : i32
      %mul3A_954 = arith.muli %scan3A_895, %mul3A_953 : i32
      %add3A_955 = arith.constant 3 : i32
      %add3A_956 = arith.addi %mul3A_954, %add3A_955 : i32
      %mul3A_957 = arith.constant 16 : i32
      %mul3A_958 = arith.muli %add3A_956, %mul3A_957 : i32
      %get3A_959 = arith.constant 2 : i32
      %get3A_960 = arith.index_cast %get3A_959 : i32 to index
      %get3A_961 = arith.index_cast %mul3A_958 : i32 to index
      %get3A_962 = tpu.vector_load %arg9[%get3A_960, %get3A_961] {strides = array<i32>} : memref<4x2048xi32, #tpu.memory_space<vmem>>, vector<16xi32>,
      %ne3A_963 = arith.constant 0 : i32
      %ne3A_964 = vector.broadcast %ne3A_963 : i32 to vector<16xi32>
      %ne3A_965 = arith.cmpi ne, %get3A_962, %ne3A_964 : vector<16xi32>
      %jit3A_966 = arith.constant 1 : i32
      %jit3A_967 = arith.constant 0 : i32
      %broadcast_in_dim3A_968 = vector.broadcast %jit3A_966 : i32 to vector<16xi32>
      %broadcast_in_dim3A_969 = vector.broadcast %jit3A_967 : i32 to vector<16xi32>
      %select_n3A_970 = arith.select %ne3A_965, %broadcast_in_dim3A_968, %broadcast_in_dim3A_969 : vector<16xi1>, vector<16xi32>
      %add3A_971 = arith.addi %add3A_893, %select_n3A_970 : vector<16xi32>
      scf.yield %add3A_914, %add3A_933, %add3A_952, %add3A_971 : vector<16xi32>, vector<16xi32>, vector<16xi32>, vector<16xi32>
    }
    %scan3A_767 = arith.constant 32 : i32
    %add3A_768 = arith.addi %scan3A_766#0, %scan3A_766#1 : vector<16xi32>
    %add3A_769 = arith.addi %add3A_768, %scan3A_766#2 : vector<16xi32>
    %add3A_770 = arith.addi %add3A_769, %scan3A_766#3 : vector<16xi32>
    %reduce_sum3A_771 = arith.constant true
    %reduce_sum3A_772 = vector.broadcast %reduce_sum3A_771 : i1 to vector<16xi1>
    %reduce_sum3A_773 = tpu.scan <sum>, %add3A_770 masked %reduce_sum3A_772 : vector<16xi32>, vector<16xi1> -> vector<16xi32>
    %reduce_sum3A_774 = vector.extract %reduce_sum3A_773[15] : i32 from vector<16xi32>
    %eq3A_775 = arith.constant 2 : i32
    %eq3A_776 = vector.broadcast %eq3A_775 : i32 to vector<16xi32>
    %eq3A_777 = arith.cmpi eq, %iota3A, %eq3A_776 : vector<16xi32>
    %broadcast_in_dim3A_778 = vector.broadcast %reduce_sum3A_774 : i32 to vector<16xi32>
    %select_n3A_779 = arith.select %eq3A_777, %broadcast_in_dim3A_778, %select_n3A_761 : vector<16xi1>, vector<16xi32>
    %scan3A_780 = arith.constant 0 : i32
    %scan3A_781 = arith.constant 32 : i32
    %scan3A_782 = arith.addi %scan3A_780, %scan3A_781 : i32
    %scan3A_783 = arith.constant 2 : i32
    %scan3A_784:4 = scf.for %scan3A_813 = %scan3A_780 to %scan3A_782 step %scan3A_783 iter_args(%scan3A_814 = %broadcast_in_dim3A_4, %scan3A_815 = %broadcast_in_dim3A_4, %scan3A_816 = %broadcast_in_dim3A_4, %scan3A_817 = %broadcast_in_dim3A_4) -> (vector<16xi32>, vector<16xi32>, vector<16xi32>, vector<16xi32>)  : i32 {
      %mul3A_818 = arith.constant 4 : i32
      %mul3A_819 = arith.muli %scan3A_813, %mul3A_818 : i32
      %add3A_820 = arith.constant 0 : i32
      %add3A_821 = arith.addi %mul3A_819, %add3A_820 : i32
      %mul3A_822 = arith.constant 16 : i32
      %mul3A_823 = arith.muli %add3A_821, %mul3A_822 : i32
      %get3A_824 = arith.constant 3 : i32
      %get3A_825 = arith.index_cast %get3A_824 : i32 to index
      %get3A_826 = arith.index_cast %mul3A_823 : i32 to index
      %get3A_827 = tpu.vector_load %arg9[%get3A_825, %get3A_826] {strides = array<i32>} : memref<4x2048xi32, #tpu.memory_space<vmem>>, vector<16xi32>,
      %ne3A_828 = arith.constant 0 : i32
      %ne3A_829 = vector.broadcast %ne3A_828 : i32 to vector<16xi32>
      %ne3A_830 = arith.cmpi ne, %get3A_827, %ne3A_829 : vector<16xi32>
      %jit3A_831 = arith.constant 1 : i32
      %jit3A_832 = arith.constant 0 : i32
      %broadcast_in_dim3A_833 = vector.broadcast %jit3A_831 : i32 to vector<16xi32>
      %broadcast_in_dim3A_834 = vector.broadcast %jit3A_832 : i32 to vector<16xi32>
      %select_n3A_835 = arith.select %ne3A_830, %broadcast_in_dim3A_833, %broadcast_in_dim3A_834 : vector<16xi1>, vector<16xi32>
      %add3A_836 = arith.addi %scan3A_814, %select_n3A_835 : vector<16xi32>
      %mul3A_837 = arith.constant 4 : i32
      %mul3A_838 = arith.muli %scan3A_813, %mul3A_837 : i32
      %add3A_839 = arith.constant 1 : i32
      %add3A_840 = arith.addi %mul3A_838, %add3A_839 : i32
      %mul3A_841 = arith.constant 16 : i32
      %mul3A_842 = arith.muli %add3A_840, %mul3A_841 : i32
      %get3A_843 = arith.constant 3 : i32
      %get3A_844 = arith.index_cast %get3A_843 : i32 to index
      %get3A_845 = arith.index_cast %mul3A_842 : i32 to index
      %get3A_846 = tpu.vector_load %arg9[%get3A_844, %get3A_845] {strides = array<i32>} : memref<4x2048xi32, #tpu.memory_space<vmem>>, vector<16xi32>,
      %ne3A_847 = arith.constant 0 : i32
      %ne3A_848 = vector.broadcast %ne3A_847 : i32 to vector<16xi32>
      %ne3A_849 = arith.cmpi ne, %get3A_846, %ne3A_848 : vector<16xi32>
      %jit3A_850 = arith.constant 1 : i32
      %jit3A_851 = arith.constant 0 : i32
      %broadcast_in_dim3A_852 = vector.broadcast %jit3A_850 : i32 to vector<16xi32>
      %broadcast_in_dim3A_853 = vector.broadcast %jit3A_851 : i32 to vector<16xi32>
      %select_n3A_854 = arith.select %ne3A_849, %broadcast_in_dim3A_852, %broadcast_in_dim3A_853 : vector<16xi1>, vector<16xi32>
      %add3A_855 = arith.addi %scan3A_815, %select_n3A_854 : vector<16xi32>
      %mul3A_856 = arith.constant 4 : i32
      %mul3A_857 = arith.muli %scan3A_813, %mul3A_856 : i32
      %add3A_858 = arith.constant 2 : i32
      %add3A_859 = arith.addi %mul3A_857, %add3A_858 : i32
      %mul3A_860 = arith.constant 16 : i32
      %mul3A_861 = arith.muli %add3A_859, %mul3A_860 : i32
      %get3A_862 = arith.constant 3 : i32
      %get3A_863 = arith.index_cast %get3A_862 : i32 to index
      %get3A_864 = arith.index_cast %mul3A_861 : i32 to index
      %get3A_865 = tpu.vector_load %arg9[%get3A_863, %get3A_864] {strides = array<i32>} : memref<4x2048xi32, #tpu.memory_space<vmem>>, vector<16xi32>,
      %ne3A_866 = arith.constant 0 : i32
      %ne3A_867 = vector.broadcast %ne3A_866 : i32 to vector<16xi32>
      %ne3A_868 = arith.cmpi ne, %get3A_865, %ne3A_867 : vector<16xi32>
      %jit3A_869 = arith.constant 1 : i32
      %jit3A_870 = arith.constant 0 : i32
      %broadcast_in_dim3A_871 = vector.broadcast %jit3A_869 : i32 to vector<16xi32>
      %broadcast_in_dim3A_872 = vector.broadcast %jit3A_870 : i32 to vector<16xi32>
      %select_n3A_873 = arith.select %ne3A_868, %broadcast_in_dim3A_871, %broadcast_in_dim3A_872 : vector<16xi1>, vector<16xi32>
      %add3A_874 = arith.addi %scan3A_816, %select_n3A_873 : vector<16xi32>
      %mul3A_875 = arith.constant 4 : i32
      %mul3A_876 = arith.muli %scan3A_813, %mul3A_875 : i32
      %add3A_877 = arith.constant 3 : i32
      %add3A_878 = arith.addi %mul3A_876, %add3A_877 : i32
      %mul3A_879 = arith.constant 16 : i32
      %mul3A_880 = arith.muli %add3A_878, %mul3A_879 : i32
      %get3A_881 = arith.constant 3 : i32
      %get3A_882 = arith.index_cast %get3A_881 : i32 to index
      %get3A_883 = arith.index_cast %mul3A_880 : i32 to index
      %get3A_884 = tpu.vector_load %arg9[%get3A_882, %get3A_883] {strides = array<i32>} : memref<4x2048xi32, #tpu.memory_space<vmem>>, vector<16xi32>,
      %ne3A_885 = arith.constant 0 : i32
      %ne3A_886 = vector.broadcast %ne3A_885 : i32 to vector<16xi32>
      %ne3A_887 = arith.cmpi ne, %get3A_884, %ne3A_886 : vector<16xi32>
      %jit3A_888 = arith.constant 1 : i32
      %jit3A_889 = arith.constant 0 : i32
      %broadcast_in_dim3A_890 = vector.broadcast %jit3A_888 : i32 to vector<16xi32>
      %broadcast_in_dim3A_891 = vector.broadcast %jit3A_889 : i32 to vector<16xi32>
      %select_n3A_892 = arith.select %ne3A_887, %broadcast_in_dim3A_890, %broadcast_in_dim3A_891 : vector<16xi1>, vector<16xi32>
      %add3A_893 = arith.addi %scan3A_817, %select_n3A_892 : vector<16xi32>
      %scan3A_894 = arith.constant 1 : i32
      %scan3A_895 = arith.addi %scan3A_813, %scan3A_894 : i32
      %mul3A_896 = arith.constant 4 : i32
      %mul3A_897 = arith.muli %scan3A_895, %mul3A_896 : i32
      %add3A_898 = arith.constant 0 : i32
      %add3A_899 = arith.addi %mul3A_897, %add3A_898 : i32
      %mul3A_900 = arith.constant 16 : i32
      %mul3A_901 = arith.muli %add3A_899, %mul3A_900 : i32
      %get3A_902 = arith.constant 3 : i32
      %get3A_903 = arith.index_cast %get3A_902 : i32 to index
      %get3A_904 = arith.index_cast %mul3A_901 : i32 to index
      %get3A_905 = tpu.vector_load %arg9[%get3A_903, %get3A_904] {strides = array<i32>} : memref<4x2048xi32, #tpu.memory_space<vmem>>, vector<16xi32>,
      %ne3A_906 = arith.constant 0 : i32
      %ne3A_907 = vector.broadcast %ne3A_906 : i32 to vector<16xi32>
      %ne3A_908 = arith.cmpi ne, %get3A_905, %ne3A_907 : vector<16xi32>
      %jit3A_909 = arith.constant 1 : i32
      %jit3A_910 = arith.constant 0 : i32
      %broadcast_in_dim3A_911 = vector.broadcast %jit3A_909 : i32 to vector<16xi32>
      %broadcast_in_dim3A_912 = vector.broadcast %jit3A_910 : i32 to vector<16xi32>
      %select_n3A_913 = arith.select %ne3A_908, %broadcast_in_dim3A_911, %broadcast_in_dim3A_912 : vector<16xi1>, vector<16xi32>
      %add3A_914 = arith.addi %add3A_836, %select_n3A_913 : vector<16xi32>
      %mul3A_915 = arith.constant 4 : i32
      %mul3A_916 = arith.muli %scan3A_895, %mul3A_915 : i32
      %add3A_917 = arith.constant 1 : i32
      %add3A_918 = arith.addi %mul3A_916, %add3A_917 : i32
      %mul3A_919 = arith.constant 16 : i32
      %mul3A_920 = arith.muli %add3A_918, %mul3A_919 : i32
      %get3A_921 = arith.constant 3 : i32
      %get3A_922 = arith.index_cast %get3A_921 : i32 to index
      %get3A_923 = arith.index_cast %mul3A_920 : i32 to index
      %get3A_924 = tpu.vector_load %arg9[%get3A_922, %get3A_923] {strides = array<i32>} : memref<4x2048xi32, #tpu.memory_space<vmem>>, vector<16xi32>,
      %ne3A_925 = arith.constant 0 : i32
      %ne3A_926 = vector.broadcast %ne3A_925 : i32 to vector<16xi32>
      %ne3A_927 = arith.cmpi ne, %get3A_924, %ne3A_926 : vector<16xi32>
      %jit3A_928 = arith.constant 1 : i32
      %jit3A_929 = arith.constant 0 : i32
      %broadcast_in_dim3A_930 = vector.broadcast %jit3A_928 : i32 to vector<16xi32>
      %broadcast_in_dim3A_931 = vector.broadcast %jit3A_929 : i32 to vector<16xi32>
      %select_n3A_932 = arith.select %ne3A_927, %broadcast_in_dim3A_930, %broadcast_in_dim3A_931 : vector<16xi1>, vector<16xi32>
      %add3A_933 = arith.addi %add3A_855, %select_n3A_932 : vector<16xi32>
      %mul3A_934 = arith.constant 4 : i32
      %mul3A_935 = arith.muli %scan3A_895, %mul3A_934 : i32
      %add3A_936 = arith.constant 2 : i32
      %add3A_937 = arith.addi %mul3A_935, %add3A_936 : i32
      %mul3A_938 = arith.constant 16 : i32
      %mul3A_939 = arith.muli %add3A_937, %mul3A_938 : i32
      %get3A_940 = arith.constant 3 : i32
      %get3A_941 = arith.index_cast %get3A_940 : i32 to index
      %get3A_942 = arith.index_cast %mul3A_939 : i32 to index
      %get3A_943 = tpu.vector_load %arg9[%get3A_941, %get3A_942] {strides = array<i32>} : memref<4x2048xi32, #tpu.memory_space<vmem>>, vector<16xi32>,
      %ne3A_944 = arith.constant 0 : i32
      %ne3A_945 = vector.broadcast %ne3A_944 : i32 to vector<16xi32>
      %ne3A_946 = arith.cmpi ne, %get3A_943, %ne3A_945 : vector<16xi32>
      %jit3A_947 = arith.constant 1 : i32
      %jit3A_948 = arith.constant 0 : i32
      %broadcast_in_dim3A_949 = vector.broadcast %jit3A_947 : i32 to vector<16xi32>
      %broadcast_in_dim3A_950 = vector.broadcast %jit3A_948 : i32 to vector<16xi32>
      %select_n3A_951 = arith.select %ne3A_946, %broadcast_in_dim3A_949, %broadcast_in_dim3A_950 : vector<16xi1>, vector<16xi32>
      %add3A_952 = arith.addi %add3A_874, %select_n3A_951 : vector<16xi32>
      %mul3A_953 = arith.constant 4 : i32
      %mul3A_954 = arith.muli %scan3A_895, %mul3A_953 : i32
      %add3A_955 = arith.constant 3 : i32
      %add3A_956 = arith.addi %mul3A_954, %add3A_955 : i32
      %mul3A_957 = arith.constant 16 : i32
      %mul3A_958 = arith.muli %add3A_956, %mul3A_957 : i32
      %get3A_959 = arith.constant 3 : i32
      %get3A_960 = arith.index_cast %get3A_959 : i32 to index
      %get3A_961 = arith.index_cast %mul3A_958 : i32 to index
      %get3A_962 = tpu.vector_load %arg9[%get3A_960, %get3A_961] {strides = array<i32>} : memref<4x2048xi32, #tpu.memory_space<vmem>>, vector<16xi32>,
      %ne3A_963 = arith.constant 0 : i32
      %ne3A_964 = vector.broadcast %ne3A_963 : i32 to vector<16xi32>
      %ne3A_965 = arith.cmpi ne, %get3A_962, %ne3A_964 : vector<16xi32>
      %jit3A_966 = arith.constant 1 : i32
      %jit3A_967 = arith.constant 0 : i32
      %broadcast_in_dim3A_968 = vector.broadcast %jit3A_966 : i32 to vector<16xi32>
      %broadcast_in_dim3A_969 = vector.broadcast %jit3A_967 : i32 to vector<16xi32>
      %select_n3A_970 = arith.select %ne3A_965, %broadcast_in_dim3A_968, %broadcast_in_dim3A_969 : vector<16xi1>, vector<16xi32>
      %add3A_971 = arith.addi %add3A_893, %select_n3A_970 : vector<16xi32>
      scf.yield %add3A_914, %add3A_933, %add3A_952, %add3A_971 : vector<16xi32>, vector<16xi32>, vector<16xi32>, vector<16xi32>
    }
    %scan3A_785 = arith.constant 32 : i32
    %add3A_786 = arith.addi %scan3A_784#0, %scan3A_784#1 : vector<16xi32>
    %add3A_787 = arith.addi %add3A_786, %scan3A_784#2 : vector<16xi32>
    %add3A_788 = arith.addi %add3A_787, %scan3A_784#3 : vector<16xi32>
    %reduce_sum3A_789 = arith.constant true
    %reduce_sum3A_790 = vector.broadcast %reduce_sum3A_789 : i1 to vector<16xi1>
    %reduce_sum3A_791 = tpu.scan <sum>, %add3A_788 masked %reduce_sum3A_790 : vector<16xi32>, vector<16xi1> -> vector<16xi32>
    %reduce_sum3A_792 = vector.extract %reduce_sum3A_791[15] : i32 from vector<16xi32>
    %eq3A_793 = arith.constant 3 : i32
    %eq3A_794 = vector.broadcast %eq3A_793 : i32 to vector<16xi32>
    %eq3A_795 = arith.cmpi eq, %iota3A, %eq3A_794 : vector<16xi32>
    %broadcast_in_dim3A_796 = vector.broadcast %reduce_sum3A_792 : i32 to vector<16xi32>
    %select_n3A_797 = arith.select %eq3A_795, %broadcast_in_dim3A_796, %select_n3A_779 : vector<16xi1>, vector<16xi32>
    %swap3A = arith.constant 0 : index
    %swap3A_798 = tpu.vector_load %arg10[%swap3A] {strides = array<i32>} : memref<16xi32, #tpu.memory_space<vmem>>, vector<16xi32>,
    tpu.vector_store %arg10[%swap3A], %select_n3A_797 {strides = array<i32>} : memref<16xi32, #tpu.memory_space<vmem>>, vector<16xi32>,
    "tpu.region"() ({
      %run_scoped3A = tpu.sem_alloc : memref<!tpu.dma_semaphore, #tpu.memory_space<semaphore_mem>>
      %dma_start3A_813 = arith.constant 0 : i32
      %dma_start3A_814 = tpu.memref_slice %arg5[%add3A, %dma_start3A_813] : memref<32x16xi32, #tpu.memory_space<hbm>> -> memref<1x16xi32, #tpu.memory_space<hbm>>
      %dma_start3A_815 = tpu.memref_squeeze %dma_start3A_814 : memref<1x16xi32, #tpu.memory_space<hbm>> -> memref<16xi32, #tpu.memory_space<hbm>>
      %dma_start3A_816 = arith.constant 0 : i32
      %dma_start3A_817 = tpu.memref_slice %arg5[%add3A, %dma_start3A_816] : memref<32x16xi32, #tpu.memory_space<hbm>> -> memref<1x16xi32, #tpu.memory_space<hbm>>
      %dma_start3A_818 = tpu.memref_squeeze %dma_start3A_817 : memref<1x16xi32, #tpu.memory_space<hbm>> -> memref<16xi32, #tpu.memory_space<hbm>>
      tpu.enqueue_dma source(%arg10 : memref<16xi32, #tpu.memory_space<vmem>>) target(%dma_start3A_818 : memref<16xi32, #tpu.memory_space<hbm>>) target_semaphore(%run_scoped3A : memref<!tpu.dma_semaphore, #tpu.memory_space<semaphore_mem>>)
      %dma_wait3A_819 = arith.constant 0 : i32
      %dma_wait3A_820 = tpu.memref_slice %arg5[%add3A, %dma_wait3A_819] : memref<32x16xi32, #tpu.memory_space<hbm>> -> memref<1x16xi32, #tpu.memory_space<hbm>>
      %dma_wait3A_821 = tpu.memref_squeeze %dma_wait3A_820 : memref<1x16xi32, #tpu.memory_space<hbm>> -> memref<16xi32, #tpu.memory_space<hbm>>
      %dma_wait3A_822 = arith.constant 0 : i32
      %dma_wait3A_823 = tpu.memref_slice %arg5[%add3A, %dma_wait3A_822] : memref<32x16xi32, #tpu.memory_space<hbm>> -> memref<1x16xi32, #tpu.memory_space<hbm>>
      %dma_wait3A_824 = tpu.memref_squeeze %dma_wait3A_823 : memref<1x16xi32, #tpu.memory_space<hbm>> -> memref<16xi32, #tpu.memory_space<hbm>>
      tpu.wait_dma2 semaphore(%run_scoped3A : memref<!tpu.dma_semaphore, #tpu.memory_space<semaphore_mem>>) src(%arg10 : memref<16xi32, #tpu.memory_space<vmem>>) dst(%dma_wait3A_824 : memref<16xi32, #tpu.memory_space<hbm>>)
      tpu.yield
    }) : () -> ()
    %dma_wait3A_799 = arith.constant 0 : i32
    %dma_wait3A_800 = tpu.memref_slice %arg4[%mul3A_721, %dma_wait3A_799] : memref<128x2048xi32, #tpu.memory_space<hbm>> -> memref<4x2048xi32, #tpu.memory_space<hbm>>
    %dma_wait3A_801 = arith.constant 0 : i32
    %dma_wait3A_802 = tpu.memref_slice %arg4[%mul3A_721, %dma_wait3A_801] : memref<128x2048xi32, #tpu.memory_space<hbm>> -> memref<4x2048xi32, #tpu.memory_space<hbm>>
    tpu.wait_dma2 semaphore(%arg11 : memref<!tpu.dma_semaphore, #tpu.memory_space<semaphore_mem>>) src(%arg9 : memref<4x2048xi32, #tpu.memory_space<vmem>>) dst(%dma_wait3A_802 : memref<4x2048xi32, #tpu.memory_space<hbm>>)
    %dma_wait3A_803 = arith.constant 0 : i32
    %dma_wait3A_804 = arith.constant 0 : i32
    %dma_wait3A_805 = arith.constant 0 : i32
    %dma_wait3A_806 = tpu.memref_slice %arg6[%add3A, %dma_wait3A_803, %dma_wait3A_804, %dma_wait3A_805] : memref<32x4x2x16xf32, #tpu.memory_space<hbm>> -> memref<1x4x2x16xf32, #tpu.memory_space<hbm>>
    %dma_wait3A_807 = tpu.memref_squeeze %dma_wait3A_806 : memref<1x4x2x16xf32, #tpu.memory_space<hbm>> -> memref<4x2x16xf32, #tpu.memory_space<hbm>>
    %dma_wait3A_808 = arith.constant 0 : i32
    %dma_wait3A_809 = arith.constant 0 : i32
    %dma_wait3A_810 = arith.constant 0 : i32
    %dma_wait3A_811 = tpu.memref_slice %arg6[%add3A, %dma_wait3A_808, %dma_wait3A_809, %dma_wait3A_810] : memref<32x4x2x16xf32, #tpu.memory_space<hbm>> -> memref<1x4x2x16xf32, #tpu.memory_space<hbm>>
    %dma_wait3A_812 = tpu.memref_squeeze %dma_wait3A_811 : memref<1x4x2x16xf32, #tpu.memory_space<hbm>> -> memref<4x2x16xf32, #tpu.memory_space<hbm>>
    tpu.wait_dma2 semaphore(%arg12 : memref<!tpu.dma_semaphore, #tpu.memory_space<semaphore_mem>>) src(%arg8 : memref<4x2x16xf32, #tpu.memory_space<vmem>>) dst(%dma_wait3A_812 : memref<4x2x16xf32, #tpu.memory_space<hbm>>)
    return
  }
}

</mosaic_0001>

<sc_bundles>
// kernel: kernel.3.cloned.1.call-start
scs
__scs_entry_jumppad:
0x0: {  	(pc) =	sbr.rel $0x88, $3  }
0x1: {  	(tag) =	ssettag $0x0;
	lr =	simm.s32 $0x1  }
0x2: {  	[smem:$0x3F9F] =	sst lr;
	_ =	strace $0xD0000000  }
0x3: {  	_ = 	snop  }
0x4: {  	_ = 	snop  }
0x5: {  	_ = 	snop  }
0x6: {  	_ = 	snop  }
0x7: {  	_ = 	snop  }
__scs_overlays_trampoline_lowered:
0x8: {  	[smem:$0x3FAE] =	sst s0  }
0x9: {  	[smem:$0x3FAF] =	sst s1  }
0xa: {  	[smem:$0x3FB0] =	sst s2  }
0xb: {  	[smem:$0x3FB1] =	sst s3  }
0xc: {  	[smem:$0x3FB2] =	sst s4  }
0xd: {  	[smem:$0x3FB3] =	sst s5  }
0xe: {  	[smem:$0x3FB4] =	sst s6  }
0xf: {  	[smem:$0x3FB5] =	sst s7  }
0x10: {  	[smem:$0x3FB6] =	sst s8  }
0x11: {  	[smem:$0x3FB7] =	sst s9;
	s0 =	simm.s32 @!p0 $0x0  }
0x12: {  	s1 =	sld [smem:$0x3F9D];
	s0 =	simm.s32 @p0 $0x1  }
0x13: {  	[smem:$0x3FB8] =	sst s0;
	s0 =	simm.s32 @!p1 $0x0  }
0x14: {  	s2 =	sld [smem:$0x3F9C];
	s0 =	simm.s32 @p1 $0x1  }
0x15: {  	[smem:$0x3FB9] =	sst s0;
	s0 =	simm.s32 @!p2 $0x0  }
0x16: {  	s3 =	sld [smem:$0x3FDB];
	s0 =	simm.s32 @p2 $0x1  }
0x17: {  	s4 =	simm.s32 $0x1BF5;
	[smem:$0x3FBB] =	sst s0  }
0x18: {  	s0 =	sld [smem:$0x3F9E];
	_ =	swait.ge [sflag:s4], $0x0  }
0x19: {  	s7 =	sld [smem:$0x3F9F]  }
0x1a: {  	s8 =	sadd.s32 $0xFFFFE003, lr  }
0x1b: {  	s9 =	sadd.s32 $0xFFFFFEF7, lr;
	s5 =	simm.s32 $0xFFFFFFFF;
	p2 =	slt.u32 s8, $0xFFFFF086  }
0x1c: {  	p1 =	slt.u32 s9, $0xF7A;
	s5 =	simm.s32 @!p2 $0x0  }
0x1d: {  	s5 =	simm.s32 @p1 $0x1;
	p0 =	seq.s32 s7, s2  }
0x1e: {  	s7 =	smul.u32 @!p0 $0xF7A, s2;
	p2 =	seq.s32 @!p0 s5, $0x0  }
0x1f: {  	s9 =	smul.u32 $0xF7A, s1;
	s8 =	simm.s32 @!p0 $0x1BF5;
	p2 =	por !p2, p0  }
0x20: {  	[sflag:s8] =	ssyncset.s32 @!p0 $0xFFFFF086;
	s6 =	sadd.s32 @!p0 s3, s7;
	s7 =	simm.s32 @!p0 $0x108  }
0x21: {  	s3 =	sadd.s32 s3, s9;
	s6 =	sadd.s32 @!p0 $0x88, s6;
	s7 =	simm.s32 @p2 $0x1082  }
0x22: {  	[simem:s7], [sflag:s8] =	dma.local @!p0 [hbm:s6], $0xF7A  }
0x23: {  	s9 =	sor.u32 $0xD0000000, s2;
	s6 =	simm.s32 $0x108;
	_ =	swait.ge @!p0 [sflag:s8], $0x0  }
0x24: {  	s3 =	sadd.s32 $0x88, s3;
	s6 =	simm.s32 @!p1 $0x1082;
	[sflag:s4] =	ssyncset.s32 $0xFFFFF086  }
0x25: {  	[simem:s6], [sflag:s4] =	dma.local [hbm:s3], $0xF7A  }
0x26: {  	[smem:$0x3F9F] =	sst s1;
	(tag) =	ssettag s2;
	_ =	strace s9  }
0x27: {  	s1 =	sld [smem:$0x3FAF]  }
0x28: {  	s2 =	sld [smem:$0x3FB0]  }
0x29: {  	s4 =	sld [smem:$0x3FB2]  }
0x2a: {  	p0 =	seq.s32 s5, $0x0;
	s5 =	sld [smem:$0x3FB3]  }
0x2b: {  	s6 =	sld [smem:$0x3FB4]  }
0x2c: {  	s7 =	sld [smem:$0x3FB5]  }
0x2d: {  	s3 =	simm.s32 $0x108;
	s8 =	sld [smem:$0x3FB6]  }
0x2e: {  	s3 =	simm.s32 @!p0 $0x1082;
	s9 =	sld [smem:$0x3FB7]  }
0x2f: {  	lr =	sadd.s32 s0, s3;
	s0 =	sld [smem:$0x3FAE]  }
0x30: {  	s3 =	sld [smem:$0x3FB1]  }
0x31: {  	[smem:$0x3FBA] =	sst s10  }
0x32: {  	s10 =	sld [smem:$0x3FB8];
	_ =	sdelay $0x3  }
0x33: {  	p0 =	seq.s32 s10, $0x1;
	s10 =	sld [smem:$0x3FBA];
	_ =	sdelay $0x3  }
0x34: {  	[smem:$0x3FBA] =	sst s10  }
0x35: {  	s10 =	sld [smem:$0x3FB9];
	_ =	sdelay $0x3  }
0x36: {  	p1 =	seq.s32 s10, $0x1;
	s10 =	sld [smem:$0x3FBA];
	_ =	sdelay $0x3  }
0x37: {  	[smem:$0x3FBA] =	sst s10  }
0x38: {  	s10 =	sld [smem:$0x3FBB]  }
0x39: {  	_ = 	snop;
	(pc) =	sbr.ind lr, $3  }
0x3a: {  	_ = 	snop  }
0x3b: {  	_ = 	snop  }
0x3c: {  	p2 =	seq.s32 s10, $0x1;
	s10 =	sld [smem:$0x3FBA]  }
0x3d: {  	_ =	shalt  }
0x3e: {  	_ =	shalt  }
0x3f: {  	_ =	shalt  }
0x40: {  	_ =	shalt  }
0x41: {  	_ =	shalt  }
0x42: {  	_ =	shalt  }
0x43: {  	_ =	shalt  }
0x44: {  	_ =	shalt  }
0x45: {  	_ =	shalt  }
0x46: {  	_ =	shalt  }
0x47: {  	_ =	shalt  }
0x48: {  	_ =	shalt  }
0x49: {  	_ =	shalt  }
0x4a: {  	_ =	shalt  }
0x4b: {  	_ =	shalt  }
0x4c: {  	_ =	shalt  }
0x4d: {  	_ =	shalt  }
0x4e: {  	_ =	shalt  }
0x4f: {  	_ =	shalt  }
0x50: {  	_ =	shalt  }
0x51: {  	_ =	shalt  }
0x52: {  	_ =	shalt  }
0x53: {  	_ =	shalt  }
0x54: {  	_ =	shalt  }
0x55: {  	_ =	shalt  }
0x56: {  	_ =	shalt  }
0x57: {  	_ =	shalt  }
0x58: {  	_ =	shalt  }
0x59: {  	_ =	shalt  }
0x5a: {  	_ =	shalt  }
0x5b: {  	_ =	shalt  }
0x5c: {  	_ =	shalt  }
0x5d: {  	_ =	shalt  }
0x5e: {  	_ =	shalt  }
0x5f: {  	_ =	shalt  }
0x60: {  	_ =	shalt  }
0x61: {  	_ =	shalt  }
0x62: {  	_ =	shalt  }
0x63: {  	_ =	shalt  }
0x64: {  	_ =	shalt  }
0x65: {  	_ =	shalt  }
0x66: {  	_ =	shalt  }
0x67: {  	_ =	shalt  }
0x68: {  	_ =	shalt  }
0x69: {  	_ =	shalt  }
0x6a: {  	_ =	shalt  }
0x6b: {  	_ =	shalt  }
0x6c: {  	_ =	shalt  }
0x6d: {  	_ =	shalt  }
0x6e: {  	_ =	shalt  }
0x6f: {  	_ =	shalt  }
0x70: {  	_ =	shalt  }
0x71: {  	_ =	shalt  }
0x72: {  	_ =	shalt  }
0x73: {  	_ =	shalt  }
0x74: {  	_ =	shalt  }
0x75: {  	_ =	shalt  }
0x76: {  	_ =	shalt  }
0x77: {  	_ =	shalt  }
0x78: {  	_ =	shalt  }
0x79: {  	_ =	shalt  }
0x7a: {  	_ =	shalt  }
0x7b: {  	_ =	shalt  }
0x7c: {  	_ =	shalt  }
0x7d: {  	_ =	shalt  }
0x7e: {  	_ =	shalt  }
0x7f: {  	_ =	shalt  }
0x80: {  	_ =	shalt  }
0x81: {  	_ =	shalt  }
0x82: {  	_ =	shalt  }
0x83: {  	_ =	shalt  }
0x84: {  	_ =	shalt  }
0x85: {  	_ =	shalt  }
0x86: {  	_ =	shalt  }
0x87: {  	_ =	shalt  }
.Lfunc_end0:
.L_simem_size_0:
called_computation_lowered:
.L_overlay_start_0:
0x88: {  	s2 =	sld [smem:$0x3FD9]  }
0x89: {  	s3 =	sld [smem:$0x3FFE];
	_ =	sdelay $0x1  }
0x8a: {  	s1 =	srdreg.scid  }
0x8b: {  	s0 =	sand.u32 $0x1, s1  }
0x8c: {  	s14 =	sshll.u32 s0, $0xA;
	s2 =	sadd.s32 s3, s2  }
0x8d: {  	s2 =	sadd.s32 s2, s14  }
0x8e: {  	[smem:$0x3FC6] =	sst s2  }
0x8f: {  	_ = 	snop  }
0x90: {  	s2 =	sld [smem:$0x3FD0];
	_ =	sdelay $0x2  }
0x91: {  	s4 =	simm.s32 $0xA;
	s5 =	simm.s32 $0x10;
	s15 =	sld [smem:$0x3FC9]  }
0x92: {  	[smem:s5], [sflag:s4] =	dma.local [hbm:s2], $0x1  }
0x93: {  	_ =	swait.eq [sflag:s4], $0x1  }
0x94: {  	[sflag:s4] =	ssyncset.done $0x0  }
0x95: {  	s16 =	sld [smem:$0x10];
	[sflag:s4] =	ssyncadd.s32 $0xFFFFFFFF  }
0x96: {  	s17 =	sld [smem:$0x12];
	(tm) =	ssettm $0x1  }
0x97: {  	s18 =	sld [smem:$0x3FFB];
	_ =	sdelay $0x3  }
0x98: {  	_ =	strace s18  }
0x99: {  	s5 =	sld [smem:$0x3FFC];
	_ =	sdelay $0x3  }
0x9a: {  	_ =	strace s5  }
0x9b: {  	s5 =	sld [smem:$0x3FFD];
	_ =	sdelay $0x3  }
0x9c: {  	_ =	strace s5  }
0x9d: {  	_ =	strace $0x8FFFFFFF  }
0x9e: {  	s19 =	sld [smem:$0x3FDB];
	_ =	sdelay $0x1  }
0x9f: {  	s6 =	simm.s32 $_scs_section_size  }
0xa0: {  	s7 =	simm.s32 $_size__tile_overlayer_lowered;
	s8 =	simm.s32 $_tile_overlayer_lowered  }
0xa1: {  	s22 =	simm.s32 $0x1BFF;
	s21 =	sshll.u32 s8, $0x1;
	s5 =	sadd.s32 s6, s19  }
0xa2: {  	s9 =	simm.s32 $0x0;
	s20 =	sshll.u32 s7, $0x1;
	s7 =	sadd.s32 s21, s5  }
0xa3: {  	[timem:s9], [sflag:s22] =	dma.local [hbm:s7], s20  }
0xa4: {  	_ =	swait.ge [sflag:s22], s20  }
0xa5: {  	s6 =	ssub.s32 $0x0, s20;
	[sflag:s22] =	ssyncset.done $0x0  }
0xa6: {  	[sflag:s22] =	ssyncadd.s32 s6;
	_ =	sdelay $0x1  }
0xa7: {  	s23 =	simm.s32 $0x1B8B  }
0xa8: {  	_ =	swait.ge [sflag:s23], $0x1  }
0xa9: {  	[sflag:s23] =	ssyncset.done $0x0  }
0xaa: {  	s25 =	simm.s32 $0x1B8E;
	s24 =	sld [smem:$0x3FFE];
	[sflag:s23] =	ssyncadd.s32 $0xFFFFFFFF  }
0xab: {  	s26 =	simm.s32 $execute0_lowered;
	[smem:$0x3FD2] =	sst s25  }
0xac: {  	s7 =	sshll.u32 s26, $0x1;
	_ =	strace $0x80000046;
	[dreg:$0x1] =	wrdreg $0xFFFFFFFF  }
0xad: {  	s28 =	simm.s32 $_size_execute0_lowered;
	s5 =	sadd.s32 s5, s7;
	[dreg:$0x0] =	wrdreg $0x0  }
0xae: {  	s7 =	sshll.u32 s28, $0x1;
	[dreg:$0x2] =	wrdreg s5  }
0xaf: {  	[dreg:$0x3] =	wrdreg s7  }
0xb0: {  	[dreg:$0x4] =	wrdreg $0xC0  }
0xb1: {  	_ =	task [dreg:s9], $0x5FFFF  }
0xb2: {  	[dreg:$0x1] =	wrdreg $0xFFFFFFFF  }
0xb3: {  	[dreg:$0x0] =	wrdreg $0x60  }
0xb4: {  	[dreg:$0x2] =	wrdreg s15  }
0xb5: {  	[dreg:$0x3] =	wrdreg s24  }
0xb6: {  	[dreg:$0x4] =	wrdreg s16  }
0xb7: {  	[dreg:$0x5] =	wrdreg s17  }
0xb8: {  	[dreg:$0x6] =	wrdreg $0x9  }
0xb9: {  	_ =	task.clear_ibuf [dreg:s9], $0x7FFFF;
	_ =	strace $0x90000046  }
0xba: {  	s29 =	simm.s32 $0x9;
	_ =	strace $0x80000048  }
0xbb: {  	_ =	swait.ge [sflag:s29], $0x1  }
0xbc: {  	[sflag:s29] =	ssyncadd.s32 $0xFFFFFFFF  }
0xbd: {  	_ =	strace $0x90000048  }
0xbe: {  	_ =	sfence  }
0xbf: {  	s30 =	sld [smem:$0x0];
	_ =	sdelay $0x2  }
0xc0: {  	s31 =	sshll.u32 s1, $0xD;
	s1 =	sshrl.u32 s1, $0x2  }
0xc1: {  	s3 =	sand.u32 $0x4000, s31;
	s1 =	sadd.s32 s1, s30  }
0xc2: {  	s0 =	sor.u32 s3, s0;
	s1 =	sshll.u32 s1, $0x11  }
0xc3: {  	s0 =	sor.u32 s1, s0  }
0xc4: {  	s0 =	sadd.s32 $0x8F2B, s0  }
0xc5: {  	[sflag:s0] =	ssyncadd.remote.s32 $0x1  }
0xc6: {  	_ =	sfence.sel $0xFFFF  }
0xc7: {  	[dreg:$0x0] =	wrdreg $0xFFFFFFFF;
	(pc) =	sbr.abs _section_cstart, $3  }
0xc8: {  	[dreg:$0x1] =	wrdreg $0xFFFFFFFF  }
0xc9: {  	_ =	task.clear_ibuf [dreg:s9], $0x2FFFF;
	_ =	strace $0x9FFFFFFF  }
0xca: {  	(tm) =	ssettm $0x7FFFFFFF  }
0xcb: {  	_ =	shalt  }
tec
execute0_lowered:
.L_overlay_start_1:
0x0: {  	(tag) =	ssettag $0x1  }
0x1: {  	s1 =	rddreg [dreg:$0x0]  }
0x2: {  	s0 =	rddreg [dreg:$0x1]  }
0x3: {  	s2 =	rddreg [dreg:$0x2]  }
0x4: {  	s11 =	rddreg [dreg:$0x3]  }
0x5: {  	s3 =	srdreg.scid;
	s13 =	stileid.u32  }
0x6: {  	s30 =	simm.s32 $0x400;
	s23 =	simm.s32 $0x1;
	s26 =	simm.s32 $0x3  }
0x7: {  	s28 =	simm.s32 $0x2;
	s29 =	simm.s32 $0x0;
	s6 =	sand.u32 $0x1, s3  }
0x8: {  	s4 =	sshll.u32 s13, $0x1;
	s3 =	simm.s32 $0x0;
	s13 =	sshll.u32 s13, $0xB  }
0x9: {  	s9 =	sor.u32 s6, s4;
	s31 =	ssub.s32 $0x2, s6;
	[smem:$0x7FF] =	sst s3  }
0xa: {  	s10 =	sshll.u32 s6, $0x6;
	s8 =	sshll.u32 s9, $0x7;
	s5 =	sshrl.u32 s31, $0x1  }
0xb: {  	_ =	strace $0x80000047;
	s2 =	sadd.s32 s2, s10;
	s14 =	sshll.u32 s9, $0x4  }
0xc: {  	s0 =	sadd.s32 s8, s0;
	s12 =	ssub.s32 s31, s5;
	s5 =	sshll.u32 s9, $0x12  }
0xd: {  	s6 =	sor.u32 $0x20, s8;
	s7 =	sor.u32 $0x40, s8;
	s8 =	sor.u32 $0x60, s8  }
0xe: {  	v0 =	vlaneseq.u32;
	s10 =	sadd.s32 s13, s2;
	s11 =	sadd.s32 s11, s14;
	s13 =	simm.s32 $0x800  }
0xf: {  	v2 =	vimm.s32 $0x0;
	v1 =	vor.u32 $0x10, v0;
	s4 =	sadd.s32 $0x800, s0;
	s9 =	sadd.s32 $0x1800, s0;
	s12 =	smax.u32 s12, $0x1  }
.LBB2_1:
0x10: {  	[tilespmem:s3], [sflag:$0x3] =	stream.linear.gather [hbm4b:s4+s3], $0x400, $0x38;
	[tilespmem:$0x2880] =	vst v63  }
0x11: {  	s0 =	simm.s32 $0x0;
	s2 =	simm.s32 $0x0  }
0x12: {  	s14 =	sand.u32 $0xFFFFFF80, s2;
	s24 =	sand.u32 $0xC, s0  }
0x13: {  	s2 =	sor.u32 s24, s14  }
0x14: {  	p0 =	por $0x1, $0x1;
	_ =	swait.ge [sflag:s26], $0x400;
	v4 =	vmov s2  }
.Ltmp0:
0x15: {  	[sflag:s26] =	ssyncset.done $0x0;
	(pc) =	sbr.rel @!p0 .LBB2_3-.Ltmp0, $4  }
0x16: {  	[sflag:s26] =	ssyncadd.s32 $0xFFFFFC00;
	s2 =	simm.s32 $0x2  }
0x17: {  	s15 =	sand.u32 $0xF, s26;
	s17 =	simm.s32 $0x1;
	v3 =	vld [tilespmem:$0x0];
	s16 =	sand.u32 $0xE, s2  }
0x18: {  	v6 =	vimm.s32 $0x0;
	s31 =	sand.u32 $0xD, s17;
	s15 =	sor.u32 s15, s14;
	v5 =	vld [tilespmem:$0x80];
	s25 =	sor.u32 s16, s14  }
0x19: {  	v7 =	vmov s15;
	s15 =	simm.s32 $0x7;
	s16 =	sor.u32 s31, s14;
	s14 =	simm.s32 $0x3;
	v8 =	vmov s25;
	v9 =	vld.idx.msk [tilespmem:v4+s3+$0x0], $0xffff;
	v4 =	vimm.s32 $0x0  }
.LBB2_2:
0x1a: {  	v10 =	vmov s16;
	_ =	sdelay $0x2  }
0x1b: {  	v11 =	vmov s14;
	v12 =	vmov s0;
	v13 =	vimm.s32 $0x0  }
0x1c: {  	vm0 =	vlt.u32 v11, v0;
	vm15 =	vlt.u32 v11, v1;
	v11 =	vimm.s32 $0x0  }
0x1d: {  	v59 =	vmov s2;
	vm9 =	vlt.u32 v12, v0;
	v11 =	vsel vm15, $0xFFFFFFFF, v11;
	v10 =	vld.idx.msk [tilespmem:v10+s3+$0x0], $0xffff  }
0x1e: {  	s18 =	sadd.s32 $0xFFFFFFFD, s15;
	vm10 =	vlt.u32 v12, v1;
	vm6 =	vlt.u32 v59, v0;
	[tilespmem:$0x1FFF0] =	vst v11;
	v11 =	vmov s17  }
0x1f: {  	v60 =	vld.idx.msk [tilespmem:v8+s3+$0x0], $0xffff;
	s2 =	sadd.s32 $0xFFFFFFFF, s15;
	s20 =	sshll.u32 s18, $0x3;
	vm5 =	vlt.u32 v59, v1;
	v13 =	vsel vm0, $0xFFFFFFFF, v13;
	vm7 =	vlt.u32 v11, v0  }
0x20: {  	v14 =	vld.idx.msk [tilespmem:v7+s3+$0x0], $0xffff;
	s24 =	sand.u32 $0xE, s2;
	s16 =	sand.u32 $0xFFFFFF80, s20;
	vm8 =	vlt.u32 v11, v1;
	vm11 =	vgt.f32 v9, v3;
	vm13 =	veq.f32 v9, v5  }
0x21: {  	s0 =	smov.u32 s18;
	s17 =	sor.u32 s24, s16;
	vm12 =	veq.f32 v9, v3;
	vm4 =	vgt.f32 v9, v5;
	vm10 =	vmand vm10, vm13  }
0x22: {  	s25 =	sand.u32 $0xC, s0;
	[tilespmem:$0x1FFE0] =	vst v13;
	v8 =	vmov s17;
	vm10 =	vmor vm4, vm10;
	vm15 =	vgt.f32 v10, v3  }
0x23: {  	p0 =	slt.u32 s18, $0x1C;
	s18 =	sor.u32 s25, s16;
	vm4 =	vgt.f32 v10, v5;
	vm2 =	veq.f32 v10, v3;
	vm0 =	veq.f32 v10, v5;
	v10 =	vld [tilespmem:$0x1FFE0]  }
0x24: {  	v9 =	vmov s18;
	vm9 =	vmand vm9, vm12;
	vm12 =	vgt.f32 v60, v5  }
0x25: {  	vm13 =	veq.f32 v14, v3;
	vm14 =	veq.f32 v14, v5;
	vm1 =	veq.f32 v60, v3  }
0x26: {  	vm3 =	veq.f32 v60, v5;
	vm9 =	vmor vm11, vm9;
	vm11 =	vgt.f32 v14, v5  }
0x27: {  	vm1 =	vmand vm6, vm1;
	vm3 =	vmand vm5, vm3;
	v11 =	vsel vm9, $0x1, v2  }
0x28: {  	v61 =	vsel vm10, $0x1, v2;
	vm9 =	vgt.f32 v60, v3;
	vm6 =	vnez.u8 v10;
	v10 =	vld [tilespmem:$0x1FFF0]  }
0x29: {  	vm10 =	vgt.f32 v14, v3;
	vm3 =	vmor vm12, vm3;
	vm1 =	vmor vm9, vm1  }
0x2a: {  	v4 =	vadd.s32 v11, v4;
	v6 =	vadd.s32 v61, v6;
	vm0 =	vmand vm8, vm0  }
0x2b: {  	v62 =	vsel vm1, $0x1, v2;
	vm2 =	vmand vm7, vm2;
	vm0 =	vmor vm4, vm0  }
0x2c: {  	vm2 =	vmor vm15, vm2;
	v11 =	vsel vm0, $0x1, v2;
	vm6 =	vmand vm6, vm13  }
.Ltmp1:
0x2d: {  	v6 =	vadd.s32 v11, v6;
	vm10 =	vmor vm10, vm6;
	vm13 =	vnez.u8 v10;
	(pc) =	sbr.rel @p0 .LBB2_2-.Ltmp1, $4  }
0x2e: {  	v63 =	vsel vm10, $0x1, v2;
	v10 =	vsel vm2, $0x1, v2;
	vm13 =	vmand vm13, vm14  }
0x2f: {  	s21 =	sand.u32 $0xF, s15;
	s17 =	sadd.s32 $0xFFFFFFFE, s15;
	v4 =	vadd.s32 v10, v4;
	v10 =	vsel vm3, $0x1, v2;
	vm14 =	vmor vm11, vm13  }
0x30: {  	s22 =	sor.u32 s21, s16;
	s31 =	sand.u32 $0xD, s17;
	v4 =	vadd.s32 v62, v4;
	v6 =	vadd.s32 v10, v6;
	v10 =	vsel vm14, $0x1, v2  }
0x31: {  	s14 =	smov.u32 s15;
	v7 =	vmov s22;
	s15 =	sadd.s32 $0x4, s15;
	s16 =	sor.u32 s31, s16;
	v9 =	vld.idx.msk [tilespmem:v9+s3+$0x0], $0xffff;
	v4 =	vadd.s32 v63, v4;
	v6 =	vadd.s32 v10, v6  }
.LBB2_3:
0x32: {  	_ =	sdelay $0x3  }
0x33: {  	v10 =	vmov s16;
	v11 =	vmov s14;
	v12 =	vmov s0;
	v8 =	vld.idx.msk [tilespmem:v8+s3+$0x0], $0xffff  }
0x34: {  	v13 =	vmov s2;
	v7 =	vld.idx.msk [tilespmem:v7+s3+$0x0], $0xffff;
	vm0 =	vlt.u32 v11, v0;
	vm1 =	vlt.u32 v11, v1  }
0x35: {  	vm2 =	vlt.u32 v12, v0;
	v11 =	vmov s17;
	vm3 =	vlt.u32 v12, v1  }
0x36: {  	vm4 =	vlt.u32 v13, v0;
	vm5 =	vlt.u32 v13, v1;
	vm9 =	vlt.u32 v11, v0  }
0x37: {  	vm10 =	vlt.u32 v11, v1;
	vm6 =	veq.f32 v9, v3;
	vm7 =	vgt.f32 v9, v3  }
0x38: {  	vm14 =	veq.f32 v9, v5;
	vm15 =	vgt.f32 v9, v5;
	vm2 =	vmand vm2, vm6  }
0x39: {  	v10 =	vld.idx.msk [tilespmem:v10+s3+$0x0], $0xffff;
	vm3 =	vmand vm3, vm14;
	vm11 =	veq.f32 v8, v3;
	vm12 =	veq.f32 v7, v3  }
0x3a: {  	vm13 =	veq.f32 v7, v5;
	vm2 =	vmor vm7, vm2;
	vm3 =	vmor vm15, vm3  }
0x3b: {  	vm0 =	vmand vm0, vm12;
	vm1 =	vmand vm1, vm13;
	vm12 =	vgt.f32 v7, v5  }
0x3c: {  	v9 =	vsel vm2, $0x1, v2;
	vm2 =	vmand vm4, vm11;
	vm11 =	vgt.f32 v7, v3  }
0x3d: {  	v11 =	vsel vm3, $0x1, v2;
	vm1 =	vmor vm12, vm1;
	vm0 =	vmor vm11, vm0  }
0x3e: {  	v4 =	vadd.s32 v9, v4;
	v6 =	vadd.s32 v11, v6;
	vm14 =	veq.f32 v10, v3  }
0x3f: {  	vm15 =	veq.f32 v10, v5;
	vm13 =	vgt.f32 v10, v3;
	vm3 =	vmand vm9, vm14  }
0x40: {  	vm9 =	veq.f32 v8, v5;
	vm4 =	vmand vm10, vm15;
	vm10 =	vgt.f32 v8, v3  }
0x41: {  	vm14 =	vgt.f32 v8, v5;
	vm15 =	vgt.f32 v10, v5;
	v10 =	vsel vm0, $0x1, v2  }
0x42: {  	vm5 =	vmand vm5, vm9;
	vm2 =	vmor vm10, vm2;
	vm3 =	vmor vm13, vm3  }
0x43: {  	vm4 =	vmor vm15, vm4;
	vm5 =	vmor vm14, vm5;
	v7 =	vsel vm3, $0x1, v2  }
0x44: {  	v8 =	vsel vm2, $0x1, v2;
	v9 =	vsel vm4, $0x1, v2;
	v4 =	vadd.s32 v7, v4  }
0x45: {  	v6 =	vadd.s32 v9, v6;
	v7 =	vsel vm5, $0x1, v2;
	v4 =	vadd.s32 v8, v4  }
0x46: {  	v6 =	vadd.s32 v7, v6;
	v7 =	vsel vm1, $0x1, v2;
	v4 =	vadd.s32 v10, v4  }
0x47: {  	v6 =	vadd.s32 v7, v6;
	vm9 =	veq.s32 v4, $0x0  }
0x48: {  	vm10 =	veq.s32 v6, $0x0;
	v7 =	vnsel vm9, $0x0, v0  }
0x49: {  	(xrf0) =	vadd.scan.msk.s32 $0xffff, v7;
	v7 =	vnsel vm10, $0x0, v1  }
0x4a: {  	(xrf0) =	vadd.scan.msk.s32 $0xffff, v7;
	_ =	sdelay $0x4  }
0x4b: {  	v7, _, _ =	vpop (xrf0)  }
0x4c: {  	(v2sf) =	vpush v7, $0xF;
	v7, _, _ =	vpop (xrf0)  }
0x4d: {  	(v2sf) =	vpush v7, $0xF;
	_ =	sdelay $0xd  }
0x4e: {  	s17 =	spop (v2sf)  }
0x4f: {  	s18 =	spop (v2sf)  }
0x50: {  	s0 =	sadd.s32 s17, s18  }
0x51: {  	s2 =	sshll.u32 s0, $0xB  }
0x52: {  	s0 =	sshll.u32 s0, $0x7;
	s2 =	sadd.s32 s5, s2  }
0x53: {  	s0 =	sand.u32 $0x380, s0;
	s2 =	sand.u32 $0xFFFFC000, s2  }
0x54: {  	s0 =	sor.u32 s0, s2  }
0x55: {  	s0 =	sshrl.u32 s0, $0x3  }
0x56: {  	s0 =	sadd.s32 s1, s0  }
0x57: {  	[tilespmem:s13], [sflag:$0x1] =	stream.linear.gather [hbm4b:s0+s3], $0x80, $0x38;
	[tilespmem:$0x2880] =	vst v63  }
0x58: {  	s20 =	simm.s32 $0xA00;
	s19 =	sadd.s32 $0x80, s0  }
0x59: {  	[tilespmem:s20], [sflag:$0x1] =	stream.linear.gather [hbm4b:s19+s3], $0x80, $0x38;
	[tilespmem:$0x2880] =	vst v63  }
0x5a: {  	s22 =	simm.s32 $0xC00;
	s21 =	sadd.s32 $0x100, s0  }
0x5b: {  	[tilespmem:s22], [sflag:$0x1] =	stream.linear.gather [hbm4b:s21+s3], $0x80, $0x38;
	[tilespmem:$0x2880] =	vst v63  }
0x5c: {  	s25 =	simm.s32 $0xE00;
	s24 =	sadd.s32 $0x180, s0  }
0x5d: {  	[tilespmem:s25], [sflag:$0x1] =	stream.linear.gather [hbm4b:s24+s3], $0x80, $0x38;
	[tilespmem:$0x2880] =	vst v63  }
0x5e: {  	s14 =	simm.s32 $0x1000;
	s13 =	sadd.s32 $0x200, s0  }
0x5f: {  	[tilespmem:s14], [sflag:$0x1] =	stream.linear.gather [hbm4b:s13+s3], $0x80, $0x38;
	[tilespmem:$0x2880] =	vst v63  }
0x60: {  	s16 =	simm.s32 $0x1200;
	s15 =	sadd.s32 $0x280, s0  }
0x61: {  	[tilespmem:s16], [sflag:$0x1] =	stream.linear.gather [hbm4b:s15+s3], $0x80, $0x38;
	[tilespmem:$0x2880] =	vst v63  }
0x62: {  	s18 =	simm.s32 $0x1400;
	s17 =	sadd.s32 $0x300, s0  }
0x63: {  	[tilespmem:s18], [sflag:$0x1] =	stream.linear.gather [hbm4b:s17+s3], $0x80, $0x38;
	[tilespmem:$0x2880] =	vst v63  }
0x64: {  	s19 =	sadd.s32 $0x380, s0;
	s20 =	simm.s32 $0x1600  }
0x65: {  	[tilespmem:s20], [sflag:$0x1] =	stream.linear.gather [hbm4b:s19+s3], $0x80, $0x38;
	[tilespmem:$0x2880] =	vst v63  }
0x66: {  	s21 =	sadd.s32 $0x400, s0;
	s22 =	simm.s32 $0x1800  }
0x67: {  	[tilespmem:s22], [sflag:$0x1] =	stream.linear.gather [hbm4b:s21+s3], $0x80, $0x38;
	[tilespmem:$0x2880] =	vst v63  }
0x68: {  	s24 =	sadd.s32 $0x480, s0;
	s25 =	simm.s32 $0x1A00  }
0x69: {  	v7 =	vshra.s32 v4, $0x1F;
	[tilespmem:s25], [sflag:$0x1] =	stream.linear.gather [hbm4b:s24+s3], $0x80, $0x38;
	[tilespmem:$0x2880] =	vst v63  }
0x6a: {  	v7 =	vshrl.u32 v7, $0x1C;
	s13 =	sadd.s32 $0x500, s0;
	s14 =	simm.s32 $0x1C00  }
0x6b: {  	v8 =	vshra.s32 v6, $0x1F;
	v7 =	vadd.s32 v7, v4;
	[tilespmem:s14], [sflag:$0x1] =	stream.linear.gather [hbm4b:s13+s3], $0x80, $0x38;
	[tilespmem:$0x2880] =	vst v63  }
0x6c: {  	v8 =	vshrl.u32 v8, $0x1C;
	v7 =	vshra.s32 v7, $0x4;
	s15 =	sadd.s32 $0x580, s0;
	s16 =	simm.s32 $0x1E00  }
0x6d: {  	v8 =	vadd.s32 v8, v6;
	v9 =	vshll.u32 v7, $0x4;
	[tilespmem:s16], [sflag:$0x1] =	stream.linear.gather [hbm4b:s15+s3], $0x80, $0x38;
	[tilespmem:$0x2880] =	vst v63  }
0x6e: {  	vm11 =	vlt.s32 v4, $0x1;
	vm12 =	vne.s32 v4, v9;
	v9 =	vand.u32 $0xFFFFFFF0, v8;
	s17 =	sadd.s32 $0x600, s0;
	s18 =	simm.s32 $0x2000  }
0x6f: {  	vm13 =	vlt.s32 v6, $0x1;
	vm0 =	vmand vm11, vm12;
	vm14 =	vne.s32 v6, v9;
	[tilespmem:s18], [sflag:$0x1] =	stream.linear.gather [hbm4b:s17+s3], $0x80, $0x38;
	[tilespmem:$0x2880] =	vst v63  }
0x70: {  	v9 =	vsel vm0, $0xFFFFFFFF, v2;
	vm15 =	vmand vm13, vm14;
	s19 =	sadd.s32 $0x680, s0;
	s20 =	simm.s32 $0x2200  }
0x71: {  	v8 =	vshrl.u32 v8, $0x4;
	v10 =	vsel vm15, $0xFFFFFFFF, v2;
	v7 =	vadd.s32 v9, v7;
	[tilespmem:s20], [sflag:$0x1] =	stream.linear.gather [hbm4b:s19+s3], $0x80, $0x38;
	[tilespmem:$0x2880] =	vst v63  }
0x72: {  	v4 =	vand.u32 $0xF, v4;
	v7 =	vshll.u32 v7, $0x7;
	v8 =	vadd.s32 v10, v8;
	s21 =	sadd.s32 $0x700, s0;
	s22 =	simm.s32 $0x2400  }
0x73: {  	v7 =	vor.u32 v4, v7;
	v4 =	vand.u32 $0xF, v6;
	v6 =	vshll.u32 v8, $0x7;
	[tilespmem:s22], [sflag:$0x1] =	stream.linear.gather [hbm4b:s21+s3], $0x80, $0x38;
	[tilespmem:$0x2880] =	vst v63  }
0x74: {  	v6 =	vor.u32 v4, v6;
	s0 =	sadd.s32 $0x780, s0;
	s24 =	simm.s32 $0x2600;
	s25 =	simm.s32 $0x0  }
0x75: {  	[tilespmem:s24], [sflag:$0x1] =	stream.linear.gather [hbm4b:s0+s3], $0x80, $0x38;
	[tilespmem:$0x2880] =	vst v63  }
0x76: {  	s0 =	sand.u32 $0xFFFFFF80, s25  }
0x77: {  	s31 =	simm.s32 $0x3;
	p0 =	por $0x1, $0x1;
	v4 =	vmov s0;
	s0 =	simm.s32 $0x0  }
.Ltmp2:
0x78: {  	s2 =	simm.s32 $0x2;
	[tilespmem:v7+s30+$0x0] =	vst.idx.msk $0xffff, v3;
	v8 =	vadd.s32 $0x100, v4;
	s17 =	sand.u32 $0xC, s0;
	(pc) =	sbr.rel @!p0 .LBB2_5-.Ltmp2, $4  }
0x79: {  	s14 =	simm.s32 $0x1;
	s15 =	sand.u32 $0xF, s31;
	s16 =	sand.u32 $0xE, s2;
	[tilespmem:v6+s30+$0x0] =	vst.idx.msk $0xffff, v5;
	v6 =	vor.u32 s17, v8  }
0x7a: {  	s18 =	sand.u32 $0xD, s14;
	v3 =	vor.u32 s15, v8;
	v7 =	vor.u32 s16, v8;
	v10 =	vbroadcast v6, $0x0  }
0x7b: {  	s20 =	simm.s32 $0x7;
	s19 =	simm.s32 $0x0;
	v5 =	vld [tilespmem:$0x100];
	v12 =	vor.u32 s18, v8;
	v8 =	vimm.s32 $0x0;
	v9 =	vbroadcast v3, $0x0  }
0x7c: {  	s21 =	simm.s32 $0x3;
	s22 =	simm.s32 $0x2;
	s24 =	simm.s32 $0x1;
	v3 =	vimm.s32 $0x0;
	v11 =	vbroadcast v7, $0x0;
	v6 =	vld [tilespmem:$0x180];
	v7 =	vimm.s32 $0x0  }
.LBB2_4:
0x7d: {  	v13 =	vmov s19  }
0x7e: {  	v12 =	vbroadcast v12, $0x0;
	v14 =	vmov s21;
	v15 =	vmov s22  }
0x7f: {  	s19 =	sadd.s32 $0xFFFFFFFD, s20;
	v16 =	vimm.s32 $0x0;
	vm0 =	vlt.u32 v14, v0;
	vm12 =	vlt.u32 v14, v1  }
0x80: {  	v10 =	vld.idx.msk [tilespmem:v10+s3+$0x0], $0xffff;
	s25 =	sshll.u32 s19, $0x3;
	v14 =	vimm.s32 $0x0;
	vm13 =	vlt.u32 v13, v0;
	vm1 =	vlt.u32 v13, v1  }
0x81: {  	v13 =	vmov s24;
	vm6 =	vlt.u32 v15, v0;
	v14 =	vsel vm12, $0xFFFFFFFF, v14;
	s13 =	sand.u32 $0xFFFFFF80, s25  }
0x82: {  	s22 =	sadd.s32 $0xFFFFFFFF, s20;
	vm5 =	vlt.u32 v15, v1;
	v11 =	vld.idx.msk [tilespmem:v11+s3+$0x0], $0xffff;
	v16 =	vsel vm0, $0xFFFFFFFF, v16;
	[tilespmem:$0x1FFD0] =	vst v14;
	v14 =	vmov s13  }
0x83: {  	s24 =	sand.u32 $0xC, s19;
	s25 =	sand.u32 $0xE, s22;
	vm7 =	vlt.u32 v13, v0;
	vm8 =	vlt.u32 v13, v1;
	s13 =	sand.u32 $0xF, s20;
	v14 =	vadd.s32 $0x100, v14  }
0x84: {  	v15 =	vld.idx.msk [tilespmem:v9+s3+$0x0], $0xffff;
	v13 =	vor.u32 s24, v14;
	v63 =	vor.u32 s25, v14;
	v9 =	vor.u32 s13, v14  }
0x85: {  	vm2 =	vgt.f32 v10, v5;
	vm9 =	veq.f32 v10, v5;
	vm10 =	veq.f32 v10, v6  }
0x86: {  	vm14 =	vgt.f32 v10, v6;
	vm0 =	vmand vm13, vm9;
	vm1 =	vmand vm1, vm10  }
0x87: {  	[tilespmem:$0x1FFC0] =	vst v16;
	vm3 =	vgt.f32 v11, v5;
	vm9 =	vgt.f32 v11, v6;
	vm1 =	vmor vm14, vm1  }
0x88: {  	vm14 =	veq.f32 v11, v5;
	v17 =	vsel vm1, $0x1, v2;
	vm1 =	veq.f32 v11, v6;
	v11 =	vld [tilespmem:$0x1FFC0]  }
0x89: {  	v12 =	vld.idx.msk [tilespmem:v12+s3+$0x0], $0xffff;
	v9 =	vbroadcast v9, $0x0;
	v10 =	vbroadcast v13, $0x0;
	vm4 =	vgt.f32 v15, v5  }
0x8a: {  	vm10 =	veq.f32 v15, v5;
	vm11 =	veq.f32 v15, v6;
	vm0 =	vmor vm2, vm0  }
0x8b: {  	vm2 =	vgt.f32 v15, v6;
	v13 =	vsel vm0, $0x1, v2;
	vm6 =	vmand vm6, vm14  }
0x8c: {  	vm1 =	vmand vm5, vm1;
	vm3 =	vmor vm3, vm6;
	v7 =	vadd.s32 v13, v7  }
0x8d: {  	v8 =	vadd.s32 v17, v8;
	vm1 =	vmor vm9, vm1;
	vm14 =	vnez.u8 v11;
	v11 =	vld [tilespmem:$0x1FFD0]  }
0x8e: {  	vm12 =	vgt.f32 v12, v5;
	vm13 =	vgt.f32 v12, v6;
	vm0 =	veq.f32 v12, v6  }
0x8f: {  	vm15 =	veq.f32 v12, v5;
	v12 =	vsel vm3, $0x1, v2;
	vm0 =	vmand vm8, vm0  }
0x90: {  	vm7 =	vmand vm7, vm15;
	vm0 =	vmor vm13, vm0;
	vm10 =	vmand vm14, vm10  }
0x91: {  	p1 =	slt.u32 s19, $0x1C;
	vm15 =	vmor vm12, vm7;
	v13 =	vsel vm0, $0x1, v2;
	vm4 =	vmor vm4, vm10  }
.Ltmp3:
0x92: {  	v8 =	vadd.s32 v13, v8;
	vm14 =	vnez.u8 v11;
	v11 =	vsel vm15, $0x1, v2;
	(pc) =	sbr.rel @p1 .LBB2_4-.Ltmp3, $4  }
0x93: {  	v15 =	vsel vm4, $0x1, v2;
	vm11 =	vmand vm14, vm11;
	v7 =	vadd.s32 v11, v7  }
0x94: {  	s24 =	sadd.s32 $0xFFFFFFFE, s20;
	v11 =	vsel vm1, $0x1, v2;
	vm2 =	vmor vm2, vm11;
	v7 =	vadd.s32 v12, v7  }
0x95: {  	s25 =	sand.u32 $0xD, s24;
	v8 =	vadd.s32 v11, v8;
	v11 =	vbroadcast v63, $0x0;
	v12 =	vsel vm2, $0x1, v2  }
0x96: {  	s21 =	smov.u32 s20;
	s20 =	sadd.s32 $0x4, s20;
	v7 =	vadd.s32 v15, v7;
	v8 =	vadd.s32 v12, v8;
	v12 =	vor.u32 s25, v14  }
.LBB2_5:
0x97: {  	_ =	sdelay $0x3  }
0x98: {  	v10 =	vld.idx.msk [tilespmem:v10+s3+$0x0], $0xffff  }
0x99: {  	v12 =	vbroadcast v12, $0x0;
	v13 =	vmov s19;
	v14 =	vmov s21;
	v9 =	vld.idx.msk [tilespmem:v9+s3+$0x0], $0xffff  }
0x9a: {  	v15 =	vmov s22;
	v60 =	vmov s24;
	vm0 =	vlt.u32 v14, v0  }
0x9b: {  	vm1 =	vlt.u32 v14, v1;
	vm2 =	vlt.u32 v13, v0;
	vm3 =	vlt.u32 v13, v1;
	v11 =	vld.idx.msk [tilespmem:v11+s3+$0x0], $0xffff  }
0x9c: {  	vm4 =	vlt.u32 v15, v0;
	vm5 =	vlt.u32 v15, v1;
	vm9 =	vlt.u32 v60, v0  }
0x9d: {  	vm10 =	vlt.u32 v60, v1;
	vm6 =	veq.f32 v10, v5;
	vm7 =	vgt.f32 v10, v5  }
0x9e: {  	vm14 =	veq.f32 v10, v6;
	vm15 =	vgt.f32 v10, v6;
	vm12 =	veq.f32 v9, v5  }
0x9f: {  	vm13 =	veq.f32 v9, v6;
	vm2 =	vmand vm2, vm6;
	vm3 =	vmand vm3, vm14  }
0xa0: {  	v12 =	vld.idx.msk [tilespmem:v12+s3+$0x0], $0xffff;
	vm11 =	veq.f32 v11, v5;
	vm0 =	vmand vm0, vm12;
	vm1 =	vmand vm1, vm13  }
0xa1: {  	vm12 =	vgt.f32 v9, v6;
	vm2 =	vmor vm7, vm2;
	vm3 =	vmor vm15, vm3  }
0xa2: {  	v10 =	vsel vm2, $0x1, v2;
	vm2 =	vmand vm4, vm11;
	vm11 =	vgt.f32 v9, v5  }
0xa3: {  	vm1 =	vmor vm12, vm1;
	v61 =	vsel vm3, $0x1, v2;
	vm0 =	vmor vm11, vm0  }
0xa4: {  	v7 =	vadd.s32 v10, v7;
	v8 =	vadd.s32 v61, v8;
	v62 =	vsel vm0, $0x1, v2  }
0xa5: {  	vm14 =	veq.f32 v12, v5;
	vm15 =	veq.f32 v12, v6;
	vm13 =	vgt.f32 v12, v5  }
0xa6: {  	vm3 =	vmand vm9, vm14;
	vm9 =	veq.f32 v11, v6;
	vm4 =	vmand vm10, vm15  }
0xa7: {  	vm10 =	vgt.f32 v11, v5;
	vm14 =	vgt.f32 v11, v6;
	vm15 =	vgt.f32 v12, v6  }
0xa8: {  	vm5 =	vmand vm5, vm9;
	vm2 =	vmor vm10, vm2;
	vm3 =	vmor vm13, vm3  }
0xa9: {  	vm4 =	vmor vm15, vm4;
	vm5 =	vmor vm14, vm5;
	v9 =	vsel vm3, $0x1, v2  }
0xaa: {  	v11 =	vsel vm2, $0x1, v2;
	v10 =	vsel vm4, $0x1, v2;
	v7 =	vadd.s32 v9, v7  }
0xab: {  	v8 =	vadd.s32 v10, v8;
	v9 =	vsel vm5, $0x1, v2;
	v7 =	vadd.s32 v11, v7  }
0xac: {  	v8 =	vadd.s32 v9, v8;
	v9 =	vsel vm1, $0x1, v2;
	v7 =	vadd.s32 v62, v7  }
0xad: {  	v8 =	vadd.s32 v9, v8;
	vm9 =	veq.s32 v7, $0x0  }
0xae: {  	vm10 =	veq.s32 v8, $0x0;
	v9 =	vnsel vm9, $0x0, v0  }
0xaf: {  	(xrf0) =	vadd.scan.msk.s32 $0xffff, v9;
	v9 =	vnsel vm10, $0x0, v1  }
0xb0: {  	(xrf0) =	vadd.scan.msk.s32 $0xffff, v9;
	_ =	sdelay $0x4  }
0xb1: {  	v9, _, _ =	vpop (xrf0)  }
0xb2: {  	(v2sf) =	vpush v9, $0xF;
	v9, _, _ =	vpop (xrf0)  }
0xb3: {  	(v2sf) =	vpush v9, $0xF;
	_ =	sdelay $0xd  }
0xb4: {  	s13 =	spop (v2sf)  }
0xb5: {  	s20 =	spop (v2sf)  }
0xb6: {  	s13 =	sadd.s32 s13, s20  }
0xb7: {  	s19 =	sadd.s32 s13, s6  }
0xb8: {  	s13 =	sshll.u32 s13, $0x7;
	s19 =	sshll.u32 s19, $0xB  }
0xb9: {  	s13 =	sand.u32 $0x380, s13;
	s19 =	sand.u32 $0xFFFFC000, s19  }
0xba: {  	s13 =	sor.u32 s13, s19  }
0xbb: {  	s13 =	sshrl.u32 s13, $0x3  }
0xbc: {  	s21 =	simm.s32 $0x880;
	s13 =	sadd.s32 s1, s13  }
0xbd: {  	[tilespmem:s21], [sflag:$0x1] =	stream.linear.gather [hbm4b:s13+s3], $0x80, $0x38;
	[tilespmem:$0x2880] =	vst v63  }
0xbe: {  	s20 =	simm.s32 $0xA80;
	s22 =	sadd.s32 $0x80, s13  }
0xbf: {  	[tilespmem:s20], [sflag:$0x1] =	stream.linear.gather [hbm4b:s22+s3], $0x80, $0x38;
	[tilespmem:$0x2880] =	vst v63  }
0xc0: {  	s25 =	simm.s32 $0xC80;
	s24 =	sadd.s32 $0x100, s13  }
0xc1: {  	[tilespmem:s25], [sflag:$0x1] =	stream.linear.gather [hbm4b:s24+s3], $0x80, $0x38;
	[tilespmem:$0x2880] =	vst v63  }
0xc2: {  	s21 =	sadd.s32 $0x180, s13;
	s22 =	simm.s32 $0xE80  }
0xc3: {  	[tilespmem:s22], [sflag:$0x1] =	stream.linear.gather [hbm4b:s21+s3], $0x80, $0x38;
	[tilespmem:$0x2880] =	vst v63  }
0xc4: {  	s24 =	sadd.s32 $0x200, s13;
	s25 =	simm.s32 $0x1080  }
0xc5: {  	[tilespmem:s25], [sflag:$0x1] =	stream.linear.gather [hbm4b:s24+s3], $0x80, $0x38;
	[tilespmem:$0x2880] =	vst v63  }
0xc6: {  	s21 =	sadd.s32 $0x280, s13;
	s22 =	simm.s32 $0x1280  }
0xc7: {  	[tilespmem:s22], [sflag:$0x1] =	stream.linear.gather [hbm4b:s21+s3], $0x80, $0x38;
	[tilespmem:$0x2880] =	vst v63  }
0xc8: {  	s24 =	sadd.s32 $0x300, s13;
	s25 =	simm.s32 $0x1480  }
0xc9: {  	[tilespmem:s25], [sflag:$0x1] =	stream.linear.gather [hbm4b:s24+s3], $0x80, $0x38;
	[tilespmem:$0x2880] =	vst v63  }
0xca: {  	s21 =	sadd.s32 $0x380, s13;
	s22 =	simm.s32 $0x1680  }
0xcb: {  	[tilespmem:s22], [sflag:$0x1] =	stream.linear.gather [hbm4b:s21+s3], $0x80, $0x38;
	[tilespmem:$0x2880] =	vst v63  }
0xcc: {  	s24 =	sadd.s32 $0x400, s13;
	s25 =	simm.s32 $0x1880  }
0xcd: {  	v9 =	vshra.s32 v7, $0x1F;
	[tilespmem:s25], [sflag:$0x1] =	stream.linear.gather [hbm4b:s24+s3], $0x80, $0x38;
	[tilespmem:$0x2880] =	vst v63  }
0xce: {  	v9 =	vshrl.u32 v9, $0x1C;
	s21 =	sadd.s32 $0x480, s13;
	s22 =	simm.s32 $0x1A80  }
0xcf: {  	v10 =	vshra.s32 v8, $0x1F;
	v9 =	vadd.s32 v9, v7;
	[tilespmem:s22], [sflag:$0x1] =	stream.linear.gather [hbm4b:s21+s3], $0x80, $0x38;
	[tilespmem:$0x2880] =	vst v63  }
0xd0: {  	v10 =	vshrl.u32 v10, $0x1C;
	v9 =	vshra.s32 v9, $0x4;
	s24 =	sadd.s32 $0x500, s13;
	s25 =	simm.s32 $0x1C80  }
0xd1: {  	v10 =	vadd.s32 v10, v8;
	v11 =	vshll.u32 v9, $0x4;
	[tilespmem:s25], [sflag:$0x1] =	stream.linear.gather [hbm4b:s24+s3], $0x80, $0x38;
	[tilespmem:$0x2880] =	vst v63  }
0xd2: {  	vm11 =	vlt.s32 v7, $0x1;
	vm12 =	vne.s32 v7, v11;
	v11 =	vand.u32 $0xFFFFFFF0, v10;
	s21 =	sadd.s32 $0x580, s13;
	s22 =	simm.s32 $0x1E80  }
0xd3: {  	vm13 =	vlt.s32 v8, $0x1;
	vm0 =	vmand vm11, vm12;
	vm14 =	vne.s32 v8, v11;
	[tilespmem:s22], [sflag:$0x1] =	stream.linear.gather [hbm4b:s21+s3], $0x80, $0x38;
	[tilespmem:$0x2880] =	vst v63  }
0xd4: {  	v11 =	vsel vm0, $0xFFFFFFFF, v2;
	vm15 =	vmand vm13, vm14;
	s24 =	sadd.s32 $0x600, s13;
	s25 =	simm.s32 $0x2080  }
0xd5: {  	v10 =	vshrl.u32 v10, $0x4;
	v63 =	vsel vm15, $0xFFFFFFFF, v2;
	v9 =	vadd.s32 v11, v9;
	[tilespmem:s25], [sflag:$0x1] =	stream.linear.gather [hbm4b:s24+s3], $0x80, $0x38;
	[tilespmem:$0x2880] =	vst v63  }
0xd6: {  	v7 =	vand.u32 $0xF, v7;
	v9 =	vshll.u32 v9, $0x7;
	v10 =	vadd.s32 v63, v10;
	s20 =	sadd.s32 $0x680, s13;
	s21 =	simm.s32 $0x2280  }
0xd7: {  	v8 =	vand.u32 $0xF, v8;
	v7 =	vor.u32 v7, v9;
	v9 =	vshll.u32 v10, $0x7;
	[tilespmem:s21], [sflag:$0x1] =	stream.linear.gather [hbm4b:s20+s3], $0x80, $0x38;
	[tilespmem:$0x2880] =	vst v63  }
0xd8: {  	v7 =	vadd.s32 $0x100, v7;
	v8 =	vor.u32 v8, v9;
	s22 =	sadd.s32 $0x700, s13;
	s24 =	simm.s32 $0x2480  }
0xd9: {  	v8 =	vadd.s32 $0x100, v8;
	[tilespmem:s24], [sflag:$0x1] =	stream.linear.gather [hbm4b:s22+s3], $0x80, $0x38;
	[tilespmem:$0x2880] =	vst v63  }
0xda: {  	s13 =	sadd.s32 $0x780, s13;
	s25 =	simm.s32 $0x2680  }
0xdb: {  	[tilespmem:s25], [sflag:$0x1] =	stream.linear.gather [hbm4b:s13+s3], $0x80, $0x38;
	[tilespmem:$0x2880] =	vst v63  }
.Ltmp4:
0xdc: {  	v10 =	vadd.s32 $0x200, v4;
	(pc) =	sbr.rel @!p0 .LBB2_7-.Ltmp4, $4  }
0xdd: {  	v4 =	vor.u32 s17, v10;
	[tilespmem:v7+s30+$0x0] =	vst.idx.msk $0xffff, v5  }
0xde: {  	v7 =	vor.u32 s15, v10;
	[tilespmem:v8+s30+$0x0] =	vst.idx.msk $0xffff, v6;
	v8 =	vbroadcast v4, $0x0  }
0xdf: {  	v6 =	vor.u32 s16, v10;
	v7 =	vbroadcast v7, $0x0;
	v5 =	vld [tilespmem:$0x200]  }
0xe0: {  	s15 =	simm.s32 $0x7;
	v10 =	vor.u32 s18, v10;
	v4 =	vld [tilespmem:$0x280];
	v9 =	vbroadcast v6, $0x0;
	v6 =	vimm.s32 $0x0  }
.LBB2_6:
0xe1: {  	v11 =	vmov s0  }
0xe2: {  	v10 =	vbroadcast v10, $0x0;
	v12 =	vmov s31;
	v13 =	vmov s2  }
0xe3: {  	s0 =	sadd.s32 $0xFFFFFFFD, s15;
	v14 =	vimm.s32 $0x0;
	v59 =	vimm.s32 $0x0;
	vm0 =	vlt.u32 v12, v0  }
0xe4: {  	v8 =	vld.idx.msk [tilespmem:v8+s3+$0x0], $0xffff;
	s13 =	sshll.u32 s0, $0x3;
	vm12 =	vlt.u32 v12, v1;
	vm13 =	vlt.u32 v11, v0;
	vm1 =	vlt.u32 v11, v1  }
0xe5: {  	v11 =	vmov s14;
	vm6 =	vlt.u32 v13, v0;
	vm5 =	vlt.u32 v13, v1;
	s21 =	sand.u32 $0xFFFFFF80, s13  }
0xe6: {  	s2 =	sadd.s32 $0xFFFFFFFF, s15;
	v9 =	vld.idx.msk [tilespmem:v9+s3+$0x0], $0xffff;
	v14 =	vsel vm0, $0xFFFFFFFF, v14;
	v12 =	vsel vm12, $0xFFFFFFFF, v59;
	v60 =	vmov s21  }
0xe7: {  	s16 =	sand.u32 $0xF, s15;
	s22 =	sand.u32 $0xC, s0;
	s24 =	sand.u32 $0xE, s2;
	vm7 =	vlt.u32 v11, v0;
	vm8 =	vlt.u32 v11, v1;
	[tilespmem:$0x1FFB0] =	vst v12;
	v12 =	vadd.s32 $0x200, v60  }
0xe8: {  	v61 =	vld.idx.msk [tilespmem:v7+s3+$0x0], $0xffff;
	v11 =	vor.u32 s22, v12;
	v62 =	vor.u32 s24, v12;
	v7 =	vor.u32 s16, v12  }
0xe9: {  	vm2 =	vgt.f32 v8, v5;
	vm9 =	veq.f32 v8, v5;
	vm10 =	veq.f32 v8, v4  }
0xea: {  	vm14 =	vgt.f32 v8, v4;
	vm0 =	vmand vm13, vm9;
	vm1 =	vmand vm1, vm10  }
0xeb: {  	[tilespmem:$0x1FFA0] =	vst v14;
	vm3 =	vgt.f32 v9, v5;
	vm9 =	vgt.f32 v9, v4;
	vm1 =	vmor vm14, vm1  }
0xec: {  	vm14 =	veq.f32 v9, v5;
	v15 =	vsel vm1, $0x1, v2;
	vm1 =	veq.f32 v9, v4;
	v9 =	vld [tilespmem:$0x1FFA0]  }
0xed: {  	v10 =	vld.idx.msk [tilespmem:v10+s3+$0x0], $0xffff;
	v7 =	vbroadcast v7, $0x0;
	v8 =	vbroadcast v11, $0x0;
	vm4 =	vgt.f32 v61, v5  }
0xee: {  	vm10 =	veq.f32 v61, v5;
	vm11 =	veq.f32 v61, v4;
	vm0 =	vmor vm2, vm0  }
0xef: {  	vm2 =	vgt.f32 v61, v4;
	v11 =	vsel vm0, $0x1, v2;
	vm6 =	vmand vm6, vm14  }
0xf0: {  	vm1 =	vmand vm5, vm1;
	vm3 =	vmor vm3, vm6;
	v3 =	vadd.s32 v11, v3  }
0xf1: {  	v6 =	vadd.s32 v15, v6;
	vm1 =	vmor vm9, vm1;
	vm14 =	vnez.u8 v9;
	v9 =	vld [tilespmem:$0x1FFB0]  }
0xf2: {  	vm12 =	vgt.f32 v10, v5;
	vm13 =	vgt.f32 v10, v4;
	vm0 =	veq.f32 v10, v4  }
0xf3: {  	vm15 =	veq.f32 v10, v5;
	v10 =	vsel vm3, $0x1, v2;
	vm0 =	vmand vm8, vm0  }
0xf4: {  	vm7 =	vmand vm7, vm15;
	vm0 =	vmor vm13, vm0;
	vm10 =	vmand vm14, vm10  }
0xf5: {  	p0 =	slt.u32 s0, $0x1C;
	vm15 =	vmor vm12, vm7;
	v11 =	vsel vm0, $0x1, v2;
	vm4 =	vmor vm4, vm10  }
.Ltmp5:
0xf6: {  	v6 =	vadd.s32 v11, v6;
	vm14 =	vnez.u8 v9;
	v9 =	vsel vm15, $0x1, v2;
	(pc) =	sbr.rel @p0 .LBB2_6-.Ltmp5, $4  }
0xf7: {  	v63 =	vsel vm4, $0x1, v2;
	vm11 =	vmand vm14, vm11;
	v3 =	vadd.s32 v9, v3  }
0xf8: {  	s14 =	sadd.s32 $0xFFFFFFFE, s15;
	v9 =	vsel vm1, $0x1, v2;
	vm2 =	vmor vm2, vm11;
	v3 =	vadd.s32 v10, v3  }
0xf9: {  	s25 =	sand.u32 $0xD, s14;
	v6 =	vadd.s32 v9, v6;
	v9 =	vbroadcast v62, $0x0;
	v10 =	vsel vm2, $0x1, v2  }
0xfa: {  	s31 =	smov.u32 s15;
	s15 =	sadd.s32 $0x4, s15;
	v3 =	vadd.s32 v63, v3;
	v6 =	vadd.s32 v10, v6;
	v10 =	vor.u32 s25, v12  }
.LBB2_7:
0xfb: {  	_ =	sdelay $0x3  }
0xfc: {  	v8 =	vld.idx.msk [tilespmem:v8+s3+$0x0], $0xffff  }
0xfd: {  	v10 =	vbroadcast v10, $0x0;
	v11 =	vmov s0;
	v12 =	vmov s31;
	v7 =	vld.idx.msk [tilespmem:v7+s3+$0x0], $0xffff  }
0xfe: {  	v13 =	vmov s2;
	vm0 =	vlt.u32 v12, v0;
	vm1 =	vlt.u32 v12, v1  }
0xff: {  	vm2 =	vlt.u32 v11, v0;
	vm3 =	vlt.u32 v11, v1;
	v11 =	vmov s14;
	v9 =	vld.idx.msk [tilespmem:v9+s3+$0x0], $0xffff  }
0x100: {  	vm4 =	vlt.u32 v13, v0;
	vm5 =	vlt.u32 v13, v1;
	vm9 =	vlt.u32 v11, v0  }
0x101: {  	vm10 =	vlt.u32 v11, v1;
	vm6 =	veq.f32 v8, v5;
	vm7 =	vgt.f32 v8, v5  }
0x102: {  	vm14 =	veq.f32 v8, v4;
	vm15 =	vgt.f32 v8, v4;
	vm12 =	veq.f32 v7, v5  }
0x103: {  	vm13 =	veq.f32 v7, v4;
	vm2 =	vmand vm2, vm6;
	v10 =	vld.idx.msk [tilespmem:v10+s3+$0x0], $0xffff;
	vm3 =	vmand vm3, vm14  }
0x104: {  	vm11 =	veq.f32 v9, v5;
	vm0 =	vmand vm0, vm12;
	vm1 =	vmand vm1, vm13  }
0x105: {  	vm12 =	vgt.f32 v7, v4;
	vm2 =	vmor vm7, vm2;
	vm3 =	vmor vm15, vm3  }
0x106: {  	v8 =	vsel vm2, $0x1, v2;
	vm2 =	vmand vm4, vm11;
	vm11 =	vgt.f32 v7, v5  }
0x107: {  	vm1 =	vmor vm12, vm1;
	v11 =	vsel vm3, $0x1, v2;
	vm0 =	vmor vm11, vm0  }
0x108: {  	v3 =	vadd.s32 v8, v3;
	v6 =	vadd.s32 v11, v6;
	vm14 =	veq.f32 v10, v5  }
0x109: {  	vm15 =	veq.f32 v10, v4;
	vm13 =	vgt.f32 v10, v5;
	vm3 =	vmand vm9, vm14  }
0x10a: {  	vm9 =	veq.f32 v9, v4;
	vm4 =	vmand vm10, vm15;
	vm10 =	vgt.f32 v9, v5  }
0x10b: {  	vm14 =	vgt.f32 v9, v4;
	vm15 =	vgt.f32 v10, v4;
	v10 =	vsel vm0, $0x1, v2  }
0x10c: {  	vm5 =	vmand vm5, vm9;
	vm2 =	vmor vm10, vm2;
	vm3 =	vmor vm13, vm3  }
0x10d: {  	vm4 =	vmor vm15, vm4;
	vm5 =	vmor vm14, vm5;
	v7 =	vsel vm3, $0x1, v2  }
0x10e: {  	v9 =	vsel vm2, $0x1, v2;
	v8 =	vsel vm4, $0x1, v2;
	v3 =	vadd.s32 v7, v3  }
0x10f: {  	v6 =	vadd.s32 v8, v6;
	v7 =	vsel vm5, $0x1, v2;
	v3 =	vadd.s32 v9, v3  }
0x110: {  	v6 =	vadd.s32 v7, v6;
	v7 =	vsel vm1, $0x1, v2;
	v3 =	vadd.s32 v10, v3  }
0x111: {  	v6 =	vadd.s32 v7, v6;
	vm9 =	veq.s32 v3, $0x0  }
0x112: {  	vm10 =	veq.s32 v6, $0x0;
	v7 =	vnsel vm9, $0x0, v0  }
0x113: {  	(xrf0) =	vadd.scan.msk.s32 $0xffff, v7;
	v7 =	vnsel vm10, $0x0, v1  }
0x114: {  	(xrf0) =	vadd.scan.msk.s32 $0xffff, v7;
	_ =	sdelay $0x4  }
0x115: {  	v7, _, _ =	vpop (xrf0)  }
0x116: {  	(v2sf) =	vpush v7, $0xF;
	v7, _, _ =	vpop (xrf0)  }
0x117: {  	(v2sf) =	vpush v7, $0xF;
	_ =	sdelay $0xd  }
0x118: {  	s16 =	spop (v2sf)  }
0x119: {  	s17 =	spop (v2sf)  }
0x11a: {  	s0 =	sadd.s32 s16, s17  }
0x11b: {  	s2 =	sadd.s32 s0, s7  }
0x11c: {  	s0 =	sshll.u32 s0, $0x7;
	s2 =	sshll.u32 s2, $0xB  }
0x11d: {  	s0 =	sand.u32 $0x380, s0;
	s2 =	sand.u32 $0xFFFFC000, s2  }
0x11e: {  	s0 =	sor.u32 s0, s2  }
0x11f: {  	s0 =	sshrl.u32 s0, $0x3  }
0x120: {  	s18 =	simm.s32 $0x900;
	s0 =	sadd.s32 s1, s0  }
0x121: {  	[tilespmem:s18], [sflag:$0x1] =	stream.linear.gather [hbm4b:s0+s3], $0x80, $0x38;
	[tilespmem:$0x2880] =	vst v63  }
0x122: {  	s13 =	simm.s32 $0xB00;
	s19 =	sadd.s32 $0x80, s0  }
0x123: {  	[tilespmem:s13], [sflag:$0x1] =	stream.linear.gather [hbm4b:s19+s3], $0x80, $0x38;
	[tilespmem:$0x2880] =	vst v63  }
0x124: {  	s21 =	simm.s32 $0xD00;
	s20 =	sadd.s32 $0x100, s0  }
0x125: {  	[tilespmem:s21], [sflag:$0x1] =	stream.linear.gather [hbm4b:s20+s3], $0x80, $0x38;
	[tilespmem:$0x2880] =	vst v63  }
0x126: {  	s24 =	simm.s32 $0xF00;
	s22 =	sadd.s32 $0x180, s0  }
0x127: {  	[tilespmem:s24], [sflag:$0x1] =	stream.linear.gather [hbm4b:s22+s3], $0x80, $0x38;
	[tilespmem:$0x2880] =	vst v63  }
0x128: {  	s31 =	simm.s32 $0x1100;
	s25 =	sadd.s32 $0x200, s0  }
0x129: {  	[tilespmem:s31], [sflag:$0x1] =	stream.linear.gather [hbm4b:s25+s3], $0x80, $0x38;
	[tilespmem:$0x2880] =	vst v63  }
0x12a: {  	s15 =	simm.s32 $0x1300;
	s14 =	sadd.s32 $0x280, s0  }
0x12b: {  	[tilespmem:s15], [sflag:$0x1] =	stream.linear.gather [hbm4b:s14+s3], $0x80, $0x38;
	[tilespmem:$0x2880] =	vst v63  }
0x12c: {  	s17 =	simm.s32 $0x1500;
	s16 =	sadd.s32 $0x300, s0  }
0x12d: {  	[tilespmem:s17], [sflag:$0x1] =	stream.linear.gather [hbm4b:s16+s3], $0x80, $0x38;
	[tilespmem:$0x2880] =	vst v63  }
0x12e: {  	s18 =	sadd.s32 $0x380, s0;
	s19 =	simm.s32 $0x1700  }
0x12f: {  	[tilespmem:s19], [sflag:$0x1] =	stream.linear.gather [hbm4b:s18+s3], $0x80, $0x38;
	[tilespmem:$0x2880] =	vst v63  }
0x130: {  	s20 =	sadd.s32 $0x400, s0;
	s21 =	simm.s32 $0x1900  }
0x131: {  	v7 =	vshra.s32 v3, $0x1F;
	[tilespmem:s21], [sflag:$0x1] =	stream.linear.gather [hbm4b:s20+s3], $0x80, $0x38;
	[tilespmem:$0x2880] =	vst v63  }
0x132: {  	v7 =	vshrl.u32 v7, $0x1C;
	s22 =	sadd.s32 $0x480, s0;
	s24 =	simm.s32 $0x1B00  }
0x133: {  	v8 =	vshra.s32 v6, $0x1F;
	v7 =	vadd.s32 v7, v3;
	[tilespmem:s24], [sflag:$0x1] =	stream.linear.gather [hbm4b:s22+s3], $0x80, $0x38;
	[tilespmem:$0x2880] =	vst v63  }
0x134: {  	v8 =	vshrl.u32 v8, $0x1C;
	v7 =	vshra.s32 v7, $0x4;
	s25 =	sadd.s32 $0x500, s0;
	s31 =	simm.s32 $0x1D00  }
0x135: {  	v8 =	vadd.s32 v8, v6;
	v9 =	vshll.u32 v7, $0x4;
	[tilespmem:s31], [sflag:$0x1] =	stream.linear.gather [hbm4b:s25+s3], $0x80, $0x38;
	[tilespmem:$0x2880] =	vst v63  }
0x136: {  	p0 =	por $0x1, $0x1;
	vm11 =	vlt.s32 v3, $0x1;
	vm12 =	vne.s32 v3, v9;
	v9 =	vand.u32 $0xFFFFFFF0, v8;
	s13 =	sadd.s32 $0x580, s0;
	s14 =	simm.s32 $0x1F00  }
0x137: {  	vm13 =	vlt.s32 v6, $0x1;
	vm0 =	vmand vm11, vm12;
	vm14 =	vne.s32 v6, v9;
	[tilespmem:s14], [sflag:$0x1] =	stream.linear.gather [hbm4b:s13+s3], $0x80, $0x38;
	[tilespmem:$0x2880] =	vst v63  }
0x138: {  	v9 =	vsel vm0, $0xFFFFFFFF, v2;
	vm15 =	vmand vm13, vm14;
	s2 =	simm.s32 $0x0;
	s15 =	sadd.s32 $0x600, s0;
	s16 =	simm.s32 $0x2100  }
0x139: {  	v8 =	vshrl.u32 v8, $0x4;
	v10 =	vsel vm15, $0xFFFFFFFF, v2;
	v7 =	vadd.s32 v9, v7;
	[tilespmem:s16], [sflag:$0x1] =	stream.linear.gather [hbm4b:s15+s3], $0x80, $0x38;
	[tilespmem:$0x2880] =	vst v63  }
0x13a: {  	v3 =	vand.u32 $0xF, v3;
	v7 =	vshll.u32 v7, $0x7;
	v8 =	vadd.s32 v10, v8;
	s17 =	sadd.s32 $0x680, s0;
	s18 =	simm.s32 $0x2300;
	s19 =	sadd.s32 $0x700, s0  }
0x13b: {  	v6 =	vand.u32 $0xF, v6;
	v3 =	vor.u32 v3, v7;
	v7 =	vshll.u32 v8, $0x7;
	[tilespmem:s18], [sflag:$0x1] =	stream.linear.gather [hbm4b:s17+s3], $0x80, $0x38;
	[tilespmem:$0x2880] =	vst v63  }
0x13c: {  	v3 =	vadd.s32 $0x200, v3;
	v6 =	vor.u32 v6, v7;
	s0 =	sadd.s32 $0x780, s0;
	s20 =	simm.s32 $0x2500;
	s22 =	simm.s32 $0x0  }
0x13d: {  	v6 =	vadd.s32 $0x200, v6;
	[tilespmem:s20], [sflag:$0x1] =	stream.linear.gather [hbm4b:s19+s3], $0x80, $0x38;
	[tilespmem:$0x2880] =	vst v63  }
0x13e: {  	s21 =	simm.s32 $0x2700;
	s24 =	sand.u32 $0xFFFFFF80, s22;
	s14 =	simm.s32 $0x2  }
0x13f: {  	v7 =	vmov s24;
	[tilespmem:s21], [sflag:$0x1] =	stream.linear.gather [hbm4b:s0+s3], $0x80, $0x38;
	[tilespmem:$0x2880] =	vst v63  }
.Ltmp6:
0x140: {  	v7 =	vadd.s32 $0x300, v7;
	s15 =	sand.u32 $0xC, s2;
	s0 =	simm.s32 $0x3;
	(pc) =	sbr.rel @!p0 .LBB2_9-.Ltmp6, $4  }
0x141: {  	s16 =	sand.u32 $0xE, s14;
	s25 =	sand.u32 $0xF, s0;
	[tilespmem:v3+s30+$0x0] =	vst.idx.msk $0xffff, v5;
	v5 =	vor.u32 s15, v7  }
0x142: {  	v3 =	vor.u32 s25, v7;
	[tilespmem:v6+s30+$0x0] =	vst.idx.msk $0xffff, v4;
	v6 =	vor.u32 s16, v7;
	s16 =	simm.s32 $0x1;
	v9 =	vbroadcast v5, $0x0  }
0x143: {  	v8 =	vbroadcast v3, $0x0;
	v3 =	vimm.s32 $0x0;
	v4 =	vld [tilespmem:$0x300];
	s31 =	sand.u32 $0xD, s16;
	v10 =	vbroadcast v6, $0x0  }
0x144: {  	s15 =	simm.s32 $0x7;
	v5 =	vld [tilespmem:$0x380];
	v6 =	vimm.s32 $0x0;
	v11 =	vor.u32 s31, v7;
	v7 =	vimm.s32 $0x0  }
.LBB2_8:
0x145: {  	v12 =	vmov s2  }
0x146: {  	v11 =	vbroadcast v11, $0x0;
	v13 =	vmov s0;
	v14 =	vmov s14  }
0x147: {  	s2 =	sadd.s32 $0xFFFFFFFD, s15;
	v15 =	vimm.s32 $0x0;
	v55 =	vimm.s32 $0x0;
	v56 =	vmov s16  }
0x148: {  	v9 =	vld.idx.msk [tilespmem:v9+s3+$0x0], $0xffff;
	s13 =	sshll.u32 s2, $0x3;
	vm0 =	vlt.u32 v13, v0;
	vm12 =	vlt.u32 v13, v1;
	vm13 =	vlt.u32 v12, v0  }
0x149: {  	vm1 =	vlt.u32 v12, v1;
	vm6 =	vlt.u32 v14, v0;
	vm5 =	vlt.u32 v14, v1;
	v10 =	vld.idx.msk [tilespmem:v10+s3+$0x0], $0xffff;
	s13 =	sand.u32 $0xFFFFFF80, s13  }
0x14a: {  	s14 =	sadd.s32 $0xFFFFFFFF, s15;
	vm7 =	vlt.u32 v56, v0;
	v13 =	vsel vm12, $0xFFFFFFFF, v55;
	v57 =	vmov s13  }
0x14b: {  	s17 =	sand.u32 $0xF, s15;
	s24 =	sand.u32 $0xC, s2;
	s25 =	sand.u32 $0xE, s14;
	vm8 =	vlt.u32 v56, v1;
	v15 =	vsel vm0, $0xFFFFFFFF, v15;
	[tilespmem:$0x1FF90] =	vst v13;
	v13 =	vadd.s32 $0x300, v57  }
0x14c: {  	v58 =	vld.idx.msk [tilespmem:v8+s3+$0x0], $0xffff;
	v59 =	vor.u32 s24, v13;
	v60 =	vor.u32 s25, v13;
	v8 =	vor.u32 s17, v13  }
0x14d: {  	vm2 =	vgt.f32 v9, v4;
	vm9 =	veq.f32 v9, v4;
	vm10 =	veq.f32 v9, v5  }
0x14e: {  	vm14 =	vgt.f32 v9, v5;
	vm3 =	vgt.f32 v10, v4;
	vm1 =	vmand vm1, vm10  }
0x14f: {  	[tilespmem:$0x1FF80] =	vst v15;
	v11 =	vld.idx.msk [tilespmem:v11+s3+$0x0], $0xffff;
	vm0 =	vmand vm13, vm9;
	vm9 =	vgt.f32 v10, v5;
	vm1 =	vmor vm14, vm1  }
0x150: {  	vm14 =	veq.f32 v10, v4;
	v16 =	vsel vm1, $0x1, v2;
	vm1 =	veq.f32 v10, v5;
	v10 =	vld [tilespmem:$0x1FF80]  }
0x151: {  	v8 =	vbroadcast v8, $0x0;
	v9 =	vbroadcast v59, $0x0;
	vm4 =	vgt.f32 v58, v4  }
0x152: {  	vm11 =	veq.f32 v58, v5;
	vm10 =	veq.f32 v58, v4;
	vm0 =	vmor vm2, vm0  }
0x153: {  	vm2 =	vgt.f32 v58, v5;
	v61 =	vsel vm0, $0x1, v2;
	vm6 =	vmand vm6, vm14  }
0x154: {  	vm1 =	vmand vm5, vm1;
	vm3 =	vmor vm3, vm6;
	v6 =	vadd.s32 v61, v6  }
0x155: {  	v7 =	vadd.s32 v16, v7;
	vm0 =	veq.f32 v11, v5;
	vm14 =	vnez.u8 v10;
	v10 =	vld [tilespmem:$0x1FF90]  }
0x156: {  	vm12 =	vgt.f32 v11, v4;
	vm13 =	vgt.f32 v11, v5;
	vm0 =	vmand vm8, vm0  }
0x157: {  	vm15 =	veq.f32 v11, v4;
	vm1 =	vmor vm9, vm1;
	vm0 =	vmor vm13, vm0  }
0x158: {  	v11 =	vsel vm3, $0x1, v2;
	vm7 =	vmand vm7, vm15;
	v63 =	vsel vm0, $0x1, v2  }
0x159: {  	p0 =	slt.u32 s2, $0x1C;
	vm15 =	vmor vm12, vm7;
	vm10 =	vmand vm14, vm10;
	v7 =	vadd.s32 v63, v7  }
.Ltmp7:
0x15a: {  	vm4 =	vmor vm4, vm10;
	vm14 =	vnez.u8 v10;
	v10 =	vsel vm15, $0x1, v2;
	(pc) =	sbr.rel @p0 .LBB2_8-.Ltmp7, $4  }
0x15b: {  	v62 =	vsel vm4, $0x1, v2;
	vm11 =	vmand vm14, vm11;
	v6 =	vadd.s32 v10, v6  }
0x15c: {  	s16 =	sadd.s32 $0xFFFFFFFE, s15;
	v10 =	vsel vm1, $0x1, v2;
	vm2 =	vmor vm2, vm11;
	v6 =	vadd.s32 v11, v6  }
0x15d: {  	s31 =	sand.u32 $0xD, s16;
	v7 =	vadd.s32 v10, v7;
	v10 =	vbroadcast v60, $0x0;
	v11 =	vsel vm2, $0x1, v2  }
0x15e: {  	s0 =	smov.u32 s15;
	s15 =	sadd.s32 $0x4, s15;
	v6 =	vadd.s32 v62, v6;
	v7 =	vadd.s32 v11, v7;
	v11 =	vor.u32 s31, v13  }
.LBB2_9:
0x15f: {  	_ =	sdelay $0x3  }
0x160: {  	v9 =	vld.idx.msk [tilespmem:v9+s3+$0x0], $0xffff  }
0x161: {  	v11 =	vbroadcast v11, $0x0;
	v12 =	vmov s2;
	v13 =	vmov s0;
	v10 =	vld.idx.msk [tilespmem:v10+s3+$0x0], $0xffff  }
0x162: {  	v14 =	vmov s14;
	v8 =	vld.idx.msk [tilespmem:v8+s3+$0x0], $0xffff;
	vm0 =	vlt.u32 v13, v0;
	vm1 =	vlt.u32 v13, v1  }
0x163: {  	vm2 =	vlt.u32 v12, v0;
	vm3 =	vlt.u32 v12, v1;
	v12 =	vmov s16  }
0x164: {  	vm4 =	vlt.u32 v14, v0;
	vm5 =	vlt.u32 v14, v1;
	vm14 =	vlt.u32 v12, v0  }
0x165: {  	vm15 =	vlt.u32 v12, v1;
	vm6 =	veq.f32 v9, v4;
	vm7 =	vgt.f32 v9, v4  }
0x166: {  	vm12 =	veq.f32 v9, v5;
	vm13 =	vgt.f32 v9, v5;
	vm8 =	veq.f32 v10, v4  }
0x167: {  	vm9 =	veq.f32 v8, v4;
	vm10 =	veq.f32 v8, v5;
	vm2 =	vmand vm2, vm6;
	v11 =	vld.idx.msk [tilespmem:v11+s3+$0x0], $0xffff  }
0x168: {  	vm3 =	vmand vm3, vm12;
	vm0 =	vmand vm0, vm9;
	vm1 =	vmand vm1, vm10  }
0x169: {  	vm9 =	vgt.f32 v8, v5;
	vm2 =	vmor vm7, vm2;
	vm3 =	vmor vm13, vm3  }
0x16a: {  	vm13 =	veq.f32 v10, v5;
	vm1 =	vmor vm9, vm1;
	v9 =	vsel vm2, $0x1, v2  }
0x16b: {  	v12 =	vsel vm3, $0x1, v2;
	vm2 =	vmand vm4, vm8;
	vm5 =	vmand vm5, vm13  }
0x16c: {  	v6 =	vadd.s32 v9, v6;
	v7 =	vadd.s32 v12, v7;
	vm11 =	veq.f32 v11, v4  }
0x16d: {  	vm12 =	veq.f32 v11, v5;
	vm10 =	vgt.f32 v11, v4;
	vm3 =	vmand vm14, vm11  }
0x16e: {  	vm4 =	vmand vm15, vm12;
	vm14 =	vgt.f32 v10, v4;
	vm15 =	vgt.f32 v8, v4  }
0x16f: {  	vm11 =	vgt.f32 v10, v5;
	vm12 =	vgt.f32 v11, v5;
	vm2 =	vmor vm14, vm2  }
0x170: {  	vm0 =	vmor vm15, vm0;
	vm3 =	vmor vm10, vm3;
	vm4 =	vmor vm12, vm4  }
0x171: {  	vm5 =	vmor vm11, vm5;
	v8 =	vsel vm3, $0x1, v2;
	v10 =	vsel vm2, $0x1, v2  }
0x172: {  	v11 =	vsel vm0, $0x1, v2;
	v9 =	vsel vm4, $0x1, v2;
	v6 =	vadd.s32 v8, v6  }
0x173: {  	v7 =	vadd.s32 v9, v7;
	v8 =	vsel vm5, $0x1, v2;
	v6 =	vadd.s32 v10, v6  }
0x174: {  	v7 =	vadd.s32 v8, v7;
	v8 =	vsel vm1, $0x1, v2;
	v6 =	vadd.s32 v11, v6  }
0x175: {  	v7 =	vadd.s32 v8, v7;
	vm13 =	veq.s32 v6, $0x0  }
0x176: {  	vm14 =	veq.s32 v7, $0x0;
	v8 =	vnsel vm13, $0x0, v0  }
0x177: {  	(xrf0) =	vadd.scan.msk.s32 $0xffff, v8;
	v8 =	vnsel vm14, $0x0, v1  }
0x178: {  	(xrf0) =	vadd.scan.msk.s32 $0xffff, v8;
	_ =	sdelay $0x4  }
0x179: {  	v8, _, _ =	vpop (xrf0)  }
0x17a: {  	(v2sf) =	vpush v8, $0xF;
	v8, _, _ =	vpop (xrf0)  }
0x17b: {  	(v2sf) =	vpush v8, $0xF;
	_ =	sdelay $0xd  }
0x17c: {  	s18 =	spop (v2sf)  }
0x17d: {  	s19 =	spop (v2sf)  }
0x17e: {  	s0 =	sadd.s32 s18, s19  }
0x17f: {  	s2 =	sadd.s32 s0, s8  }
0x180: {  	s0 =	sshll.u32 s0, $0x7;
	s2 =	sshll.u32 s2, $0xB  }
0x181: {  	s0 =	sand.u32 $0x380, s0;
	s2 =	sand.u32 $0xFFFFC000, s2  }
0x182: {  	s0 =	sor.u32 s0, s2  }
0x183: {  	s0 =	sshrl.u32 s0, $0x3  }
0x184: {  	s20 =	simm.s32 $0x980;
	s0 =	sadd.s32 s1, s0  }
0x185: {  	[tilespmem:s20], [sflag:$0x1] =	stream.linear.gather [hbm4b:s0+s3], $0x80, $0x38;
	[tilespmem:$0x2880] =	vst v63  }
0x186: {  	s13 =	simm.s32 $0xB80;
	s21 =	sadd.s32 $0x80, s0  }
0x187: {  	[tilespmem:s13], [sflag:$0x1] =	stream.linear.gather [hbm4b:s21+s3], $0x80, $0x38;
	[tilespmem:$0x2880] =	vst v63  }
0x188: {  	s24 =	simm.s32 $0xD80;
	s22 =	sadd.s32 $0x100, s0  }
0x189: {  	[tilespmem:s24], [sflag:$0x1] =	stream.linear.gather [hbm4b:s22+s3], $0x80, $0x38;
	[tilespmem:$0x2880] =	vst v63  }
0x18a: {  	s31 =	simm.s32 $0xF80;
	s25 =	sadd.s32 $0x180, s0  }
0x18b: {  	[tilespmem:s31], [sflag:$0x1] =	stream.linear.gather [hbm4b:s25+s3], $0x80, $0x38;
	[tilespmem:$0x2880] =	vst v63  }
0x18c: {  	s15 =	simm.s32 $0x1180;
	s14 =	sadd.s32 $0x200, s0  }
0x18d: {  	[tilespmem:s15], [sflag:$0x1] =	stream.linear.gather [hbm4b:s14+s3], $0x80, $0x38;
	[tilespmem:$0x2880] =	vst v63  }
0x18e: {  	s17 =	simm.s32 $0x1380;
	s16 =	sadd.s32 $0x280, s0  }
0x18f: {  	[tilespmem:s17], [sflag:$0x1] =	stream.linear.gather [hbm4b:s16+s3], $0x80, $0x38;
	[tilespmem:$0x2880] =	vst v63  }
0x190: {  	s19 =	simm.s32 $0x1580;
	s18 =	sadd.s32 $0x300, s0  }
0x191: {  	[tilespmem:s19], [sflag:$0x1] =	stream.linear.gather [hbm4b:s18+s3], $0x80, $0x38;
	[tilespmem:$0x2880] =	vst v63  }
0x192: {  	s20 =	sadd.s32 $0x380, s0;
	s21 =	simm.s32 $0x1780  }
0x193: {  	[tilespmem:s21], [sflag:$0x1] =	stream.linear.gather [hbm4b:s20+s3], $0x80, $0x38;
	[tilespmem:$0x2880] =	vst v63  }
0x194: {  	v8 =	vshra.s32 v6, $0x1F;
	s22 =	sadd.s32 $0x400, s0;
	s24 =	simm.s32 $0x1980  }
0x195: {  	v8 =	vshrl.u32 v8, $0x1C;
	[tilespmem:s24], [sflag:$0x1] =	stream.linear.gather [hbm4b:s22+s3], $0x80, $0x38;
	[tilespmem:$0x2880] =	vst v63  }
0x196: {  	v9 =	vshra.s32 v7, $0x1F;
	v8 =	vadd.s32 v8, v6;
	s25 =	sadd.s32 $0x480, s0;
	s31 =	simm.s32 $0x1B80  }
0x197: {  	v9 =	vshrl.u32 v9, $0x1C;
	v8 =	vshra.s32 v8, $0x4;
	[tilespmem:s31], [sflag:$0x1] =	stream.linear.gather [hbm4b:s25+s3], $0x80, $0x38;
	[tilespmem:$0x2880] =	vst v63  }
0x198: {  	v9 =	vadd.s32 v9, v7;
	v10 =	vshll.u32 v8, $0x4;
	s13 =	sadd.s32 $0x500, s0;
	s14 =	simm.s32 $0x1D80  }
0x199: {  	vm15 =	vlt.s32 v6, $0x1;
	vm4 =	vne.s32 v6, v10;
	v10 =	vand.u32 $0xFFFFFFF0, v9;
	[tilespmem:s14], [sflag:$0x1] =	stream.linear.gather [hbm4b:s13+s3], $0x80, $0x38;
	[tilespmem:$0x2880] =	vst v63  }
0x19a: {  	vm5 =	vlt.s32 v7, $0x1;
	vm0 =	vmand vm15, vm4;
	vm6 =	vne.s32 v7, v10;
	s15 =	sadd.s32 $0x580, s0;
	s16 =	simm.s32 $0x1F80  }
0x19b: {  	v10 =	vsel vm0, $0xFFFFFFFF, v2;
	vm7 =	vmand vm5, vm6;
	[tilespmem:s16], [sflag:$0x1] =	stream.linear.gather [hbm4b:s15+s3], $0x80, $0x38;
	[tilespmem:$0x2880] =	vst v63  }
0x19c: {  	v9 =	vshrl.u32 v9, $0x4;
	v8 =	vadd.s32 v10, v8;
	v10 =	vsel vm7, $0xFFFFFFFF, v2;
	s17 =	sadd.s32 $0x600, s0;
	s18 =	simm.s32 $0x2180  }
0x19d: {  	v6 =	vand.u32 $0xF, v6;
	v8 =	vshll.u32 v8, $0x7;
	v9 =	vadd.s32 v10, v9;
	[tilespmem:s18], [sflag:$0x1] =	stream.linear.gather [hbm4b:s17+s3], $0x80, $0x38;
	[tilespmem:$0x2880] =	vst v63  }
0x19e: {  	v7 =	vand.u32 $0xF, v7;
	v6 =	vor.u32 v6, v8;
	v8 =	vshll.u32 v9, $0x7;
	s19 =	sadd.s32 $0x680, s0;
	s20 =	simm.s32 $0x2380  }
0x19f: {  	v6 =	vadd.s32 $0x300, v6;
	v7 =	vor.u32 v7, v8;
	[tilespmem:s20], [sflag:$0x1] =	stream.linear.gather [hbm4b:s19+s3], $0x80, $0x38;
	[tilespmem:$0x2880] =	vst v63  }
0x1a0: {  	v7 =	vadd.s32 $0x300, v7;
	s21 =	sadd.s32 $0x700, s0;
	s22 =	simm.s32 $0x2580  }
0x1a1: {  	[tilespmem:s22], [sflag:$0x1] =	stream.linear.gather [hbm4b:s21+s3], $0x80, $0x38;
	[tilespmem:$0x2880] =	vst v63  }
0x1a2: {  	s0 =	sadd.s32 $0x780, s0;
	s24 =	simm.s32 $0x2780  }
0x1a3: {  	[tilespmem:s24], [sflag:$0x1] =	stream.linear.gather [hbm4b:s0+s3], $0x80, $0x38;
	[tilespmem:$0x2880] =	vst v63  }
0x1a4: {  	[tilespmem:v6+s30+$0x0] =	vst.idx.msk $0xffff, v4  }
0x1a5: {  	[tilespmem:v7+s30+$0x0] =	vst.idx.msk $0xffff, v5  }
0x1a6: {  	[hbm4b:s9+s3] =	stream.linear.scatter [tilespmem:s30], [sflag:$0x2], $0x400, $0x38;
	[tilespmem:$0x2880] =	vst v63  }
0x1a7: {  	_ =	swait.ge [sflag:s23], $0x800  }
0x1a8: {  	[sflag:s23] =	ssyncset.done $0x0  }
0x1a9: {  	[sflag:s23] =	ssyncadd.s32 $0xFFFFF800  }
0x1aa: {  	_ =	swait.ge [sflag:s23], $0x800  }
0x1ab: {  	[sflag:s23] =	ssyncset.done $0x0  }
0x1ac: {  	[sflag:s23] =	ssyncadd.s32 $0xFFFFF800  }
0x1ad: {  	_ =	swait.ge [sflag:s23], $0x800  }
0x1ae: {  	[sflag:s23] =	ssyncset.done $0x0  }
0x1af: {  	[sflag:s23] =	ssyncadd.s32 $0xFFFFF800  }
0x1b0: {  	_ =	swait.ge [sflag:s23], $0x800  }
0x1b1: {  	s25 =	simm.s32 $0x200;
	[sflag:s23] =	ssyncset.done $0x0  }
0x1b2: {  	s31 =	simm.s32 $0x840;
	s13 =	simm.s32 $0x800;
	[sflag:s23] =	ssyncadd.s32 $0xFFFFF800  }
0x1b3: {  	[hbm4b:s10+s25] =	stream.strided.scatter [tilespmem:s13], [sflag:$0x1], $0x2000, s30, s25, $0x38;
	[tilespmem:$0x2880] =	vst v63  }
0x1b4: {  	v5 =	vld [tilespmem:s31+$0x30]  }
0x1b5: {  	v4 =	vld [tilespmem:s31+$0x20]  }
0x1b6: {  	v6 =	vld [tilespmem:s31+$0xFFFFFFC0]  }
0x1b7: {  	v7 =	vld [tilespmem:s31+$0xFFFFFFF0]  }
0x1b8: {  	v8 =	vld [tilespmem:s31+$0xFFFFFFE0]  }
0x1b9: {  	v9 =	vld [tilespmem:s31+$0xFFFFFFD0]  }
0x1ba: {  	v10 =	vld [tilespmem:s31+$0x0]  }
0x1bb: {  	v11 =	vld [tilespmem:s31+$0x10];
	_ =	sdelay $0x2  }
0x1bc: {  	s14 =	simm.s32 $0xA40;
	vm8 =	vne.s32 v4, $0x0;
	vm9 =	vne.s32 v6, $0x0;
	vm10 =	vne.s32 v5, $0x0  }
0x1bd: {  	v6 =	vld [tilespmem:s14+$0x30];
	vm11 =	vne.s32 v7, $0x0;
	vm12 =	vne.s32 v8, $0x0;
	vm13 =	vne.s32 v9, $0x0  }
0x1be: {  	v5 =	vld [tilespmem:s14+$0x10];
	vm14 =	vne.s32 v10, $0x0;
	vm15 =	vne.s32 v11, $0x0;
	v4 =	vsel vm8, $0x1, v2  }
0x1bf: {  	v8 =	vld [tilespmem:s14+$0x20];
	v12 =	vsel vm9, $0x1, v2;
	v7 =	vsel vm10, $0x1, v2;
	v17 =	vsel vm11, $0x1, v2  }
0x1c0: {  	v11 =	vld [tilespmem:s14+$0xFFFFFFC0];
	v14 =	vsel vm12, $0x1, v2;
	v18 =	vsel vm13, $0x1, v2;
	v15 =	vsel vm14, $0x1, v2  }
0x1c1: {  	v9 =	vld [tilespmem:s14+$0xFFFFFFF0];
	v16 =	vsel vm15, $0x1, v2;
	v13 =	vadd.s32 v12, v3;
	v10 =	vadd.s32 v17, v3  }
0x1c2: {  	s15 =	simm.s32 $0x2;
	s0 =	simm.s32 $0x0;
	v17 =	vadd.s32 v18, v3;
	v12 =	vimm.s32 $0x0;
	v7 =	vadd.s32 v7, v10;
	v10 =	vld [tilespmem:s14+$0xFFFFFFE0]  }
.LBB2_10:
0x1c3: {  	s15 =	sadd.s32 $0x2, s15;
	v18 =	vld [tilespmem:s14+$0xFFFFFFD0];
	v12 =	vadd.s32 v14, v12;
	v13 =	vadd.s32 v15, v13;
	v15 =	vadd.s32 v16, v17;
	s2 =	simm.s32 $0x8F0  }
0x1c4: {  	vm1 =	vne.s32 v6, $0x0;
	p0 =	slt.u32 s15, $0x1E;
	v16 =	vld [tilespmem:s14+$0x0];
	vm0 =	vne.s32 v8, $0x0;
	s14 =	sadd.s32 $0x200, s14;
	v12 =	vadd.s32 v4, v12  }
0x1c5: {  	vm3 =	vne.s32 v5, $0x0;
	v6 =	vld [tilespmem:s14+$0x30];
	vm2 =	vne.s32 v11, $0x0;
	v4 =	vsel vm0, $0x1, v2  }
.Ltmp8:
0x1c6: {  	v17 =	vsel vm1, $0x1, v2;
	v5 =	vld [tilespmem:s14+$0x10];
	v11 =	vsel vm2, $0x1, v2;
	vm0 =	vne.s32 v9, $0x0;
	(pc) =	sbr.rel @p0 .LBB2_10-.Ltmp8, $4  }
0x1c7: {  	v8 =	vld [tilespmem:s14+$0x20];
	v13 =	vadd.s32 v11, v13;
	vm1 =	vne.s32 v10, $0x0;
	v9 =	vsel vm0, $0x1, v2  }
0x1c8: {  	v11 =	vld [tilespmem:s14+$0xFFFFFFC0];
	vm0 =	vne.s32 v18, $0x0;
	v14 =	vsel vm1, $0x1, v2;
	v7 =	vadd.s32 v9, v7  }
0x1c9: {  	v9 =	vld [tilespmem:s14+$0xFFFFFFF0];
	v18 =	vsel vm0, $0x1, v2;
	vm0 =	vne.s32 v16, $0x0;
	v7 =	vadd.s32 v17, v7  }
0x1ca: {  	v16 =	vsel vm3, $0x1, v2;
	v10 =	vld [tilespmem:s14+$0xFFFFFFE0];
	v17 =	vadd.s32 v18, v15;
	v15 =	vsel vm0, $0x1, v2  }
0x1cb: {  	v18 =	vld [tilespmem:s14+$0xFFFFFFD0];
	v12 =	vadd.s32 v14, v12;
	v13 =	vadd.s32 v15, v13;
	v14 =	vadd.s32 v16, v17  }
0x1cc: {  	v15 =	vld [tilespmem:s14+$0x0];
	vm1 =	vne.s32 v6, $0x0;
	vm3 =	vne.s32 v5, $0x0;
	vm0 =	vne.s32 v8, $0x0  }
0x1cd: {  	v6 =	vadd.s32 v4, v12;
	v5 =	vsel vm1, $0x1, v2;
	vm2 =	vne.s32 v11, $0x0  }
0x1ce: {  	v17 =	vld [tilespmem:s2+$0xFFFFFFE0];
	v8 =	vsel vm0, $0x1, v2;
	v4 =	vsel vm2, $0x1, v2;
	vm0 =	vne.s32 v9, $0x0  }
0x1cf: {  	v9 =	vld [tilespmem:s2+$0xFFFFFF90];
	v11 =	vadd.s32 v4, v13;
	vm1 =	vne.s32 v10, $0x0;
	v4 =	vsel vm0, $0x1, v2  }
0x1d0: {  	v10 =	vld [tilespmem:s2+$0x0];
	vm0 =	vne.s32 v18, $0x0;
	v12 =	vsel vm1, $0x1, v2;
	v4 =	vadd.s32 v4, v7  }
0x1d1: {  	v16 =	vld [tilespmem:s2+$0xFFFFFFC0];
	v7 =	vsel vm0, $0x1, v2;
	vm0 =	vne.s32 v15, $0x0;
	v4 =	vadd.s32 v5, v4  }
0x1d2: {  	v13 =	vld [tilespmem:s2+$0xFFFFFFF0];
	v15 =	vadd.s32 v12, v6;
	v7 =	vadd.s32 v7, v14;
	v14 =	vsel vm3, $0x1, v2  }
0x1d3: {  	v5 =	vsel vm0, $0x1, v2;
	v6 =	vadd.s32 v14, v7;
	v7 =	vadd.s32 v8, v15;
	v15 =	vld [tilespmem:s2+$0xFFFFFFB0]  }
0x1d4: {  	v12 =	vld [tilespmem:s2+$0xFFFFFFA0];
	vm3 =	vne.s32 v17, $0x0;
	v17 =	vimm.s32 $0x0;
	v5 =	vadd.s32 v5, v11  }
0x1d5: {  	vm0 =	vne.s32 v9, $0x0;
	v14 =	vld [tilespmem:s2+$0xFFFFFFD0];
	v9 =	vimm.s32 $0x0;
	vm1 =	vne.s32 v10, $0x0  }
0x1d6: {  	s14 =	simm.s32 $0xAF0;
	v18 =	vsel vm0, $0x1, v2;
	v10 =	vimm.s32 $0x0;
	v8 =	vsel vm1, $0x1, v2  }
.LBB2_12:
0x1d7: {  	v11 =	vld [tilespmem:s14+$0xFFFFFF90];
	s0 =	sadd.s32 $0x2, s0;
	vm0 =	vne.s32 v13, $0x0;
	s2 =	simm.s32 $0x970  }
0x1d8: {  	v3 =	vadd.s32 v18, v3;
	v19 =	vld [tilespmem:s14+$0x0];
	p0 =	slt.u32 s0, $0x1E;
	vm1 =	vne.s32 v15, $0x0  }
0x1d9: {  	vm2 =	vne.s32 v12, $0x0;
	v21 =	vsel vm0, $0x1, v2;
	v20 =	vld [tilespmem:s14+$0xFFFFFFE0];
	vm4 =	vne.s32 v16, $0x0  }
0x1da: {  	v15 =	vsel vm1, $0x1, v2;
	v13 =	vld [tilespmem:s14+$0xFFFFFFF0];
	v16 =	vsel vm4, $0x1, v2;
	vm0 =	vne.s32 v14, $0x0  }
.Ltmp9:
0x1db: {  	v22 =	vsel vm3, $0x1, v2;
	v17 =	vadd.s32 v15, v17;
	v12 =	vld [tilespmem:s14+$0xFFFFFFA0];
	v10 =	vadd.s32 v16, v10;
	(pc) =	sbr.rel @p0 .LBB2_12-.Ltmp9, $4  }
0x1dc: {  	vm1 =	vne.s32 v11, $0x0;
	v15 =	vld [tilespmem:s14+$0xFFFFFFB0];
	v11 =	vsel vm2, $0x1, v2;
	v10 =	vadd.s32 v8, v10  }
0x1dd: {  	v18 =	vsel vm1, $0x1, v2;
	v16 =	vld [tilespmem:s14+$0xFFFFFFC0];
	vm1 =	vne.s32 v19, $0x0;
	v9 =	vadd.s32 v11, v9  }
0x1de: {  	v11 =	vsel vm0, $0x1, v2;
	v14 =	vld [tilespmem:s14+$0xFFFFFFD0];
	vm3 =	vne.s32 v20, $0x0;
	v8 =	vsel vm1, $0x1, v2  }
0x1df: {  	v17 =	vadd.s32 v21, v17;
	s14 =	sadd.s32 $0x200, s14;
	v3 =	vadd.s32 v11, v3;
	v9 =	vadd.s32 v22, v9  }
0x1e0: {  	v19 =	vld [tilespmem:s2+$0x0]  }
0x1e1: {  	v11 =	vimm.s32 $0x0;
	vm0 =	vne.s32 v13, $0x0;
	v13 =	vld [tilespmem:s2+$0xFFFFFFE0]  }
0x1e2: {  	v18 =	vadd.s32 v18, v3;
	vm2 =	vne.s32 v12, $0x0;
	v12 =	vld [tilespmem:s2+$0xFFFFFFF0];
	vm1 =	vne.s32 v15, $0x0  }
0x1e3: {  	v21 =	vld [tilespmem:s2+$0xFFFFFFB0];
	v15 =	vsel vm0, $0x1, v2;
	vm4 =	vne.s32 v16, $0x0;
	v3 =	vsel vm1, $0x1, v2  }
0x1e4: {  	v22 =	vld [tilespmem:s2+$0xFFFFFFA0];
	v20 =	vsel vm4, $0x1, v2;
	vm7 =	vne.s32 v14, $0x0;
	v14 =	vadd.s32 v3, v17  }
0x1e5: {  	v16 =	vld [tilespmem:s2+$0xFFFFFF90];
	v3 =	vadd.s32 v20, v10;
	v10 =	vsel vm3, $0x1, v2;
	v20 =	vsel vm2, $0x1, v2  }
0x1e6: {  	v17 =	vld [tilespmem:s2+$0xFFFFFFC0];
	v3 =	vadd.s32 v8, v3;
	v9 =	vadd.s32 v20, v9;
	v8 =	vsel vm7, $0x1, v2  }
0x1e7: {  	vm8 =	vne.s32 v12, $0x0;
	vm9 =	vne.s32 v19, $0x0;
	vm11 =	vne.s32 v13, $0x0  }
0x1e8: {  	s0 =	simm.s32 $0xB70;
	vm13 =	vne.s32 v21, $0x0;
	v10 =	vadd.s32 v10, v9;
	v9 =	vadd.s32 v15, v14;
	v15 =	vld [tilespmem:s2+$0xFFFFFFD0]  }
0x1e9: {  	v12 =	vld [tilespmem:s0+$0x0];
	vm14 =	vne.s32 v22, $0x0;
	v8 =	vadd.s32 v8, v18;
	v14 =	vsel vm8, $0x1, v2  }
0x1ea: {  	v13 =	vld [tilespmem:s0+$0xFFFFFFE0];
	v22 =	vsel vm13, $0x1, v2;
	v23 =	vsel vm14, $0x1, v2;
	vm10 =	vne.s32 v16, $0x0  }
0x1eb: {  	v18 =	vld [tilespmem:s0+$0xFFFFFFF0];
	v25 =	vsel vm11, $0x1, v2;
	v16 =	vsel vm10, $0x1, v2;
	vm12 =	vne.s32 v17, $0x0  }
0x1ec: {  	v19 =	vld [tilespmem:s0+$0xFFFFFF90];
	v23 =	vadd.s32 v23, v11;
	v20 =	vadd.s32 v16, v11;
	v16 =	vsel vm12, $0x1, v2  }
0x1ed: {  	v17 =	vsel vm9, $0x1, v2;
	v21 =	vadd.s32 v16, v11;
	v16 =	vld [tilespmem:s0+$0xFFFFFFC0];
	vm15 =	vne.s32 v15, $0x0  }
0x1ee: {  	s14 =	simm.s32 $0x2;
	v15 =	vadd.s32 v17, v21;
	v17 =	vld [tilespmem:s0+$0xFFFFFFB0];
	v21 =	vimm.s32 $0x0;
	v24 =	vsel vm15, $0x1, v2  }
.LBB2_14:
0x1ef: {  	s14 =	sadd.s32 $0x2, s14;
	v26 =	vld [tilespmem:s0+$0xFFFFFFA0];
	v21 =	vadd.s32 v22, v21;
	v20 =	vadd.s32 v24, v20;
	v23 =	vadd.s32 v25, v23;
	s2 =	simm.s32 $0x9F0  }
0x1f0: {  	vm1 =	vne.s32 v12, $0x0;
	p0 =	slt.u32 s14, $0x1E;
	v24 =	vld [tilespmem:s0+$0xFFFFFFD0];
	vm0 =	vne.s32 v18, $0x0;
	s0 =	sadd.s32 $0x200, s0;
	v21 =	vadd.s32 v14, v21  }
0x1f1: {  	vm3 =	vne.s32 v13, $0x0;
	v12 =	vld [tilespmem:s0+$0x0];
	vm2 =	vne.s32 v19, $0x0;
	v14 =	vsel vm0, $0x1, v2  }
.Ltmp10:
0x1f2: {  	v25 =	vsel vm1, $0x1, v2;
	v13 =	vld [tilespmem:s0+$0xFFFFFFE0];
	v19 =	vsel vm2, $0x1, v2;
	vm0 =	vne.s32 v16, $0x0;
	(pc) =	sbr.rel @p0 .LBB2_14-.Ltmp10, $4  }
0x1f3: {  	v18 =	vld [tilespmem:s0+$0xFFFFFFF0];
	v20 =	vadd.s32 v19, v20;
	vm1 =	vne.s32 v17, $0x0;
	v16 =	vsel vm0, $0x1, v2  }
0x1f4: {  	v19 =	vld [tilespmem:s0+$0xFFFFFF90];
	vm0 =	vne.s32 v26, $0x0;
	v22 =	vsel vm1, $0x1, v2;
	v15 =	vadd.s32 v16, v15  }
0x1f5: {  	v16 =	vld [tilespmem:s0+$0xFFFFFFC0];
	v26 =	vsel vm0, $0x1, v2;
	vm0 =	vne.s32 v24, $0x0;
	v15 =	vadd.s32 v25, v15  }
0x1f6: {  	v25 =	vsel vm3, $0x1, v2;
	v17 =	vld [tilespmem:s0+$0xFFFFFFB0];
	v23 =	vadd.s32 v26, v23;
	v24 =	vsel vm0, $0x1, v2  }
0x1f7: {  	v26 =	vld [tilespmem:s0+$0xFFFFFFA0]  }
0x1f8: {  	v21 =	vadd.s32 v22, v21;
	v22 =	vadd.s32 v25, v23;
	v23 =	vld [tilespmem:s0+$0xFFFFFFD0]  }
0x1f9: {  	v20 =	vadd.s32 v24, v20;
	v24 =	vld [tilespmem:s2+$0xFFFFFF90]  }
0x1fa: {  	vm1 =	vne.s32 v12, $0x0;
	vm3 =	vne.s32 v13, $0x0;
	v25 =	vld [tilespmem:s2+$0xFFFFFFB0];
	vm0 =	vne.s32 v18, $0x0  }
0x1fb: {  	v14 =	vadd.s32 v14, v21;
	v13 =	vsel vm1, $0x1, v2;
	vm2 =	vne.s32 v19, $0x0  }
0x1fc: {  	v21 =	vld [tilespmem:s2+$0xFFFFFFE0];
	v18 =	vsel vm0, $0x1, v2;
	v12 =	vsel vm2, $0x1, v2;
	vm4 =	vne.s32 v16, $0x0  }
0x1fd: {  	v16 =	vadd.s32 v12, v20;
	vm5 =	vne.s32 v17, $0x0;
	v12 =	vsel vm4, $0x1, v2  }
0x1fe: {  	v19 =	vld [tilespmem:s2+$0x0];
	vm6 =	vne.s32 v26, $0x0;
	v20 =	vsel vm5, $0x1, v2;
	v12 =	vadd.s32 v12, v15  }
0x1ff: {  	v17 =	vld [tilespmem:s2+$0xFFFFFFF0];
	vm7 =	vne.s32 v23, $0x0;
	vm10 =	vne.s32 v24, $0x0;
	vm13 =	vne.s32 v25, $0x0  }
0x200: {  	v23 =	vld [tilespmem:s2+$0xFFFFFFC0];
	v15 =	vsel vm6, $0x1, v2;
	v12 =	vadd.s32 v13, v12;
	v13 =	vsel vm7, $0x1, v2  }
0x201: {  	v14 =	vadd.s32 v20, v14;
	v20 =	vld [tilespmem:s2+$0xFFFFFFA0];
	vm11 =	vne.s32 v21, $0x0;
	v25 =	vsel vm13, $0x1, v2  }
0x202: {  	s0 =	simm.s32 $0xBF0;
	v26 =	vld [tilespmem:s2+$0xFFFFFFD0];
	v15 =	vadd.s32 v15, v22;
	v22 =	vsel vm3, $0x1, v2;
	v13 =	vadd.s32 v13, v16  }
0x203: {  	v21 =	vld [tilespmem:s0+$0xFFFFFFF0];
	v14 =	vadd.s32 v18, v14;
	vm9 =	vne.s32 v19, $0x0;
	v19 =	vsel vm10, $0x1, v2  }
0x204: {  	v16 =	vld [tilespmem:s0+$0x0];
	v28 =	vsel vm11, $0x1, v2;
	v15 =	vadd.s32 v22, v15;
	vm8 =	vne.s32 v17, $0x0  }
0x205: {  	v24 =	vadd.s32 v19, v11;
	v22 =	vld [tilespmem:s0+$0xFFFFFF90];
	v18 =	vsel vm8, $0x1, v2;
	vm12 =	vne.s32 v23, $0x0  }
0x206: {  	v17 =	vld [tilespmem:s0+$0xFFFFFFE0];
	v23 =	vsel vm9, $0x1, v2;
	v19 =	vsel vm12, $0x1, v2;
	vm14 =	vne.s32 v20, $0x0  }
0x207: {  	vm15 =	vne.s32 v26, $0x0;
	v20 =	vld [tilespmem:s0+$0xFFFFFFC0];
	v19 =	vadd.s32 v19, v11;
	v27 =	vsel vm14, $0x1, v2  }
0x208: {  	s2 =	simm.s32 $0x2;
	v19 =	vadd.s32 v23, v19;
	v23 =	vld [tilespmem:s0+$0xFFFFFFB0];
	v26 =	vadd.s32 v27, v11;
	v27 =	vsel vm15, $0x1, v2  }
.LBB2_16:
0x209: {  	s2 =	sadd.s32 $0x2, s2;
	v29 =	vld [tilespmem:s0+$0xFFFFFFA0];
	v11 =	vadd.s32 v25, v11;
	v24 =	vadd.s32 v27, v24;
	v26 =	vadd.s32 v28, v26  }
0x20a: {  	vm1 =	vne.s32 v16, $0x0;
	p0 =	slt.u32 s2, $0x1E;
	v27 =	vld [tilespmem:s0+$0xFFFFFFD0];
	vm0 =	vne.s32 v21, $0x0;
	s0 =	sadd.s32 $0x200, s0;
	v11 =	vadd.s32 v18, v11  }
0x20b: {  	vm3 =	vne.s32 v17, $0x0;
	v16 =	vld [tilespmem:s0+$0x0];
	vm2 =	vne.s32 v22, $0x0;
	v18 =	vsel vm0, $0x1, v2  }
.Ltmp11:
0x20c: {  	v28 =	vsel vm1, $0x1, v2;
	v17 =	vld [tilespmem:s0+$0xFFFFFFE0];
	v22 =	vsel vm2, $0x1, v2;
	vm0 =	vne.s32 v20, $0x0;
	(pc) =	sbr.rel @p0 .LBB2_16-.Ltmp11, $4  }
0x20d: {  	v21 =	vld [tilespmem:s0+$0xFFFFFFF0];
	v24 =	vadd.s32 v22, v24;
	vm1 =	vne.s32 v23, $0x0;
	v20 =	vsel vm0, $0x1, v2  }
0x20e: {  	v22 =	vld [tilespmem:s0+$0xFFFFFF90];
	vm0 =	vne.s32 v29, $0x0;
	v25 =	vsel vm1, $0x1, v2;
	v19 =	vadd.s32 v20, v19  }
0x20f: {  	v20 =	vld [tilespmem:s0+$0xFFFFFFC0];
	v29 =	vsel vm0, $0x1, v2;
	vm0 =	vne.s32 v27, $0x0;
	v19 =	vadd.s32 v28, v19  }
0x210: {  	v28 =	vsel vm3, $0x1, v2;
	v23 =	vld [tilespmem:s0+$0xFFFFFFB0];
	v26 =	vadd.s32 v29, v26;
	v27 =	vsel vm0, $0x1, v2  }
0x211: {  	v11 =	vadd.s32 v25, v11;
	v24 =	vadd.s32 v27, v24;
	v42 =	vadd.s32 v28, v26  }
0x212: {  	vm1 =	vne.s32 v16, $0x0;
	vm3 =	vne.s32 v17, $0x0;
	v5 =	vadd.s32 v5, v6  }
0x213: {  	v29 =	vld [tilespmem:s0+$0xFFFFFFA0];
	v53 =	vadd.s32 v8, v10;
	v55 =	vadd.s32 v13, v15;
	vm0 =	vne.s32 v21, $0x0  }
0x214: {  	v43 =	vld [tilespmem:s0+$0xFFFFFFD0];
	v11 =	vadd.s32 v18, v11;
	v46 =	vsel vm1, $0x1, v2;
	v51 =	vsel vm3, $0x1, v2  }
0x215: {  	v5 =	vadd.s32 v7, v5;
	v54 =	vadd.s32 v9, v53;
	vm2 =	vne.s32 v22, $0x0  }
0x216: {  	v56 =	vadd.s32 v14, v55;
	v44 =	vsel vm0, $0x1, v2;
	v45 =	vsel vm2, $0x1, v2  }
0x217: {  	v4 =	vadd.s32 v4, v5;
	vm8 =	vne.s32 v20, $0x0;
	v17 =	vadd.s32 v45, v24  }
0x218: {  	vm9 =	vne.s32 v23, $0x0;
	v20 =	vsel vm8, $0x1, v2;
	vm10 =	vne.s32 v29, $0x0  }
0x219: {  	v47 =	vsel vm9, $0x1, v2;
	vm11 =	vne.s32 v43, $0x0;
	v48 =	vsel vm10, $0x1, v2  }
0x21a: {  	v19 =	vadd.s32 v20, v19;
	v50 =	vsel vm11, $0x1, v2;
	v49 =	vadd.s32 v48, v42  }
0x21b: {  	v11 =	vadd.s32 v47, v11;
	v17 =	vadd.s32 v50, v17;
	v20 =	vadd.s32 v51, v49  }
0x21c: {  	v3 =	vadd.s32 v3, v54;
	(xrf0) =	vadd.scan.msk.s32 $0xffff, v4;
	v52 =	vadd.s32 v44, v11;
	v57 =	vadd.s32 v17, v20  }
0x21d: {  	(xrf0) =	vadd.scan.msk.s32 $0xffff, v3;
	v3 =	vadd.s32 v12, v56;
	v58 =	vadd.s32 v46, v19;
	v59 =	vadd.s32 v52, v57  }
0x21e: {  	(xrf0) =	vadd.scan.msk.s32 $0xffff, v3;
	v3 =	vadd.s32 v58, v59  }
0x21f: {  	(xrf0) =	vadd.scan.msk.s32 $0xffff, v3;
	_ =	sdelay $0x2  }
0x220: {  	v3, _, _ =	vpop (xrf0)  }
0x221: {  	v60, _, _ =	vpop (xrf0);
	v3 =	vbroadcast v3, $0xF  }
0x222: {  	vm12 =	vmmov $0x1;
	v61, _, _ =	vpop (xrf0);
	v4 =	vbroadcast v60, $0xF  }
0x223: {  	vm13 =	vcmask $0x310;
	v3 =	vnsel vm12, $0x0, v3;
	v5 =	vbroadcast v61, $0xF;
	v62, _, _ =	vpop (xrf0)  }
0x224: {  	vm14 =	vcmask $0x710;
	v3 =	vsel vm13, v3, v4;
	v63 =	vbroadcast v62, $0xF  }
0x225: {  	vm15 =	vcmask $0xB10;
	v3 =	vsel vm14, v3, v5  }
0x226: {  	v3 =	vsel vm15, v3, v63  }
0x227: {  	s31 =	simm.s32 $0x2800;
	[tilespmem:$0x2800] =	vst v3  }
0x228: {  	[hbm4b:s11+s3] =	stream.linear.scatter [tilespmem:s31], [sflag:$0x3], $0x80, $0x38;
	[tilespmem:$0x2880] =	vst v63  }
0x229: {  	_ =	swait.ge [sflag:s26], $0x80  }
0x22a: {  	[sflag:s26] =	ssyncset.done $0x0  }
0x22b: {  	s29 =	sadd.s32 $0x1, s29;
	[sflag:s26] =	ssyncadd.s32 $0xFFFFFF80  }
0x22c: {  	p0 =	sne.s32 s29, s12;
	_ =	swait.ge [sflag:s23], $0x2000  }
.Ltmp12:
0x22d: {  	[sflag:s23] =	ssyncset.done $0x0;
	(pc) =	sbr.rel @p0 .LBB2_1-.Ltmp12, $4  }
0x22e: {  	[sflag:s23] =	ssyncadd.s32 $0xFFFFE000  }
0x22f: {  	_ =	swait.ge [sflag:s28], $0x400  }
0x230: {  	[sflag:s28] =	ssyncset.done $0x0  }
0x231: {  	[sflag:s28] =	ssyncadd.s32 $0xFFFFFC00  }
0x232: {  	_ =	sfence.sel $0x180000  }
0x233: {  	[bflag:$0x0] =	sbarrier.arrive $0xFFFF  }
0x234: {  	_ =	strace $0x90000047  }
0x235: {  	s0 =	stileid.u32;
	[bflag:$0x2] =	sbarrier.arrive $0xFFFF  }
0x236: {  	p0 =	sne.s32 s0, $0x0;
	s0 =	rddreg [dreg:$0x4]  }
0x237: {  	s0 =	sadd.s32 @!p0 $0x100000, s0  }
0x238: {  	[sflag:s0] =	ssyncadd.tile.s32 @!p0 $0x1;
	_ =	shalt  }
.Lfunc_end2:
_tile_overlayer_lowered:
.L_overlay_start_2:
0x239: {  	(tag) =	ssettag $0x2  }
0x23a: {  	s0 =	rddreg [dreg:$0x0];
	s2 =	stileid.u32  }
0x23b: {  	s1 =	rddreg [dreg:$0x1];
	p0 =	sne.s32 s2, $0x0  }
0x23c: {  	s3 =	rddreg [dreg:$0x2];
	[bflag:$0x3] =	sbarrier.arrive $0xFFFF;
	s2 =	simm.s32 @!p0 $0x1C03  }
0x23d: {  	[timem:s3], [sflag:s2] =	dma.local @!p0 [hbm:s0], s1  }
0x23e: {  	s0 =	simm.s32 @!p0 $0x3  }
0x23f: {  	_ =	swait.ge @!p0 [sflag:s0], s1  }
0x240: {  	s1 =	ssub.s32 @!p0 $0x0, s1;
	[sflag:s0] =	ssyncset.done @!p0 $0x0  }
0x241: {  	[sflag:s0] =	ssyncadd.s32 @!p0 s1  }
0x242: {  	[bflag:$0x3] =	sbarrier.arrive $0xFFFF  }
0x243: {  	_ =	shalt  }

</sc_bundles>
